<compile_context>
chip_gen: v7x
topology: tpu7x:2x2x1
jax: 0.10.2.dev20260603
libtpu: 0.0.44.dev20260713+nightly
codegen_flags: <defaults>
</compile_context>

<pallas_src>
import functools

import jax
import jax.numpy as jnp
from jax import lax
from jax.experimental import pallas as pl
from jax.experimental.pallas import tpu as pltpu
from jax.experimental.pallas import tpu_sc as plsc

B, N, E, BETA = 8, 1024, 2048, 16
HID = 128
NC, NS = 2, 16
NW = NC * NS
EPW = (B * E) // NW
CHUNK = 128
NCHUNK = EPW // CHUNK
RPW = (B * N) // NW

@functools.cache
def _sc_mesh():
    return plsc.VectorSubcoreMesh(core_axis_name="c", subcore_axis_name="s",
                                  num_cores=NC, num_subcores=NS)


@functools.cache
def _efeat_sc_build():
    return pl.kernel(
        _efeat_sc_body,
        mesh=_sc_mesh(),
        out_type=jax.ShapeDtypeStruct((B, 4, E), jnp.float32),
        scratch_types=[
            pltpu.VMEM((2 * N,), jnp.float32),
            pltpu.VMEM((EPW,), jnp.int32),
            pltpu.VMEM((EPW,), jnp.int32),
            pltpu.VMEM((4, EPW), jnp.float32),
        ],
        compiler_params=pltpu.CompilerParams(needs_layout_passes=False),
    )


def _efeat_sc_body(x_hbm, ei_hbm, out_hbm, xv, sv, dv, ev):
    c = lax.axis_index("c")
    s = lax.axis_index("s")
    wid = s * NC + c
    g = wid // (E // EPW)
    q = wid % (E // EPW)
    pltpu.sync_copy(x_hbm.at[g], xv)
    pltpu.sync_copy(ei_hbm.at[g, 0, pl.ds(q * EPW, EPW)], sv)
    pltpu.sync_copy(ei_hbm.at[g, 1, pl.ds(q * EPW, EPW)], dv)

    def body(k, carry):
        sl = pl.ds(k * 16, 16)
        isrc = sv[sl] * 2
        idst = dv[sl] * 2
        ev[0, sl] = plsc.load_gather(xv, [isrc])
        ev[1, sl] = plsc.load_gather(xv, [isrc + 1])
        ev[2, sl] = plsc.load_gather(xv, [idst])
        ev[3, sl] = plsc.load_gather(xv, [idst + 1])
        return carry

    lax.fori_loop(0, EPW // 16, body, 0)
    for i in range(4):
        pltpu.sync_copy(ev.at[i], out_hbm.at[g, i, pl.ds(q * EPW, EPW)])


@functools.cache
def _msg_sc_build():
    return pl.kernel(
        _msg_sc_body,
        mesh=_sc_mesh(),
        out_type=jax.ShapeDtypeStruct((B * E, HID), jnp.float32),
        scratch_types=[
            pltpu.VMEM((EPW,), jnp.int32),
            pltpu.VMEM((CHUNK, HID), jnp.float32),
            pltpu.VMEM((CHUNK, HID), jnp.float32),
            pltpu.SemaphoreType.DMA,
            pltpu.SemaphoreType.DMA,
            pltpu.SemaphoreType.DMA,
        ],
    )


def _msg_sc_body(h_hbm, src_hbm, out_hbm, siv, gv0, gv1, sem0, sem1, semw):
    c = lax.axis_index("c")
    s = lax.axis_index("s")
    wid = s * NC + c
    base = wid * EPW
    pltpu.sync_copy(src_hbm.at[pl.ds(base, EPW)], siv)
    bufs = (gv0, gv1)
    sems = (sem0, sem1)
    copies = [None] * NCHUNK
    copies[0] = pltpu.async_copy(h_hbm.at[siv.at[pl.ds(0, CHUNK)]], gv0, sem0)
    writes = []
    waited = 0
    for j in range(NCHUNK):
        if j + 1 < NCHUNK:
            if j >= 1:
                writes[j - 1].wait()
                waited = j
            copies[j + 1] = pltpu.async_copy(
                h_hbm.at[siv.at[pl.ds((j + 1) * CHUNK, CHUNK)]],
                bufs[(j + 1) % 2], sems[(j + 1) % 2])
        copies[j].wait()
        writes.append(pltpu.async_copy(
            bufs[j % 2], out_hbm.at[pl.ds(base + j * CHUNK, CHUNK)], semw))
    for w in writes[waited:]:
        w.wait()


def _h0_body(xt_ref, nw, nb, h0_ref):
    xt = xt_ref[0]
    nw_v = nw[...]
    h0_ref[0] = (xt[0][:, None] * nw_v[0][None, :]
                 + xt[1][:, None] * nw_v[1][None, :] + nb[...])


def _h0_tc(xt, nw, nb):
    return pl.pallas_call(
        _h0_body,
        grid=(B,),
        in_specs=[
            pl.BlockSpec((1, 2, N), lambda b: (b, 0, 0)),
            _full(nw.shape), _full(nb.shape),
        ],
        out_specs=pl.BlockSpec((1, N, HID), lambda b: (b, 0, 0)),
        out_shape=jax.ShapeDtypeStruct((B, N, HID), jnp.float32),
    )(xt, nw, nb)


def _dense_body(scb_ref, eft_ref,
                e1w1, e1b1, e1w2, e1b2, w1a, w1b, e2b1, e2w2, e2b2,
                e4w1, e4b1, e4w2, e4b2,
                ea_ref):
    scb_abs = jnp.abs(scb_ref[0])
    eft = eft_ref[0]
    cols = [jnp.sum(scb_abs * eft[i][None, :], axis=1, keepdims=True)
            for i in range(4)]
    sm = jnp.concatenate(cols, axis=1)
    t1 = jnp.maximum(jnp.dot(sm, e1w1[...], preferred_element_type=jnp.float32)
                     + e1b1[...], 0.0)
    h1 = jnp.dot(t1, e1w2[...], preferred_element_type=jnp.float32) + e1b2[...]
    base = jnp.dot(h1, w1a[...], preferred_element_type=jnp.float32) + e2b1[...]
    w1b_v = w1b[...]
    efp = (eft[0][:, None] * w1b_v[0][None, :]
           + eft[1][:, None] * w1b_v[1][None, :]
           + eft[2][:, None] * w1b_v[2][None, :]
           + eft[3][:, None] * w1b_v[3][None, :])
    acc = jnp.zeros((E, HID), jnp.float32)
    for k in range(BETA):
        pre = base[k][None, :] + scb_abs[k][:, None] * efp
        acc = acc + jnp.maximum(pre, 0.0)
    emb = jnp.dot(acc, e2w2[...], preferred_element_type=jnp.float32) \
        + BETA * e2b2[...]
    t4 = jnp.maximum(jnp.dot(emb, e4w1[...], preferred_element_type=jnp.float32)
                     + e4b1[...], 0.0)
    ea_ref[0] = jnp.dot(t4, e4w2[...], preferred_element_type=jnp.float32) \
        + e4b2[...]


def _full(shape):
    nd = len(shape)
    return pl.BlockSpec(shape, lambda b, _nd=nd: (0,) * _nd)


def _dense_tc(scb, eft, e1w1, e1b1, e1w2, e1b2, w1a, w1b, e2b1,
              e2w2, e2b2, e4w1, e4b1, e4w2, e4b2):
    return pl.pallas_call(
        _dense_body,
        grid=(B,),
        in_specs=[
            pl.BlockSpec((1, BETA, E), lambda b: (b, 0, 0)),
            pl.BlockSpec((1, 4, E), lambda b: (b, 0, 0)),
            _full(e1w1.shape), _full(e1b1.shape), _full(e1w2.shape),
            _full(e1b2.shape), _full(w1a.shape), _full(w1b.shape),
            _full(e2b1.shape), _full(e2w2.shape), _full(e2b2.shape),
            _full(e4w1.shape), _full(e4b1.shape), _full(e4w2.shape),
            _full(e4b2.shape),
        ],
        out_specs=pl.BlockSpec((1, E, HID), lambda b: (b, 0, 0)),
        out_shape=jax.ShapeDtypeStruct((B, E, HID), jnp.float32),
    )(scb, eft, e1w1, e1b1, e1w2, e1b2, w1a, w1b, e2b1, e2w2,
      e2b2, e4w1, e4b1, e4w2, e4b2)


_KT = 256


def _seg_sum(gath, ea, dstv):
    agg = jnp.zeros((N, HID), jnp.float32)
    iota_n = lax.broadcasted_iota(jnp.int32, (_KT, N), 1)
    for k in range(E // _KT):
        dk = dstv[k * _KT:(k + 1) * _KT]
        m = (dk[:, None] == iota_n).astype(jnp.bfloat16)
        msg = jnp.maximum(gath[k * _KT:(k + 1) * _KT, :]
                          + ea[k * _KT:(k + 1) * _KT, :], 0.0)
        agg = agg + lax.dot_general(
            m, msg.astype(jnp.bfloat16), (((0,), (0,)), ((), ())),
            preferred_element_type=jnp.float32)
    return agg


def _layer_body(h_ref, msg_ref, ea_ref, dst_ref, w1, b1, w2, b2, out_ref):
    agg = _seg_sum(msg_ref[0], ea_ref[0], dst_ref[0, 0])
    z = h_ref[...] + agg
    t = jnp.maximum(jnp.dot(z, w1[...], preferred_element_type=jnp.float32)
                    + b1[...], 0.0)
    out_ref[...] = jnp.dot(t, w2[...], preferred_element_type=jnp.float32) \
        + b2[...]


def _layer_tc(h, msg, ea, dstl, w1, b1, w2, b2):
    return pl.pallas_call(
        _layer_body,
        grid=(B,),
        in_specs=[
            pl.BlockSpec((N, HID), lambda b: (b, 0)),
            pl.BlockSpec((1, E, HID), lambda b: (b, 0, 0)),
            pl.BlockSpec((1, E, HID), lambda b: (b, 0, 0)),
            pl.BlockSpec((1, 1, E), lambda b: (b, 0, 0)),
            _full(w1.shape), _full(b1.shape), _full(w2.shape), _full(b2.shape),
        ],
        out_specs=pl.BlockSpec((N, HID), lambda b: (b, 0)),
        out_shape=jax.ShapeDtypeStruct((B * N, HID), jnp.float32),
    )(h, msg, ea, dstl, w1, b1, w2, b2)


def _final_body(h_ref, msg_ref, ea_ref, dst_ref, w1, b1, w2, b2, ow, ob, out_ref):
    agg = _seg_sum(msg_ref[0], ea_ref[0], dst_ref[0, 0])
    z = h_ref[...] + agg
    t = jnp.maximum(jnp.dot(z, w1[...], preferred_element_type=jnp.float32)
                    + b1[...], 0.0)
    h2 = jnp.dot(t, w2[...], preferred_element_type=jnp.float32) + b2[...]
    hm = jnp.mean(h2, axis=0, keepdims=True)
    out_ref[0] = jnp.dot(hm, ow[...], preferred_element_type=jnp.float32) \
        + ob[...]


def _final_tc(h, msg, ea, dstl, w1, b1, w2, b2, ow, ob):
    return pl.pallas_call(
        _final_body,
        grid=(B,),
        in_specs=[
            pl.BlockSpec((N, HID), lambda b: (b, 0)),
            pl.BlockSpec((1, E, HID), lambda b: (b, 0, 0)),
            pl.BlockSpec((1, E, HID), lambda b: (b, 0, 0)),
            pl.BlockSpec((1, 1, E), lambda b: (b, 0, 0)),
            _full(w1.shape), _full(b1.shape), _full(w2.shape), _full(b2.shape),
            _full(ow.shape), _full(ob.shape),
        ],
        out_specs=pl.BlockSpec((1, 1, HID), lambda b: (b, 0, 0)),
        out_shape=jax.ShapeDtypeStruct((B, 1, HID), jnp.float32),
    )(h, msg, ea, dstl, w1, b1, w2, b2, ow, ob)


def kernel(x, edge_index, scb, enc1_W1, enc1_b1, enc1_W2, enc1_b2,
           enc2_W1, enc2_b1, enc2_W2, enc2_b2, enc4_W1, enc4_b1, enc4_W2,
           enc4_b2, node_W, node_b, gnn_W1, gnn_b1, gnn_W2, gnn_b2,
           out_W, out_b):
    ei = edge_index.astype(jnp.int32)
    eft = _efeat_sc_build()(x.reshape(B, 2 * N), ei)
    offs = (jnp.arange(B, dtype=jnp.int32) * N)[:, None]
    src_f = (ei[:, 0, :] + offs).reshape(-1)
    dstl = ei[:, 1, :].reshape(B, 1, E)

    xt = x.transpose(0, 2, 1)
    h = _h0_tc(xt, node_W, node_b.reshape(1, -1)).reshape(B * N, HID)
    gath = _msg_sc_build()(h, src_f)
    ea = _dense_tc(
        scb, eft,
        enc1_W1, enc1_b1.reshape(1, -1), enc1_W2, enc1_b2.reshape(1, -1),
        enc2_W1[:64], enc2_W1[64:], enc2_b1.reshape(1, -1),
        enc2_W2, enc2_b2.reshape(1, -1),
        enc4_W1, enc4_b1.reshape(1, -1), enc4_W2, enc4_b2.reshape(1, -1))

    for l in range(2):
        h = _layer_tc(h, gath.reshape(B, E, HID), ea, dstl,
                      gnn_W1[l], gnn_b1[l].reshape(1, -1),
                      gnn_W2[l], gnn_b2[l].reshape(1, -1))
        gath = _msg_sc_build()(h, src_f)
    out = _final_tc(h, gath.reshape(B, E, HID), ea, dstl,
                    gnn_W1[2], gnn_b1[2].reshape(1, -1),
                    gnn_W2[2], gnn_b2[2].reshape(1, -1),
                    out_W, out_b.reshape(1, -1))
    return out.reshape(B, HID)

# --- scband reference (transcript-rebuilt; emitter-appended) ---
"""Pipeline reference for scband-cycle-net-epd-16793322128016 (READ-ONLY COPY).

The authoritative reference and input builder live on the scoring server;
editing this copy changes nothing except your own understanding.
"""

import jax, jax.numpy as jnp
import numpy as np

B, N, E, BETA = 8, 1024, 2048, 16
NODE_FEAT, N_HID, N_OUT, NL = 2, 128, 128, 3


def _lin(k, i, o):
    return jax.random.normal(k, (i, o), dtype=jnp.float32) / np.sqrt(i)


def setup_inputs(seed: int = 0):
    key = jax.random.key(seed)
    ks = jax.random.split(key, 16)
    inp = {}
    inp["x"] = jax.random.normal(ks[0], (B, N, NODE_FEAT), dtype=jnp.float32)
    inp["edge_index"] = jax.random.randint(ks[1], (B, 2, E), 0, N)
    inp["scb"] = jax.random.normal(ks[2], (B, BETA, E), dtype=jnp.float32)
    inp["enc1_W1"] = _lin(ks[3], 4, 64); inp["enc1_b1"] = jnp.zeros((64,), jnp.float32)
    inp["enc1_W2"] = _lin(ks[4], 64, 64); inp["enc1_b2"] = jnp.zeros((64,), jnp.float32)
    inp["enc2_W1"] = _lin(ks[5], 68, 128); inp["enc2_b1"] = jnp.zeros((128,), jnp.float32)
    inp["enc2_W2"] = _lin(ks[6], 128, 128); inp["enc2_b2"] = jnp.zeros((128,), jnp.float32)
    inp["enc4_W1"] = _lin(ks[7], 128, N_HID); inp["enc4_b1"] = jnp.zeros((N_HID,), jnp.float32)
    inp["enc4_W2"] = _lin(ks[8], N_HID, N_HID); inp["enc4_b2"] = jnp.zeros((N_HID,), jnp.float32)
    inp["node_W"] = _lin(ks[9], NODE_FEAT, N_HID); inp["node_b"] = jnp.zeros((N_HID,), jnp.float32)
    inp["gnn_W1"] = jax.random.normal(ks[10], (NL, N_HID, N_HID), dtype=jnp.float32) / np.sqrt(N_HID)
    inp["gnn_b1"] = jnp.zeros((NL, N_HID), jnp.float32)
    inp["gnn_W2"] = jax.random.normal(ks[11], (NL, N_HID, N_HID), dtype=jnp.float32) / np.sqrt(N_HID)
    inp["gnn_b2"] = jnp.zeros((NL, N_HID), jnp.float32)
    inp["out_W"] = _lin(ks[12], N_HID, N_OUT); inp["out_b"] = jnp.zeros((N_OUT,), jnp.float32)
    return inp


def reference(x, edge_index, scb, enc1_W1, enc1_b1, enc1_W2, enc1_b2,
              enc2_W1, enc2_b1, enc2_W2, enc2_b2, enc4_W1, enc4_b1, enc4_W2, enc4_b2,
              node_W, node_b, gnn_W1, gnn_b1, gnn_W2, gnn_b2, out_W, out_b):
    # hodge cycle-basis embedding path (SCB encoders)
    SCB = jnp.abs(scb)                                   # [B, BETA, E]
    src = edge_index[:, 0, :]
    dst = edge_index[:, 1, :]
    x_src = jnp.take_along_axis(x, src[:, :, None], axis=1)   # [B, E, 2]
    x_dst = jnp.take_along_axis(x, dst[:, :, None], axis=1)   # [B, E, 2]
    e_feat = jnp.concatenate([x_src, x_dst], axis=-1)         # [B, E, 4]
    # SCB_feat[b, beta, e, i] = e_feat[b, e, i] * SCB[b, beta, e]; then transpose(1,2)
    L1 = jnp.transpose(SCB[:, :, :, None] * e_feat[:, None, :, :], (0, 2, 1, 3))  # [B, E, BETA, 4]
    s = L1.sum(axis=1)                                          # [B, BETA, 4]
    h1 = jax.nn.relu(s @ enc1_W1 + enc1_b1) @ enc1_W2 + enc1_b2  # [B, BETA, 64]
    scb_emb = jnp.broadcast_to(h1[:, None, :, :], (B, E, BETA, 64))
    cat = jnp.concatenate([scb_emb, L1], axis=-1)               # [B, E, BETA, 68]
    h2 = jax.nn.relu(cat @ enc2_W1 + enc2_b1) @ enc2_W2 + enc2_b2  # [B, E, BETA, 128]
    emb = h2.sum(axis=2)                                        # [B, E, 128]
    edge_attr = (jax.nn.relu(emb @ enc4_W1 + enc4_b1) @ enc4_W2 + enc4_b2).reshape(B * E, N_HID)
    # pad mask: graphs are uniform-sized here, so mask is all-True (padding no-op)
    # GINEConv-style GNN with mean pooling
    offs = (jnp.arange(B) * N)[:, None]
    src_f = (src + offs).reshape(-1)
    dst_f = (dst + offs).reshape(-1)
    h = x.reshape(B * N, NODE_FEAT) @ node_W + node_b
    for l in range(NL):
        msg = jax.nn.relu(h[src_f] + edge_attr)
        agg = jax.ops.segment_sum(msg, dst_f, num_segments=B * N)
        z = h + agg
        h = jax.nn.relu(z @ gnn_W1[l] + gnn_b1[l]) @ gnn_W2[l] + gnn_b2[l]
    out = (h @ out_W + out_b).reshape(B, N, N_OUT).mean(axis=1)  # [B, N_OUT]
    return out

if __name__ == "__main__":
    import jax
    _d = setup_inputs()
    print(jax.jit(kernel)(*tuple(_d.values())))

</pallas_src>

<mosaic_0001>
#map = affine_map<(d0, d1) -> (0, 0)>
#map1 = affine_map<(d0, d1) -> (0)>
module attributes {stable_mosaic.version = 14 : i64} {
  func.func @_msg_sc_body(%arg0: i32, %arg1: i32, %arg2: memref<8192x128xf32, #tpu.memory_space<hbm>>, %arg3: memref<16384xi32, #tpu.memory_space<hbm>>, %arg4: memref<16384x128xf32, #tpu.memory_space<hbm>>, %arg5: memref<512xi32, #tpu.memory_space<vmem>>, %arg6: memref<128x128xf32, #tpu.memory_space<vmem>>, %arg7: memref<128x128xf32, #tpu.memory_space<vmem>>, %arg8: memref<!tpu.dma_semaphore, #tpu.memory_space<semaphore_mem>>, %arg9: memref<!tpu.dma_semaphore, #tpu.memory_space<semaphore_mem>>, %arg10: memref<!tpu.dma_semaphore, #tpu.memory_space<semaphore_mem>>) attributes {dimension_semantics = [#tpu.dimension_semantics<core_parallel>, #tpu.dimension_semantics<subcore_parallel>], iteration_bounds = array<i64: 2, 16>, scalar_prefetch = 0 : i64, scratch_operands = 6 : i64, tpu.core_type = #tpu.core_type<sc_vector_subcore>, window_params = [{transform_indices = #map}, {transform_indices = #map1}, {transform_indices = #map}]} {
    %mul3A = arith.constant 2 : i32
    %mul3A_0 = arith.muli %arg1, %mul3A : i32
    %add3A = arith.addi %mul3A_0, %arg0 : i32
    %mul3A_1 = arith.constant 512 : i32
    %mul3A_2 = arith.muli %add3A, %mul3A_1 : i32
    "tpu.region"() ({
      %run_scoped3A = tpu.sem_alloc : memref<!tpu.dma_semaphore, #tpu.memory_space<semaphore_mem>>
      %dma_start3A_81 = tpu.memref_slice %arg3[%mul3A_2] : memref<16384xi32, #tpu.memory_space<hbm>> -> memref<512xi32, #tpu.memory_space<hbm>>
      %dma_start3A_82 = tpu.memref_slice %arg3[%mul3A_2] : memref<16384xi32, #tpu.memory_space<hbm>> -> memref<512xi32, #tpu.memory_space<hbm>>
      tpu.enqueue_dma source(%dma_start3A_82 : memref<512xi32, #tpu.memory_space<hbm>>) target(%arg5 : memref<512xi32, #tpu.memory_space<vmem>>) target_semaphore(%run_scoped3A : memref<!tpu.dma_semaphore, #tpu.memory_space<semaphore_mem>>)
      %dma_wait3A_83 = tpu.memref_slice %arg3[%mul3A_2] : memref<16384xi32, #tpu.memory_space<hbm>> -> memref<512xi32, #tpu.memory_space<hbm>>
      %dma_wait3A_84 = tpu.memref_slice %arg3[%mul3A_2] : memref<16384xi32, #tpu.memory_space<hbm>> -> memref<512xi32, #tpu.memory_space<hbm>>
      tpu.wait_dma2 semaphore(%run_scoped3A : memref<!tpu.dma_semaphore, #tpu.memory_space<semaphore_mem>>) src(%dma_wait3A_84 : memref<512xi32, #tpu.memory_space<hbm>>) dst(%arg5 : memref<512xi32, #tpu.memory_space<vmem>>)
      tpu.yield
    }) : () -> ()
    %dma_start3A = arith.constant 0 : i32
    %dma_start3A_3 = tpu.memref_slice %arg5[%dma_start3A] : memref<512xi32, #tpu.memory_space<vmem>> -> memref<128xi32, #tpu.memory_space<vmem>>
    %dma_start3A_4 = arith.constant 0 : i32
    %dma_start3A_5 = arith.constant 0 : i32
    %dma_start3A_6 = tpu.memref_slice %arg2[%dma_start3A_4, %dma_start3A_5] : memref<8192x128xf32, #tpu.memory_space<hbm>> -> memref<8192x128xf32, #tpu.memory_space<hbm>>
    tpu.enqueue_indirect_dma source(%dma_start3A_6 : memref<8192x128xf32, #tpu.memory_space<hbm>>) target(%arg6 : memref<128x128xf32, #tpu.memory_space<vmem>>) offsets(%dma_start3A_3 : memref<128xi32, #tpu.memory_space<vmem>>) semaphore(%arg8 : memref<!tpu.dma_semaphore, #tpu.memory_space<semaphore_mem>>)
    %dma_start3A_7 = arith.constant 128 : i32
    %dma_start3A_8 = tpu.memref_slice %arg5[%dma_start3A_7] : memref<512xi32, #tpu.memory_space<vmem>> -> memref<128xi32, #tpu.memory_space<vmem>>
    %dma_start3A_9 = arith.constant 0 : i32
    %dma_start3A_10 = arith.constant 0 : i32
    %dma_start3A_11 = tpu.memref_slice %arg2[%dma_start3A_9, %dma_start3A_10] : memref<8192x128xf32, #tpu.memory_space<hbm>> -> memref<8192x128xf32, #tpu.memory_space<hbm>>
    tpu.enqueue_indirect_dma source(%dma_start3A_11 : memref<8192x128xf32, #tpu.memory_space<hbm>>) target(%arg7 : memref<128x128xf32, #tpu.memory_space<vmem>>) offsets(%dma_start3A_8 : memref<128xi32, #tpu.memory_space<vmem>>) semaphore(%arg9 : memref<!tpu.dma_semaphore, #tpu.memory_space<semaphore_mem>>)
    %dma_wait3A = arith.constant 0 : i32
    %dma_wait3A_12 = tpu.memref_slice %arg5[%dma_wait3A] : memref<512xi32, #tpu.memory_space<vmem>> -> memref<128xi32, #tpu.memory_space<vmem>>
    %dma_wait3A_13 = arith.constant 0 : i32
    %dma_wait3A_14 = arith.constant 0 : i32
    %dma_wait3A_15 = tpu.memref_slice %arg2[%dma_wait3A_13, %dma_wait3A_14] : memref<8192x128xf32, #tpu.memory_space<hbm>> -> memref<8192x128xf32, #tpu.memory_space<hbm>>
    tpu.wait_indirect_dma semaphore(%arg8 : memref<!tpu.dma_semaphore, #tpu.memory_space<semaphore_mem>>) src(%dma_wait3A_15 : memref<8192x128xf32, #tpu.memory_space<hbm>>) dst(%arg6 : memref<128x128xf32, #tpu.memory_space<vmem>>)
    %add3A_16 = arith.constant 0 : i32
    %add3A_17 = arith.addi %mul3A_2, %add3A_16 : i32
    %dma_start3A_18 = arith.constant 0 : i32
    %dma_start3A_19 = tpu.memref_slice %arg4[%add3A_17, %dma_start3A_18] : memref<16384x128xf32, #tpu.memory_space<hbm>> -> memref<128x128xf32, #tpu.memory_space<hbm>>
    %dma_start3A_20 = arith.constant 0 : i32
    %dma_start3A_21 = tpu.memref_slice %arg4[%add3A_17, %dma_start3A_20] : memref<16384x128xf32, #tpu.memory_space<hbm>> -> memref<128x128xf32, #tpu.memory_space<hbm>>
    tpu.enqueue_dma source(%arg6 : memref<128x128xf32, #tpu.memory_space<vmem>>) target(%dma_start3A_21 : memref<128x128xf32, #tpu.memory_space<hbm>>) target_semaphore(%arg10 : memref<!tpu.dma_semaphore, #tpu.memory_space<semaphore_mem>>)
    %dma_wait3A_22 = arith.constant 0 : i32
    %dma_wait3A_23 = tpu.memref_slice %arg4[%add3A_17, %dma_wait3A_22] : memref<16384x128xf32, #tpu.memory_space<hbm>> -> memref<128x128xf32, #tpu.memory_space<hbm>>
    %dma_wait3A_24 = arith.constant 0 : i32
    %dma_wait3A_25 = tpu.memref_slice %arg4[%add3A_17, %dma_wait3A_24] : memref<16384x128xf32, #tpu.memory_space<hbm>> -> memref<128x128xf32, #tpu.memory_space<hbm>>
    tpu.wait_dma2 semaphore(%arg10 : memref<!tpu.dma_semaphore, #tpu.memory_space<semaphore_mem>>) src(%arg6 : memref<128x128xf32, #tpu.memory_space<vmem>>) dst(%dma_wait3A_25 : memref<128x128xf32, #tpu.memory_space<hbm>>)
    %dma_start3A_26 = arith.constant 256 : i32
    %dma_start3A_27 = tpu.memref_slice %arg5[%dma_start3A_26] : memref<512xi32, #tpu.memory_space<vmem>> -> memref<128xi32, #tpu.memory_space<vmem>>
    %dma_start3A_28 = arith.constant 0 : i32
    %dma_start3A_29 = arith.constant 0 : i32
    %dma_start3A_30 = tpu.memref_slice %arg2[%dma_start3A_28, %dma_start3A_29] : memref<8192x128xf32, #tpu.memory_space<hbm>> -> memref<8192x128xf32, #tpu.memory_space<hbm>>
    tpu.enqueue_indirect_dma source(%dma_start3A_30 : memref<8192x128xf32, #tpu.memory_space<hbm>>) target(%arg6 : memref<128x128xf32, #tpu.memory_space<vmem>>) offsets(%dma_start3A_27 : memref<128xi32, #tpu.memory_space<vmem>>) semaphore(%arg8 : memref<!tpu.dma_semaphore, #tpu.memory_space<semaphore_mem>>)
    %dma_wait3A_31 = arith.constant 128 : i32
    %dma_wait3A_32 = tpu.memref_slice %arg5[%dma_wait3A_31] : memref<512xi32, #tpu.memory_space<vmem>> -> memref<128xi32, #tpu.memory_space<vmem>>
    %dma_wait3A_33 = arith.constant 0 : i32
    %dma_wait3A_34 = arith.constant 0 : i32
    %dma_wait3A_35 = tpu.memref_slice %arg2[%dma_wait3A_33, %dma_wait3A_34] : memref<8192x128xf32, #tpu.memory_space<hbm>> -> memref<8192x128xf32, #tpu.memory_space<hbm>>
    tpu.wait_indirect_dma semaphore(%arg9 : memref<!tpu.dma_semaphore, #tpu.memory_space<semaphore_mem>>) src(%dma_wait3A_35 : memref<8192x128xf32, #tpu.memory_space<hbm>>) dst(%arg7 : memref<128x128xf32, #tpu.memory_space<vmem>>)
    %add3A_36 = arith.constant 128 : i32
    %add3A_37 = arith.addi %mul3A_2, %add3A_36 : i32
    %dma_start3A_38 = arith.constant 0 : i32
    %dma_start3A_39 = tpu.memref_slice %arg4[%add3A_37, %dma_start3A_38] : memref<16384x128xf32, #tpu.memory_space<hbm>> -> memref<128x128xf32, #tpu.memory_space<hbm>>
    %dma_start3A_40 = arith.constant 0 : i32
    %dma_start3A_41 = tpu.memref_slice %arg4[%add3A_37, %dma_start3A_40] : memref<16384x128xf32, #tpu.memory_space<hbm>> -> memref<128x128xf32, #tpu.memory_space<hbm>>
    tpu.enqueue_dma source(%arg7 : memref<128x128xf32, #tpu.memory_space<vmem>>) target(%dma_start3A_41 : memref<128x128xf32, #tpu.memory_space<hbm>>) target_semaphore(%arg10 : memref<!tpu.dma_semaphore, #tpu.memory_space<semaphore_mem>>)
    %dma_wait3A_42 = arith.constant 0 : i32
    %dma_wait3A_43 = tpu.memref_slice %arg4[%add3A_37, %dma_wait3A_42] : memref<16384x128xf32, #tpu.memory_space<hbm>> -> memref<128x128xf32, #tpu.memory_space<hbm>>
    %dma_wait3A_44 = arith.constant 0 : i32
    %dma_wait3A_45 = tpu.memref_slice %arg4[%add3A_37, %dma_wait3A_44] : memref<16384x128xf32, #tpu.memory_space<hbm>> -> memref<128x128xf32, #tpu.memory_space<hbm>>
    tpu.wait_dma2 semaphore(%arg10 : memref<!tpu.dma_semaphore, #tpu.memory_space<semaphore_mem>>) src(%arg7 : memref<128x128xf32, #tpu.memory_space<vmem>>) dst(%dma_wait3A_45 : memref<128x128xf32, #tpu.memory_space<hbm>>)
    %dma_start3A_46 = arith.constant 384 : i32
    %dma_start3A_47 = tpu.memref_slice %arg5[%dma_start3A_46] : memref<512xi32, #tpu.memory_space<vmem>> -> memref<128xi32, #tpu.memory_space<vmem>>
    %dma_start3A_48 = arith.constant 0 : i32
    %dma_start3A_49 = arith.constant 0 : i32
    %dma_start3A_50 = tpu.memref_slice %arg2[%dma_start3A_48, %dma_start3A_49] : memref<8192x128xf32, #tpu.memory_space<hbm>> -> memref<8192x128xf32, #tpu.memory_space<hbm>>
    tpu.enqueue_indirect_dma source(%dma_start3A_50 : memref<8192x128xf32, #tpu.memory_space<hbm>>) target(%arg7 : memref<128x128xf32, #tpu.memory_space<vmem>>) offsets(%dma_start3A_47 : memref<128xi32, #tpu.memory_space<vmem>>) semaphore(%arg9 : memref<!tpu.dma_semaphore, #tpu.memory_space<semaphore_mem>>)
    %dma_wait3A_51 = arith.constant 256 : i32
    %dma_wait3A_52 = tpu.memref_slice %arg5[%dma_wait3A_51] : memref<512xi32, #tpu.memory_space<vmem>> -> memref<128xi32, #tpu.memory_space<vmem>>
    %dma_wait3A_53 = arith.constant 0 : i32
    %dma_wait3A_54 = arith.constant 0 : i32
    %dma_wait3A_55 = tpu.memref_slice %arg2[%dma_wait3A_53, %dma_wait3A_54] : memref<8192x128xf32, #tpu.memory_space<hbm>> -> memref<8192x128xf32, #tpu.memory_space<hbm>>
    tpu.wait_indirect_dma semaphore(%arg8 : memref<!tpu.dma_semaphore, #tpu.memory_space<semaphore_mem>>) src(%dma_wait3A_55 : memref<8192x128xf32, #tpu.memory_space<hbm>>) dst(%arg6 : memref<128x128xf32, #tpu.memory_space<vmem>>)
    %add3A_56 = arith.constant 256 : i32
    %add3A_57 = arith.addi %mul3A_2, %add3A_56 : i32
    %dma_start3A_58 = arith.constant 0 : i32
    %dma_start3A_59 = tpu.memref_slice %arg4[%add3A_57, %dma_start3A_58] : memref<16384x128xf32, #tpu.memory_space<hbm>> -> memref<128x128xf32, #tpu.memory_space<hbm>>
    %dma_start3A_60 = arith.constant 0 : i32
    %dma_start3A_61 = tpu.memref_slice %arg4[%add3A_57, %dma_start3A_60] : memref<16384x128xf32, #tpu.memory_space<hbm>> -> memref<128x128xf32, #tpu.memory_space<hbm>>
    tpu.enqueue_dma source(%arg6 : memref<128x128xf32, #tpu.memory_space<vmem>>) target(%dma_start3A_61 : memref<128x128xf32, #tpu.memory_space<hbm>>) target_semaphore(%arg10 : memref<!tpu.dma_semaphore, #tpu.memory_space<semaphore_mem>>)
    %dma_wait3A_62 = arith.constant 384 : i32
    %dma_wait3A_63 = tpu.memref_slice %arg5[%dma_wait3A_62] : memref<512xi32, #tpu.memory_space<vmem>> -> memref<128xi32, #tpu.memory_space<vmem>>
    %dma_wait3A_64 = arith.constant 0 : i32
    %dma_wait3A_65 = arith.constant 0 : i32
    %dma_wait3A_66 = tpu.memref_slice %arg2[%dma_wait3A_64, %dma_wait3A_65] : memref<8192x128xf32, #tpu.memory_space<hbm>> -> memref<8192x128xf32, #tpu.memory_space<hbm>>
    tpu.wait_indirect_dma semaphore(%arg9 : memref<!tpu.dma_semaphore, #tpu.memory_space<semaphore_mem>>) src(%dma_wait3A_66 : memref<8192x128xf32, #tpu.memory_space<hbm>>) dst(%arg7 : memref<128x128xf32, #tpu.memory_space<vmem>>)
    %add3A_67 = arith.constant 384 : i32
    %add3A_68 = arith.addi %mul3A_2, %add3A_67 : i32
    %dma_start3A_69 = arith.constant 0 : i32
    %dma_start3A_70 = tpu.memref_slice %arg4[%add3A_68, %dma_start3A_69] : memref<16384x128xf32, #tpu.memory_space<hbm>> -> memref<128x128xf32, #tpu.memory_space<hbm>>
    %dma_start3A_71 = arith.constant 0 : i32
    %dma_start3A_72 = tpu.memref_slice %arg4[%add3A_68, %dma_start3A_71] : memref<16384x128xf32, #tpu.memory_space<hbm>> -> memref<128x128xf32, #tpu.memory_space<hbm>>
    tpu.enqueue_dma source(%arg7 : memref<128x128xf32, #tpu.memory_space<vmem>>) target(%dma_start3A_72 : memref<128x128xf32, #tpu.memory_space<hbm>>) target_semaphore(%arg10 : memref<!tpu.dma_semaphore, #tpu.memory_space<semaphore_mem>>)
    %dma_wait3A_73 = arith.constant 0 : i32
    %dma_wait3A_74 = tpu.memref_slice %arg4[%add3A_57, %dma_wait3A_73] : memref<16384x128xf32, #tpu.memory_space<hbm>> -> memref<128x128xf32, #tpu.memory_space<hbm>>
    %dma_wait3A_75 = arith.constant 0 : i32
    %dma_wait3A_76 = tpu.memref_slice %arg4[%add3A_57, %dma_wait3A_75] : memref<16384x128xf32, #tpu.memory_space<hbm>> -> memref<128x128xf32, #tpu.memory_space<hbm>>
    tpu.wait_dma2 semaphore(%arg10 : memref<!tpu.dma_semaphore, #tpu.memory_space<semaphore_mem>>) src(%arg6 : memref<128x128xf32, #tpu.memory_space<vmem>>) dst(%dma_wait3A_76 : memref<128x128xf32, #tpu.memory_space<hbm>>)
    %dma_wait3A_77 = arith.constant 0 : i32
    %dma_wait3A_78 = tpu.memref_slice %arg4[%add3A_68, %dma_wait3A_77] : memref<16384x128xf32, #tpu.memory_space<hbm>> -> memref<128x128xf32, #tpu.memory_space<hbm>>
    %dma_wait3A_79 = arith.constant 0 : i32
    %dma_wait3A_80 = tpu.memref_slice %arg4[%add3A_68, %dma_wait3A_79] : memref<16384x128xf32, #tpu.memory_space<hbm>> -> memref<128x128xf32, #tpu.memory_space<hbm>>
    tpu.wait_dma2 semaphore(%arg10 : memref<!tpu.dma_semaphore, #tpu.memory_space<semaphore_mem>>) src(%arg7 : memref<128x128xf32, #tpu.memory_space<vmem>>) dst(%dma_wait3A_80 : memref<128x128xf32, #tpu.memory_space<hbm>>)
    return
  }
}

#map = affine_map<(d0, d1) -> (0, 0)>
#map1 = affine_map<(d0, d1) -> (0)>
module attributes {stable_mosaic.version = 14 : i64} {
  func.func @_msg_sc_body(%arg0: i32, %arg1: i32, %arg2: memref<8192x128xf32, #tpu.memory_space<hbm>>, %arg3: memref<16384xi32, #tpu.memory_space<hbm>>, %arg4: memref<16384x128xf32, #tpu.memory_space<hbm>>, %arg5: memref<512xi32, #tpu.memory_space<vmem>>, %arg6: memref<128x128xf32, #tpu.memory_space<vmem>>, %arg7: memref<128x128xf32, #tpu.memory_space<vmem>>, %arg8: memref<!tpu.dma_semaphore, #tpu.memory_space<semaphore_mem>>, %arg9: memref<!tpu.dma_semaphore, #tpu.memory_space<semaphore_mem>>, %arg10: memref<!tpu.dma_semaphore, #tpu.memory_space<semaphore_mem>>) attributes {dimension_semantics = [#tpu.dimension_semantics<core_parallel>, #tpu.dimension_semantics<subcore_parallel>], iteration_bounds = array<i64: 2, 16>, scalar_prefetch = 0 : i64, scratch_operands = 6 : i64, tpu.core_type = #tpu.core_type<sc_vector_subcore>, window_params = [{transform_indices = #map}, {transform_indices = #map1}, {transform_indices = #map}]} {
    %mul3A = arith.constant 2 : i32
    %mul3A_0 = arith.muli %arg1, %mul3A : i32
    %add3A = arith.addi %mul3A_0, %arg0 : i32
    %mul3A_1 = arith.constant 512 : i32
    %mul3A_2 = arith.muli %add3A, %mul3A_1 : i32
    "tpu.region"() ({
      %run_scoped3A = tpu.sem_alloc : memref<!tpu.dma_semaphore, #tpu.memory_space<semaphore_mem>>
      %dma_start3A_81 = tpu.memref_slice %arg3[%mul3A_2] : memref<16384xi32, #tpu.memory_space<hbm>> -> memref<512xi32, #tpu.memory_space<hbm>>
      %dma_start3A_82 = tpu.memref_slice %arg3[%mul3A_2] : memref<16384xi32, #tpu.memory_space<hbm>> -> memref<512xi32, #tpu.memory_space<hbm>>
      tpu.enqueue_dma source(%dma_start3A_82 : memref<512xi32, #tpu.memory_space<hbm>>) target(%arg5 : memref<512xi32, #tpu.memory_space<vmem>>) target_semaphore(%run_scoped3A : memref<!tpu.dma_semaphore, #tpu.memory_space<semaphore_mem>>)
      %dma_wait3A_83 = tpu.memref_slice %arg3[%mul3A_2] : memref<16384xi32, #tpu.memory_space<hbm>> -> memref<512xi32, #tpu.memory_space<hbm>>
      %dma_wait3A_84 = tpu.memref_slice %arg3[%mul3A_2] : memref<16384xi32, #tpu.memory_space<hbm>> -> memref<512xi32, #tpu.memory_space<hbm>>
      tpu.wait_dma2 semaphore(%run_scoped3A : memref<!tpu.dma_semaphore, #tpu.memory_space<semaphore_mem>>) src(%dma_wait3A_84 : memref<512xi32, #tpu.memory_space<hbm>>) dst(%arg5 : memref<512xi32, #tpu.memory_space<vmem>>)
      tpu.yield
    }) : () -> ()
    %dma_start3A = arith.constant 0 : i32
    %dma_start3A_3 = tpu.memref_slice %arg5[%dma_start3A] : memref<512xi32, #tpu.memory_space<vmem>> -> memref<128xi32, #tpu.memory_space<vmem>>
    %dma_start3A_4 = arith.constant 0 : i32
    %dma_start3A_5 = arith.constant 0 : i32
    %dma_start3A_6 = tpu.memref_slice %arg2[%dma_start3A_4, %dma_start3A_5] : memref<8192x128xf32, #tpu.memory_space<hbm>> -> memref<8192x128xf32, #tpu.memory_space<hbm>>
    tpu.enqueue_indirect_dma source(%dma_start3A_6 : memref<8192x128xf32, #tpu.memory_space<hbm>>) target(%arg6 : memref<128x128xf32, #tpu.memory_space<vmem>>) offsets(%dma_start3A_3 : memref<128xi32, #tpu.memory_space<vmem>>) semaphore(%arg8 : memref<!tpu.dma_semaphore, #tpu.memory_space<semaphore_mem>>)
    %dma_start3A_7 = arith.constant 128 : i32
    %dma_start3A_8 = tpu.memref_slice %arg5[%dma_start3A_7] : memref<512xi32, #tpu.memory_space<vmem>> -> memref<128xi32, #tpu.memory_space<vmem>>
    %dma_start3A_9 = arith.constant 0 : i32
    %dma_start3A_10 = arith.constant 0 : i32
    %dma_start3A_11 = tpu.memref_slice %arg2[%dma_start3A_9, %dma_start3A_10] : memref<8192x128xf32, #tpu.memory_space<hbm>> -> memref<8192x128xf32, #tpu.memory_space<hbm>>
    tpu.enqueue_indirect_dma source(%dma_start3A_11 : memref<8192x128xf32, #tpu.memory_space<hbm>>) target(%arg7 : memref<128x128xf32, #tpu.memory_space<vmem>>) offsets(%dma_start3A_8 : memref<128xi32, #tpu.memory_space<vmem>>) semaphore(%arg9 : memref<!tpu.dma_semaphore, #tpu.memory_space<semaphore_mem>>)
    %dma_wait3A = arith.constant 0 : i32
    %dma_wait3A_12 = tpu.memref_slice %arg5[%dma_wait3A] : memref<512xi32, #tpu.memory_space<vmem>> -> memref<128xi32, #tpu.memory_space<vmem>>
    %dma_wait3A_13 = arith.constant 0 : i32
    %dma_wait3A_14 = arith.constant 0 : i32
    %dma_wait3A_15 = tpu.memref_slice %arg2[%dma_wait3A_13, %dma_wait3A_14] : memref<8192x128xf32, #tpu.memory_space<hbm>> -> memref<8192x128xf32, #tpu.memory_space<hbm>>
    tpu.wait_indirect_dma semaphore(%arg8 : memref<!tpu.dma_semaphore, #tpu.memory_space<semaphore_mem>>) src(%dma_wait3A_15 : memref<8192x128xf32, #tpu.memory_space<hbm>>) dst(%arg6 : memref<128x128xf32, #tpu.memory_space<vmem>>)
    %add3A_16 = arith.constant 0 : i32
    %add3A_17 = arith.addi %mul3A_2, %add3A_16 : i32
    %dma_start3A_18 = arith.constant 0 : i32
    %dma_start3A_19 = tpu.memref_slice %arg4[%add3A_17, %dma_start3A_18] : memref<16384x128xf32, #tpu.memory_space<hbm>> -> memref<128x128xf32, #tpu.memory_space<hbm>>
    %dma_start3A_20 = arith.constant 0 : i32
    %dma_start3A_21 = tpu.memref_slice %arg4[%add3A_17, %dma_start3A_20] : memref<16384x128xf32, #tpu.memory_space<hbm>> -> memref<128x128xf32, #tpu.memory_space<hbm>>
    tpu.enqueue_dma source(%arg6 : memref<128x128xf32, #tpu.memory_space<vmem>>) target(%dma_start3A_21 : memref<128x128xf32, #tpu.memory_space<hbm>>) target_semaphore(%arg10 : memref<!tpu.dma_semaphore, #tpu.memory_space<semaphore_mem>>)
    %dma_wait3A_22 = arith.constant 0 : i32
    %dma_wait3A_23 = tpu.memref_slice %arg4[%add3A_17, %dma_wait3A_22] : memref<16384x128xf32, #tpu.memory_space<hbm>> -> memref<128x128xf32, #tpu.memory_space<hbm>>
    %dma_wait3A_24 = arith.constant 0 : i32
    %dma_wait3A_25 = tpu.memref_slice %arg4[%add3A_17, %dma_wait3A_24] : memref<16384x128xf32, #tpu.memory_space<hbm>> -> memref<128x128xf32, #tpu.memory_space<hbm>>
    tpu.wait_dma2 semaphore(%arg10 : memref<!tpu.dma_semaphore, #tpu.memory_space<semaphore_mem>>) src(%arg6 : memref<128x128xf32, #tpu.memory_space<vmem>>) dst(%dma_wait3A_25 : memref<128x128xf32, #tpu.memory_space<hbm>>)
    %dma_start3A_26 = arith.constant 256 : i32
    %dma_start3A_27 = tpu.memref_slice %arg5[%dma_start3A_26] : memref<512xi32, #tpu.memory_space<vmem>> -> memref<128xi32, #tpu.memory_space<vmem>>
    %dma_start3A_28 = arith.constant 0 : i32
    %dma_start3A_29 = arith.constant 0 : i32
    %dma_start3A_30 = tpu.memref_slice %arg2[%dma_start3A_28, %dma_start3A_29] : memref<8192x128xf32, #tpu.memory_space<hbm>> -> memref<8192x128xf32, #tpu.memory_space<hbm>>
    tpu.enqueue_indirect_dma source(%dma_start3A_30 : memref<8192x128xf32, #tpu.memory_space<hbm>>) target(%arg6 : memref<128x128xf32, #tpu.memory_space<vmem>>) offsets(%dma_start3A_27 : memref<128xi32, #tpu.memory_space<vmem>>) semaphore(%arg8 : memref<!tpu.dma_semaphore, #tpu.memory_space<semaphore_mem>>)
    %dma_wait3A_31 = arith.constant 128 : i32
    %dma_wait3A_32 = tpu.memref_slice %arg5[%dma_wait3A_31] : memref<512xi32, #tpu.memory_space<vmem>> -> memref<128xi32, #tpu.memory_space<vmem>>
    %dma_wait3A_33 = arith.constant 0 : i32
    %dma_wait3A_34 = arith.constant 0 : i32
    %dma_wait3A_35 = tpu.memref_slice %arg2[%dma_wait3A_33, %dma_wait3A_34] : memref<8192x128xf32, #tpu.memory_space<hbm>> -> memref<8192x128xf32, #tpu.memory_space<hbm>>
    tpu.wait_indirect_dma semaphore(%arg9 : memref<!tpu.dma_semaphore, #tpu.memory_space<semaphore_mem>>) src(%dma_wait3A_35 : memref<8192x128xf32, #tpu.memory_space<hbm>>) dst(%arg7 : memref<128x128xf32, #tpu.memory_space<vmem>>)
    %add3A_36 = arith.constant 128 : i32
    %add3A_37 = arith.addi %mul3A_2, %add3A_36 : i32
    %dma_start3A_38 = arith.constant 0 : i32
    %dma_start3A_39 = tpu.memref_slice %arg4[%add3A_37, %dma_start3A_38] : memref<16384x128xf32, #tpu.memory_space<hbm>> -> memref<128x128xf32, #tpu.memory_space<hbm>>
    %dma_start3A_40 = arith.constant 0 : i32
    %dma_start3A_41 = tpu.memref_slice %arg4[%add3A_37, %dma_start3A_40] : memref<16384x128xf32, #tpu.memory_space<hbm>> -> memref<128x128xf32, #tpu.memory_space<hbm>>
    tpu.enqueue_dma source(%arg7 : memref<128x128xf32, #tpu.memory_space<vmem>>) target(%dma_start3A_41 : memref<128x128xf32, #tpu.memory_space<hbm>>) target_semaphore(%arg10 : memref<!tpu.dma_semaphore, #tpu.memory_space<semaphore_mem>>)
    %dma_wait3A_42 = arith.constant 0 : i32
    %dma_wait3A_43 = tpu.memref_slice %arg4[%add3A_37, %dma_wait3A_42] : memref<16384x128xf32, #tpu.memory_space<hbm>> -> memref<128x128xf32, #tpu.memory_space<hbm>>
    %dma_wait3A_44 = arith.constant 0 : i32
    %dma_wait3A_45 = tpu.memref_slice %arg4[%add3A_37, %dma_wait3A_44] : memref<16384x128xf32, #tpu.memory_space<hbm>> -> memref<128x128xf32, #tpu.memory_space<hbm>>
    tpu.wait_dma2 semaphore(%arg10 : memref<!tpu.dma_semaphore, #tpu.memory_space<semaphore_mem>>) src(%arg7 : memref<128x128xf32, #tpu.memory_space<vmem>>) dst(%dma_wait3A_45 : memref<128x128xf32, #tpu.memory_space<hbm>>)
    %dma_start3A_46 = arith.constant 384 : i32
    %dma_start3A_47 = tpu.memref_slice %arg5[%dma_start3A_46] : memref<512xi32, #tpu.memory_space<vmem>> -> memref<128xi32, #tpu.memory_space<vmem>>
    %dma_start3A_48 = arith.constant 0 : i32
    %dma_start3A_49 = arith.constant 0 : i32
    %dma_start3A_50 = tpu.memref_slice %arg2[%dma_start3A_48, %dma_start3A_49] : memref<8192x128xf32, #tpu.memory_space<hbm>> -> memref<8192x128xf32, #tpu.memory_space<hbm>>
    tpu.enqueue_indirect_dma source(%dma_start3A_50 : memref<8192x128xf32, #tpu.memory_space<hbm>>) target(%arg7 : memref<128x128xf32, #tpu.memory_space<vmem>>) offsets(%dma_start3A_47 : memref<128xi32, #tpu.memory_space<vmem>>) semaphore(%arg9 : memref<!tpu.dma_semaphore, #tpu.memory_space<semaphore_mem>>)
    %dma_wait3A_51 = arith.constant 256 : i32
    %dma_wait3A_52 = tpu.memref_slice %arg5[%dma_wait3A_51] : memref<512xi32, #tpu.memory_space<vmem>> -> memref<128xi32, #tpu.memory_space<vmem>>
    %dma_wait3A_53 = arith.constant 0 : i32
    %dma_wait3A_54 = arith.constant 0 : i32
    %dma_wait3A_55 = tpu.memref_slice %arg2[%dma_wait3A_53, %dma_wait3A_54] : memref<8192x128xf32, #tpu.memory_space<hbm>> -> memref<8192x128xf32, #tpu.memory_space<hbm>>
    tpu.wait_indirect_dma semaphore(%arg8 : memref<!tpu.dma_semaphore, #tpu.memory_space<semaphore_mem>>) src(%dma_wait3A_55 : memref<8192x128xf32, #tpu.memory_space<hbm>>) dst(%arg6 : memref<128x128xf32, #tpu.memory_space<vmem>>)
    %add3A_56 = arith.constant 256 : i32
    %add3A_57 = arith.addi %mul3A_2, %add3A_56 : i32
    %dma_start3A_58 = arith.constant 0 : i32
    %dma_start3A_59 = tpu.memref_slice %arg4[%add3A_57, %dma_start3A_58] : memref<16384x128xf32, #tpu.memory_space<hbm>> -> memref<128x128xf32, #tpu.memory_space<hbm>>
    %dma_start3A_60 = arith.constant 0 : i32
    %dma_start3A_61 = tpu.memref_slice %arg4[%add3A_57, %dma_start3A_60] : memref<16384x128xf32, #tpu.memory_space<hbm>> -> memref<128x128xf32, #tpu.memory_space<hbm>>
    tpu.enqueue_dma source(%arg6 : memref<128x128xf32, #tpu.memory_space<vmem>>) target(%dma_start3A_61 : memref<128x128xf32, #tpu.memory_space<hbm>>) target_semaphore(%arg10 : memref<!tpu.dma_semaphore, #tpu.memory_space<semaphore_mem>>)
    %dma_wait3A_62 = arith.constant 384 : i32
    %dma_wait3A_63 = tpu.memref_slice %arg5[%dma_wait3A_62] : memref<512xi32, #tpu.memory_space<vmem>> -> memref<128xi32, #tpu.memory_space<vmem>>
    %dma_wait3A_64 = arith.constant 0 : i32
    %dma_wait3A_65 = arith.constant 0 : i32
    %dma_wait3A_66 = tpu.memref_slice %arg2[%dma_wait3A_64, %dma_wait3A_65] : memref<8192x128xf32, #tpu.memory_space<hbm>> -> memref<8192x128xf32, #tpu.memory_space<hbm>>
    tpu.wait_indirect_dma semaphore(%arg9 : memref<!tpu.dma_semaphore, #tpu.memory_space<semaphore_mem>>) src(%dma_wait3A_66 : memref<8192x128xf32, #tpu.memory_space<hbm>>) dst(%arg7 : memref<128x128xf32, #tpu.memory_space<vmem>>)
    %add3A_67 = arith.constant 384 : i32
    %add3A_68 = arith.addi %mul3A_2, %add3A_67 : i32
    %dma_start3A_69 = arith.constant 0 : i32
    %dma_start3A_70 = tpu.memref_slice %arg4[%add3A_68, %dma_start3A_69] : memref<16384x128xf32, #tpu.memory_space<hbm>> -> memref<128x128xf32, #tpu.memory_space<hbm>>
    %dma_start3A_71 = arith.constant 0 : i32
    %dma_start3A_72 = tpu.memref_slice %arg4[%add3A_68, %dma_start3A_71] : memref<16384x128xf32, #tpu.memory_space<hbm>> -> memref<128x128xf32, #tpu.memory_space<hbm>>
    tpu.enqueue_dma source(%arg7 : memref<128x128xf32, #tpu.memory_space<vmem>>) target(%dma_start3A_72 : memref<128x128xf32, #tpu.memory_space<hbm>>) target_semaphore(%arg10 : memref<!tpu.dma_semaphore, #tpu.memory_space<semaphore_mem>>)
    %dma_wait3A_73 = arith.constant 0 : i32
    %dma_wait3A_74 = tpu.memref_slice %arg4[%add3A_57, %dma_wait3A_73] : memref<16384x128xf32, #tpu.memory_space<hbm>> -> memref<128x128xf32, #tpu.memory_space<hbm>>
    %dma_wait3A_75 = arith.constant 0 : i32
    %dma_wait3A_76 = tpu.memref_slice %arg4[%add3A_57, %dma_wait3A_75] : memref<16384x128xf32, #tpu.memory_space<hbm>> -> memref<128x128xf32, #tpu.memory_space<hbm>>
    tpu.wait_dma2 semaphore(%arg10 : memref<!tpu.dma_semaphore, #tpu.memory_space<semaphore_mem>>) src(%arg6 : memref<128x128xf32, #tpu.memory_space<vmem>>) dst(%dma_wait3A_76 : memref<128x128xf32, #tpu.memory_space<hbm>>)
    %dma_wait3A_77 = arith.constant 0 : i32
    %dma_wait3A_78 = tpu.memref_slice %arg4[%add3A_68, %dma_wait3A_77] : memref<16384x128xf32, #tpu.memory_space<hbm>> -> memref<128x128xf32, #tpu.memory_space<hbm>>
    %dma_wait3A_79 = arith.constant 0 : i32
    %dma_wait3A_80 = tpu.memref_slice %arg4[%add3A_68, %dma_wait3A_79] : memref<16384x128xf32, #tpu.memory_space<hbm>> -> memref<128x128xf32, #tpu.memory_space<hbm>>
    tpu.wait_dma2 semaphore(%arg10 : memref<!tpu.dma_semaphore, #tpu.memory_space<semaphore_mem>>) src(%arg7 : memref<128x128xf32, #tpu.memory_space<vmem>>) dst(%dma_wait3A_80 : memref<128x128xf32, #tpu.memory_space<hbm>>)
    return
  }
}

#map = affine_map<(d0, d1) -> (0, 0)>
#map1 = affine_map<(d0, d1) -> (0, 0, 0)>
module attributes {stable_mosaic.version = 14 : i64} {
  func.func @_efeat_sc_body(%arg0: i32, %arg1: i32, %arg2: memref<8x2048xf32, #tpu.memory_space<hbm>>, %arg3: memref<8x2x2048xi32, #tpu.memory_space<hbm>>, %arg4: memref<8x4x2048xf32, #tpu.memory_space<hbm>>, %arg5: memref<2048xf32, #tpu.memory_space<vmem>>, %arg6: memref<512xi32, #tpu.memory_space<vmem>>, %arg7: memref<512xi32, #tpu.memory_space<vmem>>, %arg8: memref<4x512xf32, #tpu.memory_space<vmem>>) attributes {dimension_semantics = [#tpu.dimension_semantics<core_parallel>, #tpu.dimension_semantics<subcore_parallel>], iteration_bounds = array<i64: 2, 16>, scalar_prefetch = 0 : i64, scratch_operands = 4 : i64, tpu.core_type = #tpu.core_type<sc_vector_subcore>, window_params = [{transform_indices = #map}, {transform_indices = #map1}, {transform_indices = #map1}]} {
    %mul3A = arith.constant 2 : i32
    %mul3A_0 = arith.muli %arg1, %mul3A : i32
    %add3A = arith.addi %mul3A_0, %arg0 : i32
    %jit3A = arith.constant 4 : i32
    %div3A = arith.divsi %add3A, %jit3A : i32
    %sign3A = arith.constant 0 : i32
    %sign3A_1 = arith.cmpi sgt, %add3A, %sign3A : i32
    %sign3A_2 = arith.extui %sign3A_1 : i1 to i32
    %sign3A_3 = arith.constant 0 : i32
    %sign3A_4 = arith.cmpi slt, %add3A, %sign3A_3 : i32
    %sign3A_5 = arith.extui %sign3A_4 : i1 to i32
    %sign3A_6 = arith.subi %sign3A_2, %sign3A_5 : i32
    %sign3A_7 = arith.constant 0 : i32
    %sign3A_8 = arith.cmpi sgt, %jit3A, %sign3A_7 : i32
    %sign3A_9 = arith.extui %sign3A_8 : i1 to i32
    %sign3A_10 = arith.constant 0 : i32
    %sign3A_11 = arith.cmpi slt, %jit3A, %sign3A_10 : i32
    %sign3A_12 = arith.extui %sign3A_11 : i1 to i32
    %sign3A_13 = arith.subi %sign3A_9, %sign3A_12 : i32
    %ne3A = arith.cmpi ne, %sign3A_6, %sign3A_13 : i32
    %rem3A = arith.remsi %add3A, %jit3A : i32
    %ne3A_14 = arith.constant 0 : i32
    %ne3A_15 = arith.cmpi ne, %rem3A, %ne3A_14 : i32
    %and3A = arith.andi %ne3A, %ne3A_15 : i1
    %sub3A = arith.constant 1 : i32
    %sub3A_16 = arith.subi %div3A, %sub3A : i32
    %select_n3A = arith.select %and3A, %sub3A_16, %div3A : i32
    %jit3A_17 = arith.constant 4 : i32
    %eq3A = arith.constant 0 : i32
    %eq3A_18 = arith.cmpi eq, %jit3A_17, %eq3A : i32
    %jit3A_19 = arith.constant 1 : i32
    %select_n3A_20 = arith.select %eq3A_18, %jit3A_19, %jit3A_17 : i32
    %rem3A_21 = arith.remsi %add3A, %select_n3A_20 : i32
    %ne3A_22 = arith.constant 0 : i32
    %ne3A_23 = arith.cmpi ne, %rem3A_21, %ne3A_22 : i32
    %lt3A = arith.constant 0 : i32
    %lt3A_24 = arith.cmpi slt, %rem3A_21, %lt3A : i32
    %lt3A_25 = arith.constant 0 : i32
    %lt3A_26 = arith.cmpi slt, %select_n3A_20, %lt3A_25 : i32
    %ne3A_27 = arith.xori %lt3A_24, %lt3A_26 : i1
    %and3A_28 = arith.andi %ne3A_27, %ne3A_23 : i1
    %add3A_29 = arith.addi %rem3A_21, %select_n3A_20 : i32
    %select_n3A_30 = arith.select %and3A_28, %add3A_29, %rem3A_21 : i32
    "tpu.region"() ({
      %run_scoped3A_57 = tpu.sem_alloc : memref<!tpu.dma_semaphore, #tpu.memory_space<semaphore_mem>>
      %dma_start3A = arith.constant 0 : i32
      %dma_start3A_58 = tpu.memref_slice %arg2[%select_n3A, %dma_start3A] : memref<8x2048xf32, #tpu.memory_space<hbm>> -> memref<1x2048xf32, #tpu.memory_space<hbm>>
      %dma_start3A_59 = tpu.memref_squeeze %dma_start3A_58 : memref<1x2048xf32, #tpu.memory_space<hbm>> -> memref<2048xf32, #tpu.memory_space<hbm>>
      %dma_start3A_60 = arith.constant 0 : i32
      %dma_start3A_61 = tpu.memref_slice %arg2[%select_n3A, %dma_start3A_60] : memref<8x2048xf32, #tpu.memory_space<hbm>> -> memref<1x2048xf32, #tpu.memory_space<hbm>>
      %dma_start3A_62 = tpu.memref_squeeze %dma_start3A_61 : memref<1x2048xf32, #tpu.memory_space<hbm>> -> memref<2048xf32, #tpu.memory_space<hbm>>
      tpu.enqueue_dma source(%dma_start3A_62 : memref<2048xf32, #tpu.memory_space<hbm>>) target(%arg5 : memref<2048xf32, #tpu.memory_space<vmem>>) target_semaphore(%run_scoped3A_57 : memref<!tpu.dma_semaphore, #tpu.memory_space<semaphore_mem>>)
      %dma_wait3A = arith.constant 0 : i32
      %dma_wait3A_63 = tpu.memref_slice %arg2[%select_n3A, %dma_wait3A] : memref<8x2048xf32, #tpu.memory_space<hbm>> -> memref<1x2048xf32, #tpu.memory_space<hbm>>
      %dma_wait3A_64 = tpu.memref_squeeze %dma_wait3A_63 : memref<1x2048xf32, #tpu.memory_space<hbm>> -> memref<2048xf32, #tpu.memory_space<hbm>>
      %dma_wait3A_65 = arith.constant 0 : i32
      %dma_wait3A_66 = tpu.memref_slice %arg2[%select_n3A, %dma_wait3A_65] : memref<8x2048xf32, #tpu.memory_space<hbm>> -> memref<1x2048xf32, #tpu.memory_space<hbm>>
      %dma_wait3A_67 = tpu.memref_squeeze %dma_wait3A_66 : memref<1x2048xf32, #tpu.memory_space<hbm>> -> memref<2048xf32, #tpu.memory_space<hbm>>
      tpu.wait_dma2 semaphore(%run_scoped3A_57 : memref<!tpu.dma_semaphore, #tpu.memory_space<semaphore_mem>>) src(%dma_wait3A_67 : memref<2048xf32, #tpu.memory_space<hbm>>) dst(%arg5 : memref<2048xf32, #tpu.memory_space<vmem>>)
      tpu.yield
    }) : () -> ()
    %mul3A_31 = arith.constant 512 : i32
    %mul3A_32 = arith.muli %select_n3A_30, %mul3A_31 : i32
    %run_scoped3A = arith.constant 0 : i32
    "tpu.region"() ({
      %run_scoped3A_57 = tpu.sem_alloc : memref<!tpu.dma_semaphore, #tpu.memory_space<semaphore_mem>>
      %dma_start3A = tpu.memref_slice %arg3[%select_n3A, %run_scoped3A, %mul3A_32] : memref<8x2x2048xi32, #tpu.memory_space<hbm>> -> memref<1x1x512xi32, #tpu.memory_space<hbm>>
      %dma_start3A_58 = tpu.memref_squeeze %dma_start3A : memref<1x1x512xi32, #tpu.memory_space<hbm>> -> memref<512xi32, #tpu.memory_space<hbm>>
      %dma_start3A_59 = tpu.memref_slice %arg3[%select_n3A, %run_scoped3A, %mul3A_32] : memref<8x2x2048xi32, #tpu.memory_space<hbm>> -> memref<1x1x512xi32, #tpu.memory_space<hbm>>
      %dma_start3A_60 = tpu.memref_squeeze %dma_start3A_59 : memref<1x1x512xi32, #tpu.memory_space<hbm>> -> memref<512xi32, #tpu.memory_space<hbm>>
      tpu.enqueue_dma source(%dma_start3A_60 : memref<512xi32, #tpu.memory_space<hbm>>) target(%arg6 : memref<512xi32, #tpu.memory_space<vmem>>) target_semaphore(%run_scoped3A_57 : memref<!tpu.dma_semaphore, #tpu.memory_space<semaphore_mem>>)
      %dma_wait3A = tpu.memref_slice %arg3[%select_n3A, %run_scoped3A, %mul3A_32] : memref<8x2x2048xi32, #tpu.memory_space<hbm>> -> memref<1x1x512xi32, #tpu.memory_space<hbm>>
      %dma_wait3A_61 = tpu.memref_squeeze %dma_wait3A : memref<1x1x512xi32, #tpu.memory_space<hbm>> -> memref<512xi32, #tpu.memory_space<hbm>>
      %dma_wait3A_62 = tpu.memref_slice %arg3[%select_n3A, %run_scoped3A, %mul3A_32] : memref<8x2x2048xi32, #tpu.memory_space<hbm>> -> memref<1x1x512xi32, #tpu.memory_space<hbm>>
      %dma_wait3A_63 = tpu.memref_squeeze %dma_wait3A_62 : memref<1x1x512xi32, #tpu.memory_space<hbm>> -> memref<512xi32, #tpu.memory_space<hbm>>
      tpu.wait_dma2 semaphore(%run_scoped3A_57 : memref<!tpu.dma_semaphore, #tpu.memory_space<semaphore_mem>>) src(%dma_wait3A_63 : memref<512xi32, #tpu.memory_space<hbm>>) dst(%arg6 : memref<512xi32, #tpu.memory_space<vmem>>)
      tpu.yield
    }) : () -> ()
    %mul3A_33 = arith.constant 512 : i32
    %mul3A_34 = arith.muli %select_n3A_30, %mul3A_33 : i32
    %run_scoped3A_35 = arith.constant 1 : i32
    "tpu.region"() ({
      %run_scoped3A_57 = tpu.sem_alloc : memref<!tpu.dma_semaphore, #tpu.memory_space<semaphore_mem>>
      %dma_start3A = tpu.memref_slice %arg3[%select_n3A, %run_scoped3A_35, %mul3A_34] : memref<8x2x2048xi32, #tpu.memory_space<hbm>> -> memref<1x1x512xi32, #tpu.memory_space<hbm>>
      %dma_start3A_58 = tpu.memref_squeeze %dma_start3A : memref<1x1x512xi32, #tpu.memory_space<hbm>> -> memref<512xi32, #tpu.memory_space<hbm>>
      %dma_start3A_59 = tpu.memref_slice %arg3[%select_n3A, %run_scoped3A_35, %mul3A_34] : memref<8x2x2048xi32, #tpu.memory_space<hbm>> -> memref<1x1x512xi32, #tpu.memory_space<hbm>>
      %dma_start3A_60 = tpu.memref_squeeze %dma_start3A_59 : memref<1x1x512xi32, #tpu.memory_space<hbm>> -> memref<512xi32, #tpu.memory_space<hbm>>
      tpu.enqueue_dma source(%dma_start3A_60 : memref<512xi32, #tpu.memory_space<hbm>>) target(%arg7 : memref<512xi32, #tpu.memory_space<vmem>>) target_semaphore(%run_scoped3A_57 : memref<!tpu.dma_semaphore, #tpu.memory_space<semaphore_mem>>)
      %dma_wait3A = tpu.memref_slice %arg3[%select_n3A, %run_scoped3A_35, %mul3A_34] : memref<8x2x2048xi32, #tpu.memory_space<hbm>> -> memref<1x1x512xi32, #tpu.memory_space<hbm>>
      %dma_wait3A_61 = tpu.memref_squeeze %dma_wait3A : memref<1x1x512xi32, #tpu.memory_space<hbm>> -> memref<512xi32, #tpu.memory_space<hbm>>
      %dma_wait3A_62 = tpu.memref_slice %arg3[%select_n3A, %run_scoped3A_35, %mul3A_34] : memref<8x2x2048xi32, #tpu.memory_space<hbm>> -> memref<1x1x512xi32, #tpu.memory_space<hbm>>
      %dma_wait3A_63 = tpu.memref_squeeze %dma_wait3A_62 : memref<1x1x512xi32, #tpu.memory_space<hbm>> -> memref<512xi32, #tpu.memory_space<hbm>>
      tpu.wait_dma2 semaphore(%run_scoped3A_57 : memref<!tpu.dma_semaphore, #tpu.memory_space<semaphore_mem>>) src(%dma_wait3A_63 : memref<512xi32, #tpu.memory_space<hbm>>) dst(%arg7 : memref<512xi32, #tpu.memory_space<vmem>>)
      tpu.yield
    }) : () -> ()
    %scan3A = arith.constant 0 : i32
    %scan3A_36 = arith.constant 0 : i32
    %scan3A_37 = arith.constant 32 : i32
    %scan3A_38 = arith.addi %scan3A_36, %scan3A_37 : i32
    %scan3A_39 = arith.constant 1 : i32
    scf.for %scan3A_57 = %scan3A_36 to %scan3A_38 step %scan3A_39  : i32 {
      %mul3A_58 = arith.constant 16 : i32
      %mul3A_59 = arith.muli %scan3A_57, %mul3A_58 : i32
      %get3A = arith.index_cast %mul3A_59 : i32 to index
      %get3A_60 = tpu.vector_load %arg6[%get3A] {strides = array<i32>} : memref<512xi32, #tpu.memory_space<vmem>>, vector<16xi32>,
      %mul3A_61 = arith.constant 2 : i32
      %mul3A_62 = vector.broadcast %mul3A_61 : i32 to vector<16xi32>
      %mul3A_63 = arith.muli %get3A_60, %mul3A_62 : vector<16xi32>
      %get3A_64 = arith.index_cast %mul3A_59 : i32 to index
      %get3A_65 = tpu.vector_load %arg7[%get3A_64] {strides = array<i32>} : memref<512xi32, #tpu.memory_space<vmem>>, vector<16xi32>,
      %mul3A_66 = arith.constant 2 : i32
      %mul3A_67 = vector.broadcast %mul3A_66 : i32 to vector<16xi32>
      %mul3A_68 = arith.muli %get3A_65, %mul3A_67 : vector<16xi32>
      %gather3A = tpu.vector_load_idx %arg5[%mul3A_63] : memref<2048xf32, #tpu.memory_space<vmem>>[vector<16xi32>], vector<16xf32>,
      %swap3A = arith.constant 0 : i32
      %swap3A_69 = arith.index_cast %swap3A : i32 to index
      %swap3A_70 = arith.index_cast %mul3A_59 : i32 to index
      %swap3A_71 = tpu.vector_load %arg8[%swap3A_69, %swap3A_70] {strides = array<i32>} : memref<4x512xf32, #tpu.memory_space<vmem>>, vector<16xf32>,
      tpu.vector_store %arg8[%swap3A_69, %swap3A_70], %gather3A {strides = array<i32>} : memref<4x512xf32, #tpu.memory_space<vmem>>, vector<16xf32>,
      %add3A_72 = arith.constant 1 : i32
      %add3A_73 = vector.broadcast %add3A_72 : i32 to vector<16xi32>
      %add3A_74 = arith.addi %mul3A_63, %add3A_73 : vector<16xi32>
      %gather3A_75 = tpu.vector_load_idx %arg5[%add3A_74] : memref<2048xf32, #tpu.memory_space<vmem>>[vector<16xi32>], vector<16xf32>,
      %swap3A_76 = arith.constant 1 : i32
      %swap3A_77 = arith.index_cast %swap3A_76 : i32 to index
      %swap3A_78 = arith.index_cast %mul3A_59 : i32 to index
      %swap3A_79 = tpu.vector_load %arg8[%swap3A_77, %swap3A_78] {strides = array<i32>} : memref<4x512xf32, #tpu.memory_space<vmem>>, vector<16xf32>,
      tpu.vector_store %arg8[%swap3A_77, %swap3A_78], %gather3A_75 {strides = array<i32>} : memref<4x512xf32, #tpu.memory_space<vmem>>, vector<16xf32>,
      %gather3A_80 = tpu.vector_load_idx %arg5[%mul3A_68] : memref<2048xf32, #tpu.memory_space<vmem>>[vector<16xi32>], vector<16xf32>,
      %swap3A_81 = arith.constant 2 : i32
      %swap3A_82 = arith.index_cast %swap3A_81 : i32 to index
      %swap3A_83 = arith.index_cast %mul3A_59 : i32 to index
      %swap3A_84 = tpu.vector_load %arg8[%swap3A_82, %swap3A_83] {strides = array<i32>} : memref<4x512xf32, #tpu.memory_space<vmem>>, vector<16xf32>,
      tpu.vector_store %arg8[%swap3A_82, %swap3A_83], %gather3A_80 {strides = array<i32>} : memref<4x512xf32, #tpu.memory_space<vmem>>, vector<16xf32>,
      %add3A_85 = arith.constant 1 : i32
      %add3A_86 = vector.broadcast %add3A_85 : i32 to vector<16xi32>
      %add3A_87 = arith.addi %mul3A_68, %add3A_86 : vector<16xi32>
      %gather3A_88 = tpu.vector_load_idx %arg5[%add3A_87] : memref<2048xf32, #tpu.memory_space<vmem>>[vector<16xi32>], vector<16xf32>,
      %swap3A_89 = arith.constant 3 : i32
      %swap3A_90 = arith.index_cast %swap3A_89 : i32 to index
      %swap3A_91 = arith.index_cast %mul3A_59 : i32 to index
      %swap3A_92 = tpu.vector_load %arg8[%swap3A_90, %swap3A_91] {strides = array<i32>} : memref<4x512xf32, #tpu.memory_space<vmem>>, vector<16xf32>,
      tpu.vector_store %arg8[%swap3A_90, %swap3A_91], %gather3A_88 {strides = array<i32>} : memref<4x512xf32, #tpu.memory_space<vmem>>, vector<16xf32>,
    }
    %scan3A_40 = arith.constant 32 : i32
    %mul3A_41 = arith.constant 512 : i32
    %mul3A_42 = arith.muli %select_n3A_30, %mul3A_41 : i32
    %run_scoped3A_43 = arith.constant 0 : i32
    %run_scoped3A_44 = arith.constant 0 : i32
    "tpu.region"() ({
      %run_scoped3A_57 = tpu.sem_alloc : memref<!tpu.dma_semaphore, #tpu.memory_space<semaphore_mem>>
      %dma_start3A = arith.constant 0 : i32
      %dma_start3A_58 = tpu.memref_slice %arg8[%run_scoped3A_43, %dma_start3A] : memref<4x512xf32, #tpu.memory_space<vmem>> -> memref<1x512xf32, #tpu.memory_space<vmem>>
      %dma_start3A_59 = tpu.memref_squeeze %dma_start3A_58 : memref<1x512xf32, #tpu.memory_space<vmem>> -> memref<512xf32, #tpu.memory_space<vmem>>
      %dma_start3A_60 = tpu.memref_slice %arg4[%select_n3A, %run_scoped3A_44, %mul3A_42] : memref<8x4x2048xf32, #tpu.memory_space<hbm>> -> memref<1x1x512xf32, #tpu.memory_space<hbm>>
      %dma_start3A_61 = tpu.memref_squeeze %dma_start3A_60 : memref<1x1x512xf32, #tpu.memory_space<hbm>> -> memref<512xf32, #tpu.memory_space<hbm>>
      %dma_start3A_62 = tpu.memref_slice %arg4[%select_n3A, %run_scoped3A_44, %mul3A_42] : memref<8x4x2048xf32, #tpu.memory_space<hbm>> -> memref<1x1x512xf32, #tpu.memory_space<hbm>>
      %dma_start3A_63 = tpu.memref_squeeze %dma_start3A_62 : memref<1x1x512xf32, #tpu.memory_space<hbm>> -> memref<512xf32, #tpu.memory_space<hbm>>
      %dma_start3A_64 = arith.constant 0 : i32
      %dma_start3A_65 = tpu.memref_slice %arg8[%run_scoped3A_43, %dma_start3A_64] : memref<4x512xf32, #tpu.memory_space<vmem>> -> memref<1x512xf32, #tpu.memory_space<vmem>>
      %dma_start3A_66 = tpu.memref_squeeze %dma_start3A_65 : memref<1x512xf32, #tpu.memory_space<vmem>> -> memref<512xf32, #tpu.memory_space<vmem>>
      tpu.enqueue_dma source(%dma_start3A_66 : memref<512xf32, #tpu.memory_space<vmem>>) target(%dma_start3A_63 : memref<512xf32, #tpu.memory_space<hbm>>) target_semaphore(%run_scoped3A_57 : memref<!tpu.dma_semaphore, #tpu.memory_space<semaphore_mem>>)
      %dma_wait3A = arith.constant 0 : i32
      %dma_wait3A_67 = tpu.memref_slice %arg8[%run_scoped3A_43, %dma_wait3A] : memref<4x512xf32, #tpu.memory_space<vmem>> -> memref<1x512xf32, #tpu.memory_space<vmem>>
      %dma_wait3A_68 = tpu.memref_squeeze %dma_wait3A_67 : memref<1x512xf32, #tpu.memory_space<vmem>> -> memref<512xf32, #tpu.memory_space<vmem>>
      %dma_wait3A_69 = tpu.memref_slice %arg4[%select_n3A, %run_scoped3A_44, %mul3A_42] : memref<8x4x2048xf32, #tpu.memory_space<hbm>> -> memref<1x1x512xf32, #tpu.memory_space<hbm>>
      %dma_wait3A_70 = tpu.memref_squeeze %dma_wait3A_69 : memref<1x1x512xf32, #tpu.memory_space<hbm>> -> memref<512xf32, #tpu.memory_space<hbm>>
      %dma_wait3A_71 = tpu.memref_slice %arg4[%select_n3A, %run_scoped3A_44, %mul3A_42] : memref<8x4x2048xf32, #tpu.memory_space<hbm>> -> memref<1x1x512xf32, #tpu.memory_space<hbm>>
      %dma_wait3A_72 = tpu.memref_squeeze %dma_wait3A_71 : memref<1x1x512xf32, #tpu.memory_space<hbm>> -> memref<512xf32, #tpu.memory_space<hbm>>
      %dma_wait3A_73 = arith.constant 0 : i32
      %dma_wait3A_74 = tpu.memref_slice %arg8[%run_scoped3A_43, %dma_wait3A_73] : memref<4x512xf32, #tpu.memory_space<vmem>> -> memref<1x512xf32, #tpu.memory_space<vmem>>
      %dma_wait3A_75 = tpu.memref_squeeze %dma_wait3A_74 : memref<1x512xf32, #tpu.memory_space<vmem>> -> memref<512xf32, #tpu.memory_space<vmem>>
      tpu.wait_dma2 semaphore(%run_scoped3A_57 : memref<!tpu.dma_semaphore, #tpu.memory_space<semaphore_mem>>) src(%dma_wait3A_75 : memref<512xf32, #tpu.memory_space<vmem>>) dst(%dma_wait3A_72 : memref<512xf32, #tpu.memory_space<hbm>>)
      tpu.yield
    }) : () -> ()
    %mul3A_45 = arith.constant 512 : i32
    %mul3A_46 = arith.muli %select_n3A_30, %mul3A_45 : i32
    %run_scoped3A_47 = arith.constant 1 : i32
    %run_scoped3A_48 = arith.constant 1 : i32
    "tpu.region"() ({
      %run_scoped3A_57 = tpu.sem_alloc : memref<!tpu.dma_semaphore, #tpu.memory_space<semaphore_mem>>
      %dma_start3A = arith.constant 0 : i32
      %dma_start3A_58 = tpu.memref_slice %arg8[%run_scoped3A_47, %dma_start3A] : memref<4x512xf32, #tpu.memory_space<vmem>> -> memref<1x512xf32, #tpu.memory_space<vmem>>
      %dma_start3A_59 = tpu.memref_squeeze %dma_start3A_58 : memref<1x512xf32, #tpu.memory_space<vmem>> -> memref<512xf32, #tpu.memory_space<vmem>>
      %dma_start3A_60 = tpu.memref_slice %arg4[%select_n3A, %run_scoped3A_48, %mul3A_46] : memref<8x4x2048xf32, #tpu.memory_space<hbm>> -> memref<1x1x512xf32, #tpu.memory_space<hbm>>
      %dma_start3A_61 = tpu.memref_squeeze %dma_start3A_60 : memref<1x1x512xf32, #tpu.memory_space<hbm>> -> memref<512xf32, #tpu.memory_space<hbm>>
      %dma_start3A_62 = tpu.memref_slice %arg4[%select_n3A, %run_scoped3A_48, %mul3A_46] : memref<8x4x2048xf32, #tpu.memory_space<hbm>> -> memref<1x1x512xf32, #tpu.memory_space<hbm>>
      %dma_start3A_63 = tpu.memref_squeeze %dma_start3A_62 : memref<1x1x512xf32, #tpu.memory_space<hbm>> -> memref<512xf32, #tpu.memory_space<hbm>>
      %dma_start3A_64 = arith.constant 0 : i32
      %dma_start3A_65 = tpu.memref_slice %arg8[%run_scoped3A_47, %dma_start3A_64] : memref<4x512xf32, #tpu.memory_space<vmem>> -> memref<1x512xf32, #tpu.memory_space<vmem>>
      %dma_start3A_66 = tpu.memref_squeeze %dma_start3A_65 : memref<1x512xf32, #tpu.memory_space<vmem>> -> memref<512xf32, #tpu.memory_space<vmem>>
      tpu.enqueue_dma source(%dma_start3A_66 : memref<512xf32, #tpu.memory_space<vmem>>) target(%dma_start3A_63 : memref<512xf32, #tpu.memory_space<hbm>>) target_semaphore(%run_scoped3A_57 : memref<!tpu.dma_semaphore, #tpu.memory_space<semaphore_mem>>)
      %dma_wait3A = arith.constant 0 : i32
      %dma_wait3A_67 = tpu.memref_slice %arg8[%run_scoped3A_47, %dma_wait3A] : memref<4x512xf32, #tpu.memory_space<vmem>> -> memref<1x512xf32, #tpu.memory_space<vmem>>
      %dma_wait3A_68 = tpu.memref_squeeze %dma_wait3A_67 : memref<1x512xf32, #tpu.memory_space<vmem>> -> memref<512xf32, #tpu.memory_space<vmem>>
      %dma_wait3A_69 = tpu.memref_slice %arg4[%select_n3A, %run_scoped3A_48, %mul3A_46] : memref<8x4x2048xf32, #tpu.memory_space<hbm>> -> memref<1x1x512xf32, #tpu.memory_space<hbm>>
      %dma_wait3A_70 = tpu.memref_squeeze %dma_wait3A_69 : memref<1x1x512xf32, #tpu.memory_space<hbm>> -> memref<512xf32, #tpu.memory_space<hbm>>
      %dma_wait3A_71 = tpu.memref_slice %arg4[%select_n3A, %run_scoped3A_48, %mul3A_46] : memref<8x4x2048xf32, #tpu.memory_space<hbm>> -> memref<1x1x512xf32, #tpu.memory_space<hbm>>
      %dma_wait3A_72 = tpu.memref_squeeze %dma_wait3A_71 : memref<1x1x512xf32, #tpu.memory_space<hbm>> -> memref<512xf32, #tpu.memory_space<hbm>>
      %dma_wait3A_73 = arith.constant 0 : i32
      %dma_wait3A_74 = tpu.memref_slice %arg8[%run_scoped3A_47, %dma_wait3A_73] : memref<4x512xf32, #tpu.memory_space<vmem>> -> memref<1x512xf32, #tpu.memory_space<vmem>>
      %dma_wait3A_75 = tpu.memref_squeeze %dma_wait3A_74 : memref<1x512xf32, #tpu.memory_space<vmem>> -> memref<512xf32, #tpu.memory_space<vmem>>
      tpu.wait_dma2 semaphore(%run_scoped3A_57 : memref<!tpu.dma_semaphore, #tpu.memory_space<semaphore_mem>>) src(%dma_wait3A_75 : memref<512xf32, #tpu.memory_space<vmem>>) dst(%dma_wait3A_72 : memref<512xf32, #tpu.memory_space<hbm>>)
      tpu.yield
    }) : () -> ()
    %mul3A_49 = arith.constant 512 : i32
    %mul3A_50 = arith.muli %select_n3A_30, %mul3A_49 : i32
    %run_scoped3A_51 = arith.constant 2 : i32
    %run_scoped3A_52 = arith.constant 2 : i32
    "tpu.region"() ({
      %run_scoped3A_57 = tpu.sem_alloc : memref<!tpu.dma_semaphore, #tpu.memory_space<semaphore_mem>>
      %dma_start3A = arith.constant 0 : i32
      %dma_start3A_58 = tpu.memref_slice %arg8[%run_scoped3A_51, %dma_start3A] : memref<4x512xf32, #tpu.memory_space<vmem>> -> memref<1x512xf32, #tpu.memory_space<vmem>>
      %dma_start3A_59 = tpu.memref_squeeze %dma_start3A_58 : memref<1x512xf32, #tpu.memory_space<vmem>> -> memref<512xf32, #tpu.memory_space<vmem>>
      %dma_start3A_60 = tpu.memref_slice %arg4[%select_n3A, %run_scoped3A_52, %mul3A_50] : memref<8x4x2048xf32, #tpu.memory_space<hbm>> -> memref<1x1x512xf32, #tpu.memory_space<hbm>>
      %dma_start3A_61 = tpu.memref_squeeze %dma_start3A_60 : memref<1x1x512xf32, #tpu.memory_space<hbm>> -> memref<512xf32, #tpu.memory_space<hbm>>
      %dma_start3A_62 = tpu.memref_slice %arg4[%select_n3A, %run_scoped3A_52, %mul3A_50] : memref<8x4x2048xf32, #tpu.memory_space<hbm>> -> memref<1x1x512xf32, #tpu.memory_space<hbm>>
      %dma_start3A_63 = tpu.memref_squeeze %dma_start3A_62 : memref<1x1x512xf32, #tpu.memory_space<hbm>> -> memref<512xf32, #tpu.memory_space<hbm>>
      %dma_start3A_64 = arith.constant 0 : i32
      %dma_start3A_65 = tpu.memref_slice %arg8[%run_scoped3A_51, %dma_start3A_64] : memref<4x512xf32, #tpu.memory_space<vmem>> -> memref<1x512xf32, #tpu.memory_space<vmem>>
      %dma_start3A_66 = tpu.memref_squeeze %dma_start3A_65 : memref<1x512xf32, #tpu.memory_space<vmem>> -> memref<512xf32, #tpu.memory_space<vmem>>
      tpu.enqueue_dma source(%dma_start3A_66 : memref<512xf32, #tpu.memory_space<vmem>>) target(%dma_start3A_63 : memref<512xf32, #tpu.memory_space<hbm>>) target_semaphore(%run_scoped3A_57 : memref<!tpu.dma_semaphore, #tpu.memory_space<semaphore_mem>>)
      %dma_wait3A = arith.constant 0 : i32
      %dma_wait3A_67 = tpu.memref_slice %arg8[%run_scoped3A_51, %dma_wait3A] : memref<4x512xf32, #tpu.memory_space<vmem>> -> memref<1x512xf32, #tpu.memory_space<vmem>>
      %dma_wait3A_68 = tpu.memref_squeeze %dma_wait3A_67 : memref<1x512xf32, #tpu.memory_space<vmem>> -> memref<512xf32, #tpu.memory_space<vmem>>
      %dma_wait3A_69 = tpu.memref_slice %arg4[%select_n3A, %run_scoped3A_52, %mul3A_50] : memref<8x4x2048xf32, #tpu.memory_space<hbm>> -> memref<1x1x512xf32, #tpu.memory_space<hbm>>
      %dma_wait3A_70 = tpu.memref_squeeze %dma_wait3A_69 : memref<1x1x512xf32, #tpu.memory_space<hbm>> -> memref<512xf32, #tpu.memory_space<hbm>>
      %dma_wait3A_71 = tpu.memref_slice %arg4[%select_n3A, %run_scoped3A_52, %mul3A_50] : memref<8x4x2048xf32, #tpu.memory_space<hbm>> -> memref<1x1x512xf32, #tpu.memory_space<hbm>>
      %dma_wait3A_72 = tpu.memref_squeeze %dma_wait3A_71 : memref<1x1x512xf32, #tpu.memory_space<hbm>> -> memref<512xf32, #tpu.memory_space<hbm>>
      %dma_wait3A_73 = arith.constant 0 : i32
      %dma_wait3A_74 = tpu.memref_slice %arg8[%run_scoped3A_51, %dma_wait3A_73] : memref<4x512xf32, #tpu.memory_space<vmem>> -> memref<1x512xf32, #tpu.memory_space<vmem>>
      %dma_wait3A_75 = tpu.memref_squeeze %dma_wait3A_74 : memref<1x512xf32, #tpu.memory_space<vmem>> -> memref<512xf32, #tpu.memory_space<vmem>>
      tpu.wait_dma2 semaphore(%run_scoped3A_57 : memref<!tpu.dma_semaphore, #tpu.memory_space<semaphore_mem>>) src(%dma_wait3A_75 : memref<512xf32, #tpu.memory_space<vmem>>) dst(%dma_wait3A_72 : memref<512xf32, #tpu.memory_space<hbm>>)
      tpu.yield
    }) : () -> ()
    %mul3A_53 = arith.constant 512 : i32
    %mul3A_54 = arith.muli %select_n3A_30, %mul3A_53 : i32
    %run_scoped3A_55 = arith.constant 3 : i32
    %run_scoped3A_56 = arith.constant 3 : i32
    "tpu.region"() ({
      %run_scoped3A_57 = tpu.sem_alloc : memref<!tpu.dma_semaphore, #tpu.memory_space<semaphore_mem>>
      %dma_start3A = arith.constant 0 : i32
      %dma_start3A_58 = tpu.memref_slice %arg8[%run_scoped3A_55, %dma_start3A] : memref<4x512xf32, #tpu.memory_space<vmem>> -> memref<1x512xf32, #tpu.memory_space<vmem>>
      %dma_start3A_59 = tpu.memref_squeeze %dma_start3A_58 : memref<1x512xf32, #tpu.memory_space<vmem>> -> memref<512xf32, #tpu.memory_space<vmem>>
      %dma_start3A_60 = tpu.memref_slice %arg4[%select_n3A, %run_scoped3A_56, %mul3A_54] : memref<8x4x2048xf32, #tpu.memory_space<hbm>> -> memref<1x1x512xf32, #tpu.memory_space<hbm>>
      %dma_start3A_61 = tpu.memref_squeeze %dma_start3A_60 : memref<1x1x512xf32, #tpu.memory_space<hbm>> -> memref<512xf32, #tpu.memory_space<hbm>>
      %dma_start3A_62 = tpu.memref_slice %arg4[%select_n3A, %run_scoped3A_56, %mul3A_54] : memref<8x4x2048xf32, #tpu.memory_space<hbm>> -> memref<1x1x512xf32, #tpu.memory_space<hbm>>
      %dma_start3A_63 = tpu.memref_squeeze %dma_start3A_62 : memref<1x1x512xf32, #tpu.memory_space<hbm>> -> memref<512xf32, #tpu.memory_space<hbm>>
      %dma_start3A_64 = arith.constant 0 : i32
      %dma_start3A_65 = tpu.memref_slice %arg8[%run_scoped3A_55, %dma_start3A_64] : memref<4x512xf32, #tpu.memory_space<vmem>> -> memref<1x512xf32, #tpu.memory_space<vmem>>
      %dma_start3A_66 = tpu.memref_squeeze %dma_start3A_65 : memref<1x512xf32, #tpu.memory_space<vmem>> -> memref<512xf32, #tpu.memory_space<vmem>>
      tpu.enqueue_dma source(%dma_start3A_66 : memref<512xf32, #tpu.memory_space<vmem>>) target(%dma_start3A_63 : memref<512xf32, #tpu.memory_space<hbm>>) target_semaphore(%run_scoped3A_57 : memref<!tpu.dma_semaphore, #tpu.memory_space<semaphore_mem>>)
      %dma_wait3A = arith.constant 0 : i32
      %dma_wait3A_67 = tpu.memref_slice %arg8[%run_scoped3A_55, %dma_wait3A] : memref<4x512xf32, #tpu.memory_space<vmem>> -> memref<1x512xf32, #tpu.memory_space<vmem>>
      %dma_wait3A_68 = tpu.memref_squeeze %dma_wait3A_67 : memref<1x512xf32, #tpu.memory_space<vmem>> -> memref<512xf32, #tpu.memory_space<vmem>>
      %dma_wait3A_69 = tpu.memref_slice %arg4[%select_n3A, %run_scoped3A_56, %mul3A_54] : memref<8x4x2048xf32, #tpu.memory_space<hbm>> -> memref<1x1x512xf32, #tpu.memory_space<hbm>>
      %dma_wait3A_70 = tpu.memref_squeeze %dma_wait3A_69 : memref<1x1x512xf32, #tpu.memory_space<hbm>> -> memref<512xf32, #tpu.memory_space<hbm>>
      %dma_wait3A_71 = tpu.memref_slice %arg4[%select_n3A, %run_scoped3A_56, %mul3A_54] : memref<8x4x2048xf32, #tpu.memory_space<hbm>> -> memref<1x1x512xf32, #tpu.memory_space<hbm>>
      %dma_wait3A_72 = tpu.memref_squeeze %dma_wait3A_71 : memref<1x1x512xf32, #tpu.memory_space<hbm>> -> memref<512xf32, #tpu.memory_space<hbm>>
      %dma_wait3A_73 = arith.constant 0 : i32
      %dma_wait3A_74 = tpu.memref_slice %arg8[%run_scoped3A_55, %dma_wait3A_73] : memref<4x512xf32, #tpu.memory_space<vmem>> -> memref<1x512xf32, #tpu.memory_space<vmem>>
      %dma_wait3A_75 = tpu.memref_squeeze %dma_wait3A_74 : memref<1x512xf32, #tpu.memory_space<vmem>> -> memref<512xf32, #tpu.memory_space<vmem>>
      tpu.wait_dma2 semaphore(%run_scoped3A_57 : memref<!tpu.dma_semaphore, #tpu.memory_space<semaphore_mem>>) src(%dma_wait3A_75 : memref<512xf32, #tpu.memory_space<vmem>>) dst(%dma_wait3A_72 : memref<512xf32, #tpu.memory_space<hbm>>)
      tpu.yield
    }) : () -> ()
    return
  }
}

#map = affine_map<(d0, d1) -> (0, 0)>
#map1 = affine_map<(d0, d1) -> (0)>
module attributes {stable_mosaic.version = 14 : i64} {
  func.func @_msg_sc_body(%arg0: i32, %arg1: i32, %arg2: memref<8192x128xf32, #tpu.memory_space<hbm>>, %arg3: memref<16384xi32, #tpu.memory_space<hbm>>, %arg4: memref<16384x128xf32, #tpu.memory_space<hbm>>, %arg5: memref<512xi32, #tpu.memory_space<vmem>>, %arg6: memref<128x128xf32, #tpu.memory_space<vmem>>, %arg7: memref<128x128xf32, #tpu.memory_space<vmem>>, %arg8: memref<!tpu.dma_semaphore, #tpu.memory_space<semaphore_mem>>, %arg9: memref<!tpu.dma_semaphore, #tpu.memory_space<semaphore_mem>>, %arg10: memref<!tpu.dma_semaphore, #tpu.memory_space<semaphore_mem>>) attributes {dimension_semantics = [#tpu.dimension_semantics<core_parallel>, #tpu.dimension_semantics<subcore_parallel>], iteration_bounds = array<i64: 2, 16>, scalar_prefetch = 0 : i64, scratch_operands = 6 : i64, tpu.core_type = #tpu.core_type<sc_vector_subcore>, window_params = [{transform_indices = #map}, {transform_indices = #map1}, {transform_indices = #map}]} {
    %mul3A = arith.constant 2 : i32
    %mul3A_0 = arith.muli %arg1, %mul3A : i32
    %add3A = arith.addi %mul3A_0, %arg0 : i32
    %mul3A_1 = arith.constant 512 : i32
    %mul3A_2 = arith.muli %add3A, %mul3A_1 : i32
    "tpu.region"() ({
      %run_scoped3A = tpu.sem_alloc : memref<!tpu.dma_semaphore, #tpu.memory_space<semaphore_mem>>
      %dma_start3A_81 = tpu.memref_slice %arg3[%mul3A_2] : memref<16384xi32, #tpu.memory_space<hbm>> -> memref<512xi32, #tpu.memory_space<hbm>>
      %dma_start3A_82 = tpu.memref_slice %arg3[%mul3A_2] : memref<16384xi32, #tpu.memory_space<hbm>> -> memref<512xi32, #tpu.memory_space<hbm>>
      tpu.enqueue_dma source(%dma_start3A_82 : memref<512xi32, #tpu.memory_space<hbm>>) target(%arg5 : memref<512xi32, #tpu.memory_space<vmem>>) target_semaphore(%run_scoped3A : memref<!tpu.dma_semaphore, #tpu.memory_space<semaphore_mem>>)
      %dma_wait3A_83 = tpu.memref_slice %arg3[%mul3A_2] : memref<16384xi32, #tpu.memory_space<hbm>> -> memref<512xi32, #tpu.memory_space<hbm>>
      %dma_wait3A_84 = tpu.memref_slice %arg3[%mul3A_2] : memref<16384xi32, #tpu.memory_space<hbm>> -> memref<512xi32, #tpu.memory_space<hbm>>
      tpu.wait_dma2 semaphore(%run_scoped3A : memref<!tpu.dma_semaphore, #tpu.memory_space<semaphore_mem>>) src(%dma_wait3A_84 : memref<512xi32, #tpu.memory_space<hbm>>) dst(%arg5 : memref<512xi32, #tpu.memory_space<vmem>>)
      tpu.yield
    }) : () -> ()
    %dma_start3A = arith.constant 0 : i32
    %dma_start3A_3 = tpu.memref_slice %arg5[%dma_start3A] : memref<512xi32, #tpu.memory_space<vmem>> -> memref<128xi32, #tpu.memory_space<vmem>>
    %dma_start3A_4 = arith.constant 0 : i32
    %dma_start3A_5 = arith.constant 0 : i32
    %dma_start3A_6 = tpu.memref_slice %arg2[%dma_start3A_4, %dma_start3A_5] : memref<8192x128xf32, #tpu.memory_space<hbm>> -> memref<8192x128xf32, #tpu.memory_space<hbm>>
    tpu.enqueue_indirect_dma source(%dma_start3A_6 : memref<8192x128xf32, #tpu.memory_space<hbm>>) target(%arg6 : memref<128x128xf32, #tpu.memory_space<vmem>>) offsets(%dma_start3A_3 : memref<128xi32, #tpu.memory_space<vmem>>) semaphore(%arg8 : memref<!tpu.dma_semaphore, #tpu.memory_space<semaphore_mem>>)
    %dma_start3A_7 = arith.constant 128 : i32
    %dma_start3A_8 = tpu.memref_slice %arg5[%dma_start3A_7] : memref<512xi32, #tpu.memory_space<vmem>> -> memref<128xi32, #tpu.memory_space<vmem>>
    %dma_start3A_9 = arith.constant 0 : i32
    %dma_start3A_10 = arith.constant 0 : i32
    %dma_start3A_11 = tpu.memref_slice %arg2[%dma_start3A_9, %dma_start3A_10] : memref<8192x128xf32, #tpu.memory_space<hbm>> -> memref<8192x128xf32, #tpu.memory_space<hbm>>
    tpu.enqueue_indirect_dma source(%dma_start3A_11 : memref<8192x128xf32, #tpu.memory_space<hbm>>) target(%arg7 : memref<128x128xf32, #tpu.memory_space<vmem>>) offsets(%dma_start3A_8 : memref<128xi32, #tpu.memory_space<vmem>>) semaphore(%arg9 : memref<!tpu.dma_semaphore, #tpu.memory_space<semaphore_mem>>)
    %dma_wait3A = arith.constant 0 : i32
    %dma_wait3A_12 = tpu.memref_slice %arg5[%dma_wait3A] : memref<512xi32, #tpu.memory_space<vmem>> -> memref<128xi32, #tpu.memory_space<vmem>>
    %dma_wait3A_13 = arith.constant 0 : i32
    %dma_wait3A_14 = arith.constant 0 : i32
    %dma_wait3A_15 = tpu.memref_slice %arg2[%dma_wait3A_13, %dma_wait3A_14] : memref<8192x128xf32, #tpu.memory_space<hbm>> -> memref<8192x128xf32, #tpu.memory_space<hbm>>
    tpu.wait_indirect_dma semaphore(%arg8 : memref<!tpu.dma_semaphore, #tpu.memory_space<semaphore_mem>>) src(%dma_wait3A_15 : memref<8192x128xf32, #tpu.memory_space<hbm>>) dst(%arg6 : memref<128x128xf32, #tpu.memory_space<vmem>>)
    %add3A_16 = arith.constant 0 : i32
    %add3A_17 = arith.addi %mul3A_2, %add3A_16 : i32
    %dma_start3A_18 = arith.constant 0 : i32
    %dma_start3A_19 = tpu.memref_slice %arg4[%add3A_17, %dma_start3A_18] : memref<16384x128xf32, #tpu.memory_space<hbm>> -> memref<128x128xf32, #tpu.memory_space<hbm>>
    %dma_start3A_20 = arith.constant 0 : i32
    %dma_start3A_21 = tpu.memref_slice %arg4[%add3A_17, %dma_start3A_20] : memref<16384x128xf32, #tpu.memory_space<hbm>> -> memref<128x128xf32, #tpu.memory_space<hbm>>
    tpu.enqueue_dma source(%arg6 : memref<128x128xf32, #tpu.memory_space<vmem>>) target(%dma_start3A_21 : memref<128x128xf32, #tpu.memory_space<hbm>>) target_semaphore(%arg10 : memref<!tpu.dma_semaphore, #tpu.memory_space<semaphore_mem>>)
    %dma_wait3A_22 = arith.constant 0 : i32
    %dma_wait3A_23 = tpu.memref_slice %arg4[%add3A_17, %dma_wait3A_22] : memref<16384x128xf32, #tpu.memory_space<hbm>> -> memref<128x128xf32, #tpu.memory_space<hbm>>
    %dma_wait3A_24 = arith.constant 0 : i32
    %dma_wait3A_25 = tpu.memref_slice %arg4[%add3A_17, %dma_wait3A_24] : memref<16384x128xf32, #tpu.memory_space<hbm>> -> memref<128x128xf32, #tpu.memory_space<hbm>>
    tpu.wait_dma2 semaphore(%arg10 : memref<!tpu.dma_semaphore, #tpu.memory_space<semaphore_mem>>) src(%arg6 : memref<128x128xf32, #tpu.memory_space<vmem>>) dst(%dma_wait3A_25 : memref<128x128xf32, #tpu.memory_space<hbm>>)
    %dma_start3A_26 = arith.constant 256 : i32
    %dma_start3A_27 = tpu.memref_slice %arg5[%dma_start3A_26] : memref<512xi32, #tpu.memory_space<vmem>> -> memref<128xi32, #tpu.memory_space<vmem>>
    %dma_start3A_28 = arith.constant 0 : i32
    %dma_start3A_29 = arith.constant 0 : i32
    %dma_start3A_30 = tpu.memref_slice %arg2[%dma_start3A_28, %dma_start3A_29] : memref<8192x128xf32, #tpu.memory_space<hbm>> -> memref<8192x128xf32, #tpu.memory_space<hbm>>
    tpu.enqueue_indirect_dma source(%dma_start3A_30 : memref<8192x128xf32, #tpu.memory_space<hbm>>) target(%arg6 : memref<128x128xf32, #tpu.memory_space<vmem>>) offsets(%dma_start3A_27 : memref<128xi32, #tpu.memory_space<vmem>>) semaphore(%arg8 : memref<!tpu.dma_semaphore, #tpu.memory_space<semaphore_mem>>)
    %dma_wait3A_31 = arith.constant 128 : i32
    %dma_wait3A_32 = tpu.memref_slice %arg5[%dma_wait3A_31] : memref<512xi32, #tpu.memory_space<vmem>> -> memref<128xi32, #tpu.memory_space<vmem>>
    %dma_wait3A_33 = arith.constant 0 : i32
    %dma_wait3A_34 = arith.constant 0 : i32
    %dma_wait3A_35 = tpu.memref_slice %arg2[%dma_wait3A_33, %dma_wait3A_34] : memref<8192x128xf32, #tpu.memory_space<hbm>> -> memref<8192x128xf32, #tpu.memory_space<hbm>>
    tpu.wait_indirect_dma semaphore(%arg9 : memref<!tpu.dma_semaphore, #tpu.memory_space<semaphore_mem>>) src(%dma_wait3A_35 : memref<8192x128xf32, #tpu.memory_space<hbm>>) dst(%arg7 : memref<128x128xf32, #tpu.memory_space<vmem>>)
    %add3A_36 = arith.constant 128 : i32
    %add3A_37 = arith.addi %mul3A_2, %add3A_36 : i32
    %dma_start3A_38 = arith.constant 0 : i32
    %dma_start3A_39 = tpu.memref_slice %arg4[%add3A_37, %dma_start3A_38] : memref<16384x128xf32, #tpu.memory_space<hbm>> -> memref<128x128xf32, #tpu.memory_space<hbm>>
    %dma_start3A_40 = arith.constant 0 : i32
    %dma_start3A_41 = tpu.memref_slice %arg4[%add3A_37, %dma_start3A_40] : memref<16384x128xf32, #tpu.memory_space<hbm>> -> memref<128x128xf32, #tpu.memory_space<hbm>>
    tpu.enqueue_dma source(%arg7 : memref<128x128xf32, #tpu.memory_space<vmem>>) target(%dma_start3A_41 : memref<128x128xf32, #tpu.memory_space<hbm>>) target_semaphore(%arg10 : memref<!tpu.dma_semaphore, #tpu.memory_space<semaphore_mem>>)
    %dma_wait3A_42 = arith.constant 0 : i32
    %dma_wait3A_43 = tpu.memref_slice %arg4[%add3A_37, %dma_wait3A_42] : memref<16384x128xf32, #tpu.memory_space<hbm>> -> memref<128x128xf32, #tpu.memory_space<hbm>>
    %dma_wait3A_44 = arith.constant 0 : i32
    %dma_wait3A_45 = tpu.memref_slice %arg4[%add3A_37, %dma_wait3A_44] : memref<16384x128xf32, #tpu.memory_space<hbm>> -> memref<128x128xf32, #tpu.memory_space<hbm>>
    tpu.wait_dma2 semaphore(%arg10 : memref<!tpu.dma_semaphore, #tpu.memory_space<semaphore_mem>>) src(%arg7 : memref<128x128xf32, #tpu.memory_space<vmem>>) dst(%dma_wait3A_45 : memref<128x128xf32, #tpu.memory_space<hbm>>)
    %dma_start3A_46 = arith.constant 384 : i32
    %dma_start3A_47 = tpu.memref_slice %arg5[%dma_start3A_46] : memref<512xi32, #tpu.memory_space<vmem>> -> memref<128xi32, #tpu.memory_space<vmem>>
    %dma_start3A_48 = arith.constant 0 : i32
    %dma_start3A_49 = arith.constant 0 : i32
    %dma_start3A_50 = tpu.memref_slice %arg2[%dma_start3A_48, %dma_start3A_49] : memref<8192x128xf32, #tpu.memory_space<hbm>> -> memref<8192x128xf32, #tpu.memory_space<hbm>>
    tpu.enqueue_indirect_dma source(%dma_start3A_50 : memref<8192x128xf32, #tpu.memory_space<hbm>>) target(%arg7 : memref<128x128xf32, #tpu.memory_space<vmem>>) offsets(%dma_start3A_47 : memref<128xi32, #tpu.memory_space<vmem>>) semaphore(%arg9 : memref<!tpu.dma_semaphore, #tpu.memory_space<semaphore_mem>>)
    %dma_wait3A_51 = arith.constant 256 : i32
    %dma_wait3A_52 = tpu.memref_slice %arg5[%dma_wait3A_51] : memref<512xi32, #tpu.memory_space<vmem>> -> memref<128xi32, #tpu.memory_space<vmem>>
    %dma_wait3A_53 = arith.constant 0 : i32
    %dma_wait3A_54 = arith.constant 0 : i32
    %dma_wait3A_55 = tpu.memref_slice %arg2[%dma_wait3A_53, %dma_wait3A_54] : memref<8192x128xf32, #tpu.memory_space<hbm>> -> memref<8192x128xf32, #tpu.memory_space<hbm>>
    tpu.wait_indirect_dma semaphore(%arg8 : memref<!tpu.dma_semaphore, #tpu.memory_space<semaphore_mem>>) src(%dma_wait3A_55 : memref<8192x128xf32, #tpu.memory_space<hbm>>) dst(%arg6 : memref<128x128xf32, #tpu.memory_space<vmem>>)
    %add3A_56 = arith.constant 256 : i32
    %add3A_57 = arith.addi %mul3A_2, %add3A_56 : i32
    %dma_start3A_58 = arith.constant 0 : i32
    %dma_start3A_59 = tpu.memref_slice %arg4[%add3A_57, %dma_start3A_58] : memref<16384x128xf32, #tpu.memory_space<hbm>> -> memref<128x128xf32, #tpu.memory_space<hbm>>
    %dma_start3A_60 = arith.constant 0 : i32
    %dma_start3A_61 = tpu.memref_slice %arg4[%add3A_57, %dma_start3A_60] : memref<16384x128xf32, #tpu.memory_space<hbm>> -> memref<128x128xf32, #tpu.memory_space<hbm>>
    tpu.enqueue_dma source(%arg6 : memref<128x128xf32, #tpu.memory_space<vmem>>) target(%dma_start3A_61 : memref<128x128xf32, #tpu.memory_space<hbm>>) target_semaphore(%arg10 : memref<!tpu.dma_semaphore, #tpu.memory_space<semaphore_mem>>)
    %dma_wait3A_62 = arith.constant 384 : i32
    %dma_wait3A_63 = tpu.memref_slice %arg5[%dma_wait3A_62] : memref<512xi32, #tpu.memory_space<vmem>> -> memref<128xi32, #tpu.memory_space<vmem>>
    %dma_wait3A_64 = arith.constant 0 : i32
    %dma_wait3A_65 = arith.constant 0 : i32
    %dma_wait3A_66 = tpu.memref_slice %arg2[%dma_wait3A_64, %dma_wait3A_65] : memref<8192x128xf32, #tpu.memory_space<hbm>> -> memref<8192x128xf32, #tpu.memory_space<hbm>>
    tpu.wait_indirect_dma semaphore(%arg9 : memref<!tpu.dma_semaphore, #tpu.memory_space<semaphore_mem>>) src(%dma_wait3A_66 : memref<8192x128xf32, #tpu.memory_space<hbm>>) dst(%arg7 : memref<128x128xf32, #tpu.memory_space<vmem>>)
    %add3A_67 = arith.constant 384 : i32
    %add3A_68 = arith.addi %mul3A_2, %add3A_67 : i32
    %dma_start3A_69 = arith.constant 0 : i32
    %dma_start3A_70 = tpu.memref_slice %arg4[%add3A_68, %dma_start3A_69] : memref<16384x128xf32, #tpu.memory_space<hbm>> -> memref<128x128xf32, #tpu.memory_space<hbm>>
    %dma_start3A_71 = arith.constant 0 : i32
    %dma_start3A_72 = tpu.memref_slice %arg4[%add3A_68, %dma_start3A_71] : memref<16384x128xf32, #tpu.memory_space<hbm>> -> memref<128x128xf32, #tpu.memory_space<hbm>>
    tpu.enqueue_dma source(%arg7 : memref<128x128xf32, #tpu.memory_space<vmem>>) target(%dma_start3A_72 : memref<128x128xf32, #tpu.memory_space<hbm>>) target_semaphore(%arg10 : memref<!tpu.dma_semaphore, #tpu.memory_space<semaphore_mem>>)
    %dma_wait3A_73 = arith.constant 0 : i32
    %dma_wait3A_74 = tpu.memref_slice %arg4[%add3A_57, %dma_wait3A_73] : memref<16384x128xf32, #tpu.memory_space<hbm>> -> memref<128x128xf32, #tpu.memory_space<hbm>>
    %dma_wait3A_75 = arith.constant 0 : i32
    %dma_wait3A_76 = tpu.memref_slice %arg4[%add3A_57, %dma_wait3A_75] : memref<16384x128xf32, #tpu.memory_space<hbm>> -> memref<128x128xf32, #tpu.memory_space<hbm>>
    tpu.wait_dma2 semaphore(%arg10 : memref<!tpu.dma_semaphore, #tpu.memory_space<semaphore_mem>>) src(%arg6 : memref<128x128xf32, #tpu.memory_space<vmem>>) dst(%dma_wait3A_76 : memref<128x128xf32, #tpu.memory_space<hbm>>)
    %dma_wait3A_77 = arith.constant 0 : i32
    %dma_wait3A_78 = tpu.memref_slice %arg4[%add3A_68, %dma_wait3A_77] : memref<16384x128xf32, #tpu.memory_space<hbm>> -> memref<128x128xf32, #tpu.memory_space<hbm>>
    %dma_wait3A_79 = arith.constant 0 : i32
    %dma_wait3A_80 = tpu.memref_slice %arg4[%add3A_68, %dma_wait3A_79] : memref<16384x128xf32, #tpu.memory_space<hbm>> -> memref<128x128xf32, #tpu.memory_space<hbm>>
    tpu.wait_dma2 semaphore(%arg10 : memref<!tpu.dma_semaphore, #tpu.memory_space<semaphore_mem>>) src(%arg7 : memref<128x128xf32, #tpu.memory_space<vmem>>) dst(%dma_wait3A_80 : memref<128x128xf32, #tpu.memory_space<hbm>>)
    return
  }
}

module attributes {stable_mosaic.version = 14 : i64} {
  func.func @_h0_body(%arg0: i32, %arg1: memref<1x2x1024xf32, #tpu.memory_space<vmem>>, %arg2: memref<2x128xf32, #tpu.memory_space<vmem>>, %arg3: memref<1x128xf32, #tpu.memory_space<vmem>>, %arg4: memref<1x1024x128xf32, #tpu.memory_space<vmem>>) attributes {dimension_semantics = [#tpu.dimension_semantics<arbitrary>], iteration_bounds = array<i64: 8>, scalar_prefetch = 0 : i64, scratch_operands = 0 : i64, tpu.core_type = #tpu.core_type<tc>, window_params = [{transform_indices = @transform_0, window_bounds = array<i64: 1, 2, 1024>}, {pipeline_mode = #tpu.pipeline_mode<synchronous>, transform_indices = @transform_1, window_bounds = array<i64: 2, 128>}, {pipeline_mode = #tpu.pipeline_mode<synchronous>, transform_indices = @transform_2, window_bounds = array<i64: 1, 128>}, {transform_indices = @transform_3, window_bounds = array<i64: 1, 1024, 128>}]} {
    %get3A = arith.constant 0 : index
    %get3A_0 = arith.constant 0 : index
    %get3A_1 = arith.constant 0 : index
    %get3A_2 = vector.load %arg1[%get3A, %get3A_0, %get3A_1] : memref<1x2x1024xf32, #tpu.memory_space<vmem>>, vector<1x2x1024xf32>
    %get3A_3 = vector.shape_cast %get3A_2 : vector<1x2x1024xf32> to vector<2x1024xf32>
    %get3A_4 = arith.constant 0 : index
    %get3A_5 = arith.constant 0 : index
    %get3A_6 = vector.load %arg2[%get3A_4, %get3A_5] : memref<2x128xf32, #tpu.memory_space<vmem>>, vector<2x128xf32>
    %slice3A = vector.extract_strided_slice %get3A_3 {offsets = [0, 0], sizes = [1, 1024], strides = [1, 1]} : vector<2x1024xf32> to vector<1x1024xf32>
    %squeeze3A = vector.shape_cast %slice3A : vector<1x1024xf32> to vector<1024xf32>
    %broadcast_in_dim3A = vector.shape_cast %squeeze3A : vector<1024xf32> to vector<1024x1xf32>
    %slice3A_7 = vector.extract_strided_slice %get3A_6 {offsets = [0, 0], sizes = [1, 128], strides = [1, 1]} : vector<2x128xf32> to vector<1x128xf32>
    %squeeze3A_8 = vector.shape_cast %slice3A_7 : vector<1x128xf32> to vector<128xf32>
    %broadcast_in_dim3A_9 = vector.shape_cast %squeeze3A_8 : vector<128xf32> to vector<1x128xf32>
    %mul3A = vector.broadcast %broadcast_in_dim3A : vector<1024x1xf32> to vector<1024x128xf32>
    %mul3A_10 = vector.broadcast %broadcast_in_dim3A_9 : vector<1x128xf32> to vector<1024x128xf32>
    %mul3A_11 = arith.mulf %mul3A, %mul3A_10 : vector<1024x128xf32>
    %slice3A_12 = vector.extract_strided_slice %get3A_3 {offsets = [1, 0], sizes = [1, 1024], strides = [1, 1]} : vector<2x1024xf32> to vector<1x1024xf32>
    %squeeze3A_13 = vector.shape_cast %slice3A_12 : vector<1x1024xf32> to vector<1024xf32>
    %broadcast_in_dim3A_14 = vector.shape_cast %squeeze3A_13 : vector<1024xf32> to vector<1024x1xf32>
    %slice3A_15 = vector.extract_strided_slice %get3A_6 {offsets = [1, 0], sizes = [1, 128], strides = [1, 1]} : vector<2x128xf32> to vector<1x128xf32>
    %squeeze3A_16 = vector.shape_cast %slice3A_15 : vector<1x128xf32> to vector<128xf32>
    %broadcast_in_dim3A_17 = vector.shape_cast %squeeze3A_16 : vector<128xf32> to vector<1x128xf32>
    %mul3A_18 = vector.broadcast %broadcast_in_dim3A_14 : vector<1024x1xf32> to vector<1024x128xf32>
    %mul3A_19 = vector.broadcast %broadcast_in_dim3A_17 : vector<1x128xf32> to vector<1024x128xf32>
    %mul3A_20 = arith.mulf %mul3A_18, %mul3A_19 : vector<1024x128xf32>
    %add3A = arith.addf %mul3A_11, %mul3A_20 : vector<1024x128xf32>
    %get3A_21 = arith.constant 0 : index
    %get3A_22 = arith.constant 0 : index
    %get3A_23 = vector.load %arg3[%get3A_21, %get3A_22] : memref<1x128xf32, #tpu.memory_space<vmem>>, vector<1x128xf32>
    %add3A_24 = vector.broadcast %get3A_23 : vector<1x128xf32> to vector<1024x128xf32>
    %add3A_25 = arith.addf %add3A, %add3A_24 : vector<1024x128xf32>
    %swap3A = arith.constant 0 : index
    %swap3A_26 = arith.constant 0 : index
    %swap3A_27 = arith.constant 0 : index
    %swap3A_28 = vector.load %arg4[%swap3A, %swap3A_26, %swap3A_27] : memref<1x1024x128xf32, #tpu.memory_space<vmem>>, vector<1x1024x128xf32>
    %swap3A_29 = vector.shape_cast %swap3A_28 : vector<1x1024x128xf32> to vector<1024x128xf32>
    %swap3A_30 = vector.shape_cast %add3A_25 : vector<1024x128xf32> to vector<1x1024x128xf32>
    tpu.vector_store %arg4[%swap3A, %swap3A_26, %swap3A_27], %swap3A_30 {strides = array<i32>} : memref<1x1024x128xf32, #tpu.memory_space<vmem>>, vector<1x1024x128xf32>,
    return
  }
  func.func @transform_0(%arg0: i32) -> (i32, i32, i32) {
    %c0_i32 = arith.constant 0 : i32
    %c0_i32_0 = arith.constant 0 : i32
    %c0_i32_1 = arith.constant 0 : i32
    return %arg0, %c0_i32, %c0_i32_0 : i32, i32, i32
  }
  func.func @transform_1(%arg0: i32) -> (i32, i32) {
    %c0_i32 = arith.constant 0 : i32
    %c0_i32_0 = arith.constant 0 : i32
    %c0_i32_1 = arith.constant 0 : i32
    return %c0_i32, %c0_i32_0 : i32, i32
  }
  func.func @transform_2(%arg0: i32) -> (i32, i32) {
    %c0_i32 = arith.constant 0 : i32
    %c0_i32_0 = arith.constant 0 : i32
    %c0_i32_1 = arith.constant 0 : i32
    return %c0_i32, %c0_i32_0 : i32, i32
  }
  func.func @transform_3(%arg0: i32) -> (i32, i32, i32) {
    %c0_i32 = arith.constant 0 : i32
    %c0_i32_0 = arith.constant 0 : i32
    %c0_i32_1 = arith.constant 0 : i32
    return %arg0, %c0_i32, %c0_i32_0 : i32, i32, i32
  }
}

module attributes {stable_mosaic.version = 14 : i64} {
  func.func @_layer_body(%arg0: i32, %arg1: memref<1024x128xf32, #tpu.memory_space<vmem>>, %arg2: memref<1x2048x128xf32, #tpu.memory_space<vmem>>, %arg3: memref<1x2048x128xf32, #tpu.memory_space<vmem>>, %arg4: memref<1x1x2048xi32, #tpu.memory_space<vmem>>, %arg5: memref<128x128xf32, #tpu.memory_space<vmem>>, %arg6: memref<1x128xf32, #tpu.memory_space<vmem>>, %arg7: memref<128x128xf32, #tpu.memory_space<vmem>>, %arg8: memref<1x128xf32, #tpu.memory_space<vmem>>, %arg9: memref<1024x128xf32, #tpu.memory_space<vmem>>) attributes {dimension_semantics = [#tpu.dimension_semantics<arbitrary>], iteration_bounds = array<i64: 8>, scalar_prefetch = 0 : i64, scratch_operands = 0 : i64, tpu.core_type = #tpu.core_type<tc>, window_params = [{transform_indices = @transform_0, window_bounds = array<i64: 1024, 128>}, {transform_indices = @transform_1, window_bounds = array<i64: 1, 2048, 128>}, {transform_indices = @transform_2, window_bounds = array<i64: 1, 2048, 128>}, {transform_indices = @transform_3, window_bounds = array<i64: 1, 1, 2048>}, {pipeline_mode = #tpu.pipeline_mode<synchronous>, transform_indices = @transform_4, window_bounds = array<i64: 128, 128>}, {pipeline_mode = #tpu.pipeline_mode<synchronous>, transform_indices = @transform_5, window_bounds = array<i64: 1, 128>}, {pipeline_mode = #tpu.pipeline_mode<synchronous>, transform_indices = @transform_6, window_bounds = array<i64: 128, 128>}, {pipeline_mode = #tpu.pipeline_mode<synchronous>, transform_indices = @transform_7, window_bounds = array<i64: 1, 128>}, {transform_indices = @transform_8, window_bounds = array<i64: 1024, 128>}]} {
    %get3A = arith.constant 0 : index
    %get3A_0 = arith.constant 0 : index
    %get3A_1 = arith.constant 0 : index
    %get3A_2 = vector.load %arg2[%get3A, %get3A_0, %get3A_1] : memref<1x2048x128xf32, #tpu.memory_space<vmem>>, vector<1x2048x128xf32>
    %get3A_3 = vector.shape_cast %get3A_2 : vector<1x2048x128xf32> to vector<2048x128xf32>
    %get3A_4 = arith.constant 0 : index
    %get3A_5 = arith.constant 0 : index
    %get3A_6 = arith.constant 0 : index
    %get3A_7 = vector.load %arg3[%get3A_4, %get3A_5, %get3A_6] : memref<1x2048x128xf32, #tpu.memory_space<vmem>>, vector<1x2048x128xf32>
    %get3A_8 = vector.shape_cast %get3A_7 : vector<1x2048x128xf32> to vector<2048x128xf32>
    %get3A_9 = arith.constant 0 : index
    %get3A_10 = arith.constant 0 : index
    %get3A_11 = arith.constant 0 : index
    %get3A_12 = vector.load %arg4[%get3A_9, %get3A_10, %get3A_11] : memref<1x1x2048xi32, #tpu.memory_space<vmem>>, vector<1x1x2048xi32>
    %get3A_13 = vector.shape_cast %get3A_12 : vector<1x1x2048xi32> to vector<2048xi32>
    %broadcast_in_dim3A = arith.constant 0.000000e+00 : f32
    %broadcast_in_dim3A_14 = vector.broadcast %broadcast_in_dim3A : f32 to vector<1024x128xf32>
    %iota3A = tpu.iota {dimensions = array<i32: 1>} : vector<256x1024xi32>
    %slice3A = vector.extract_strided_slice %get3A_13 {offsets = [0], sizes = [256], strides = [1]} : vector<2048xi32> to vector<256xi32>
    %broadcast_in_dim3A_15 = vector.shape_cast %slice3A : vector<256xi32> to vector<256x1xi32>
    %eq3A = vector.broadcast %broadcast_in_dim3A_15 : vector<256x1xi32> to vector<256x1024xi32>
    %eq3A_16 = arith.cmpi eq, %eq3A, %iota3A : vector<256x1024xi32>
    %convert_element_type3A = arith.extui %eq3A_16 : vector<256x1024xi1> to vector<256x1024xi32>
    %convert_element_type3A_17 = arith.sitofp %convert_element_type3A : vector<256x1024xi32> to vector<256x1024xf32>
    %convert_element_type3A_18 = arith.truncf %convert_element_type3A_17 : vector<256x1024xf32> to vector<256x1024xbf16>
    %slice3A_19 = vector.extract_strided_slice %get3A_3 {offsets = [0, 0], sizes = [256, 128], strides = [1, 1]} : vector<2048x128xf32> to vector<256x128xf32>
    %slice3A_20 = vector.extract_strided_slice %get3A_8 {offsets = [0, 0], sizes = [256, 128], strides = [1, 1]} : vector<2048x128xf32> to vector<256x128xf32>
    %add3A = arith.addf %slice3A_19, %slice3A_20 : vector<256x128xf32>
    %max3A = arith.constant 0.000000e+00 : f32
    %max3A_21 = vector.broadcast %max3A : f32 to vector<256x128xf32>
    %max3A_22 = arith.maximumf %add3A, %max3A_21 : vector<256x128xf32>
    %convert_element_type3A_23 = arith.truncf %max3A_22 : vector<256x128xf32> to vector<256x128xbf16>
    %dot_general3A = arith.constant dense<0.000000e+00> : vector<1024x128xf32>
    %dot_general3A_24 = tpu.matmul %convert_element_type3A_18, %convert_element_type3A_23, %dot_general3A {dimension_numbers = #tpu.dot_dimension_numbers<[0], [0], [1], [1], [0, 1, 1, 1], [], []>, transpose_lhs_hint = false} : vector<256x1024xbf16>, vector<256x128xbf16>, vector<1024x128xf32> -> vector<1024x128xf32>
    %add3A_25 = arith.addf %broadcast_in_dim3A_14, %dot_general3A_24 : vector<1024x128xf32>
    %slice3A_26 = vector.extract_strided_slice %get3A_13 {offsets = [256], sizes = [256], strides = [1]} : vector<2048xi32> to vector<256xi32>
    %broadcast_in_dim3A_27 = vector.shape_cast %slice3A_26 : vector<256xi32> to vector<256x1xi32>
    %eq3A_28 = vector.broadcast %broadcast_in_dim3A_27 : vector<256x1xi32> to vector<256x1024xi32>
    %eq3A_29 = arith.cmpi eq, %eq3A_28, %iota3A : vector<256x1024xi32>
    %convert_element_type3A_30 = arith.extui %eq3A_29 : vector<256x1024xi1> to vector<256x1024xi32>
    %convert_element_type3A_31 = arith.sitofp %convert_element_type3A_30 : vector<256x1024xi32> to vector<256x1024xf32>
    %convert_element_type3A_32 = arith.truncf %convert_element_type3A_31 : vector<256x1024xf32> to vector<256x1024xbf16>
    %slice3A_33 = vector.extract_strided_slice %get3A_3 {offsets = [256, 0], sizes = [256, 128], strides = [1, 1]} : vector<2048x128xf32> to vector<256x128xf32>
    %slice3A_34 = vector.extract_strided_slice %get3A_8 {offsets = [256, 0], sizes = [256, 128], strides = [1, 1]} : vector<2048x128xf32> to vector<256x128xf32>
    %add3A_35 = arith.addf %slice3A_33, %slice3A_34 : vector<256x128xf32>
    %max3A_36 = arith.constant 0.000000e+00 : f32
    %max3A_37 = vector.broadcast %max3A_36 : f32 to vector<256x128xf32>
    %max3A_38 = arith.maximumf %add3A_35, %max3A_37 : vector<256x128xf32>
    %convert_element_type3A_39 = arith.truncf %max3A_38 : vector<256x128xf32> to vector<256x128xbf16>
    %dot_general3A_40 = arith.constant dense<0.000000e+00> : vector<1024x128xf32>
    %dot_general3A_41 = tpu.matmul %convert_element_type3A_32, %convert_element_type3A_39, %dot_general3A_40 {dimension_numbers = #tpu.dot_dimension_numbers<[0], [0], [1], [1], [0, 1, 1, 1], [], []>, transpose_lhs_hint = false} : vector<256x1024xbf16>, vector<256x128xbf16>, vector<1024x128xf32> -> vector<1024x128xf32>
    %add3A_42 = arith.addf %add3A_25, %dot_general3A_41 : vector<1024x128xf32>
    %slice3A_43 = vector.extract_strided_slice %get3A_13 {offsets = [512], sizes = [256], strides = [1]} : vector<2048xi32> to vector<256xi32>
    %broadcast_in_dim3A_44 = vector.shape_cast %slice3A_43 : vector<256xi32> to vector<256x1xi32>
    %eq3A_45 = vector.broadcast %broadcast_in_dim3A_44 : vector<256x1xi32> to vector<256x1024xi32>
    %eq3A_46 = arith.cmpi eq, %eq3A_45, %iota3A : vector<256x1024xi32>
    %convert_element_type3A_47 = arith.extui %eq3A_46 : vector<256x1024xi1> to vector<256x1024xi32>
    %convert_element_type3A_48 = arith.sitofp %convert_element_type3A_47 : vector<256x1024xi32> to vector<256x1024xf32>
    %convert_element_type3A_49 = arith.truncf %convert_element_type3A_48 : vector<256x1024xf32> to vector<256x1024xbf16>
    %slice3A_50 = vector.extract_strided_slice %get3A_3 {offsets = [512, 0], sizes = [256, 128], strides = [1, 1]} : vector<2048x128xf32> to vector<256x128xf32>
    %slice3A_51 = vector.extract_strided_slice %get3A_8 {offsets = [512, 0], sizes = [256, 128], strides = [1, 1]} : vector<2048x128xf32> to vector<256x128xf32>
    %add3A_52 = arith.addf %slice3A_50, %slice3A_51 : vector<256x128xf32>
    %max3A_53 = arith.constant 0.000000e+00 : f32
    %max3A_54 = vector.broadcast %max3A_53 : f32 to vector<256x128xf32>
    %max3A_55 = arith.maximumf %add3A_52, %max3A_54 : vector<256x128xf32>
    %convert_element_type3A_56 = arith.truncf %max3A_55 : vector<256x128xf32> to vector<256x128xbf16>
    %dot_general3A_57 = arith.constant dense<0.000000e+00> : vector<1024x128xf32>
    %dot_general3A_58 = tpu.matmul %convert_element_type3A_49, %convert_element_type3A_56, %dot_general3A_57 {dimension_numbers = #tpu.dot_dimension_numbers<[0], [0], [1], [1], [0, 1, 1, 1], [], []>, transpose_lhs_hint = false} : vector<256x1024xbf16>, vector<256x128xbf16>, vector<1024x128xf32> -> vector<1024x128xf32>
    %add3A_59 = arith.addf %add3A_42, %dot_general3A_58 : vector<1024x128xf32>
    %slice3A_60 = vector.extract_strided_slice %get3A_13 {offsets = [768], sizes = [256], strides = [1]} : vector<2048xi32> to vector<256xi32>
    %broadcast_in_dim3A_61 = vector.shape_cast %slice3A_60 : vector<256xi32> to vector<256x1xi32>
    %eq3A_62 = vector.broadcast %broadcast_in_dim3A_61 : vector<256x1xi32> to vector<256x1024xi32>
    %eq3A_63 = arith.cmpi eq, %eq3A_62, %iota3A : vector<256x1024xi32>
    %convert_element_type3A_64 = arith.extui %eq3A_63 : vector<256x1024xi1> to vector<256x1024xi32>
    %convert_element_type3A_65 = arith.sitofp %convert_element_type3A_64 : vector<256x1024xi32> to vector<256x1024xf32>
    %convert_element_type3A_66 = arith.truncf %convert_element_type3A_65 : vector<256x1024xf32> to vector<256x1024xbf16>
    %slice3A_67 = vector.extract_strided_slice %get3A_3 {offsets = [768, 0], sizes = [256, 128], strides = [1, 1]} : vector<2048x128xf32> to vector<256x128xf32>
    %slice3A_68 = vector.extract_strided_slice %get3A_8 {offsets = [768, 0], sizes = [256, 128], strides = [1, 1]} : vector<2048x128xf32> to vector<256x128xf32>
    %add3A_69 = arith.addf %slice3A_67, %slice3A_68 : vector<256x128xf32>
    %max3A_70 = arith.constant 0.000000e+00 : f32
    %max3A_71 = vector.broadcast %max3A_70 : f32 to vector<256x128xf32>
    %max3A_72 = arith.maximumf %add3A_69, %max3A_71 : vector<256x128xf32>
    %convert_element_type3A_73 = arith.truncf %max3A_72 : vector<256x128xf32> to vector<256x128xbf16>
    %dot_general3A_74 = arith.constant dense<0.000000e+00> : vector<1024x128xf32>
    %dot_general3A_75 = tpu.matmul %convert_element_type3A_66, %convert_element_type3A_73, %dot_general3A_74 {dimension_numbers = #tpu.dot_dimension_numbers<[0], [0], [1], [1], [0, 1, 1, 1], [], []>, transpose_lhs_hint = false} : vector<256x1024xbf16>, vector<256x128xbf16>, vector<1024x128xf32> -> vector<1024x128xf32>
    %add3A_76 = arith.addf %add3A_59, %dot_general3A_75 : vector<1024x128xf32>
    %slice3A_77 = vector.extract_strided_slice %get3A_13 {offsets = [1024], sizes = [256], strides = [1]} : vector<2048xi32> to vector<256xi32>
    %broadcast_in_dim3A_78 = vector.shape_cast %slice3A_77 : vector<256xi32> to vector<256x1xi32>
    %eq3A_79 = vector.broadcast %broadcast_in_dim3A_78 : vector<256x1xi32> to vector<256x1024xi32>
    %eq3A_80 = arith.cmpi eq, %eq3A_79, %iota3A : vector<256x1024xi32>
    %convert_element_type3A_81 = arith.extui %eq3A_80 : vector<256x1024xi1> to vector<256x1024xi32>
    %convert_element_type3A_82 = arith.sitofp %convert_element_type3A_81 : vector<256x1024xi32> to vector<256x1024xf32>
    %convert_element_type3A_83 = arith.truncf %convert_element_type3A_82 : vector<256x1024xf32> to vector<256x1024xbf16>
    %slice3A_84 = vector.extract_strided_slice %get3A_3 {offsets = [1024, 0], sizes = [256, 128], strides = [1, 1]} : vector<2048x128xf32> to vector<256x128xf32>
    %slice3A_85 = vector.extract_strided_slice %get3A_8 {offsets = [1024, 0], sizes = [256, 128], strides = [1, 1]} : vector<2048x128xf32> to vector<256x128xf32>
    %add3A_86 = arith.addf %slice3A_84, %slice3A_85 : vector<256x128xf32>
    %max3A_87 = arith.constant 0.000000e+00 : f32
    %max3A_88 = vector.broadcast %max3A_87 : f32 to vector<256x128xf32>
    %max3A_89 = arith.maximumf %add3A_86, %max3A_88 : vector<256x128xf32>
    %convert_element_type3A_90 = arith.truncf %max3A_89 : vector<256x128xf32> to vector<256x128xbf16>
    %dot_general3A_91 = arith.constant dense<0.000000e+00> : vector<1024x128xf32>
    %dot_general3A_92 = tpu.matmul %convert_element_type3A_83, %convert_element_type3A_90, %dot_general3A_91 {dimension_numbers = #tpu.dot_dimension_numbers<[0], [0], [1], [1], [0, 1, 1, 1], [], []>, transpose_lhs_hint = false} : vector<256x1024xbf16>, vector<256x128xbf16>, vector<1024x128xf32> -> vector<1024x128xf32>
    %add3A_93 = arith.addf %add3A_76, %dot_general3A_92 : vector<1024x128xf32>
    %slice3A_94 = vector.extract_strided_slice %get3A_13 {offsets = [1280], sizes = [256], strides = [1]} : vector<2048xi32> to vector<256xi32>
    %broadcast_in_dim3A_95 = vector.shape_cast %slice3A_94 : vector<256xi32> to vector<256x1xi32>
    %eq3A_96 = vector.broadcast %broadcast_in_dim3A_95 : vector<256x1xi32> to vector<256x1024xi32>
    %eq3A_97 = arith.cmpi eq, %eq3A_96, %iota3A : vector<256x1024xi32>
    %convert_element_type3A_98 = arith.extui %eq3A_97 : vector<256x1024xi1> to vector<256x1024xi32>
    %convert_element_type3A_99 = arith.sitofp %convert_element_type3A_98 : vector<256x1024xi32> to vector<256x1024xf32>
    %convert_element_type3A_100 = arith.truncf %convert_element_type3A_99 : vector<256x1024xf32> to vector<256x1024xbf16>
    %slice3A_101 = vector.extract_strided_slice %get3A_3 {offsets = [1280, 0], sizes = [256, 128], strides = [1, 1]} : vector<2048x128xf32> to vector<256x128xf32>
    %slice3A_102 = vector.extract_strided_slice %get3A_8 {offsets = [1280, 0], sizes = [256, 128], strides = [1, 1]} : vector<2048x128xf32> to vector<256x128xf32>
    %add3A_103 = arith.addf %slice3A_101, %slice3A_102 : vector<256x128xf32>
    %max3A_104 = arith.constant 0.000000e+00 : f32
    %max3A_105 = vector.broadcast %max3A_104 : f32 to vector<256x128xf32>
    %max3A_106 = arith.maximumf %add3A_103, %max3A_105 : vector<256x128xf32>
    %convert_element_type3A_107 = arith.truncf %max3A_106 : vector<256x128xf32> to vector<256x128xbf16>
    %dot_general3A_108 = arith.constant dense<0.000000e+00> : vector<1024x128xf32>
    %dot_general3A_109 = tpu.matmul %convert_element_type3A_100, %convert_element_type3A_107, %dot_general3A_108 {dimension_numbers = #tpu.dot_dimension_numbers<[0], [0], [1], [1], [0, 1, 1, 1], [], []>, transpose_lhs_hint = false} : vector<256x1024xbf16>, vector<256x128xbf16>, vector<1024x128xf32> -> vector<1024x128xf32>
    %add3A_110 = arith.addf %add3A_93, %dot_general3A_109 : vector<1024x128xf32>
    %slice3A_111 = vector.extract_strided_slice %get3A_13 {offsets = [1536], sizes = [256], strides = [1]} : vector<2048xi32> to vector<256xi32>
    %broadcast_in_dim3A_112 = vector.shape_cast %slice3A_111 : vector<256xi32> to vector<256x1xi32>
    %eq3A_113 = vector.broadcast %broadcast_in_dim3A_112 : vector<256x1xi32> to vector<256x1024xi32>
    %eq3A_114 = arith.cmpi eq, %eq3A_113, %iota3A : vector<256x1024xi32>
    %convert_element_type3A_115 = arith.extui %eq3A_114 : vector<256x1024xi1> to vector<256x1024xi32>
    %convert_element_type3A_116 = arith.sitofp %convert_element_type3A_115 : vector<256x1024xi32> to vector<256x1024xf32>
    %convert_element_type3A_117 = arith.truncf %convert_element_type3A_116 : vector<256x1024xf32> to vector<256x1024xbf16>
    %slice3A_118 = vector.extract_strided_slice %get3A_3 {offsets = [1536, 0], sizes = [256, 128], strides = [1, 1]} : vector<2048x128xf32> to vector<256x128xf32>
    %slice3A_119 = vector.extract_strided_slice %get3A_8 {offsets = [1536, 0], sizes = [256, 128], strides = [1, 1]} : vector<2048x128xf32> to vector<256x128xf32>
    %add3A_120 = arith.addf %slice3A_118, %slice3A_119 : vector<256x128xf32>
    %max3A_121 = arith.constant 0.000000e+00 : f32
    %max3A_122 = vector.broadcast %max3A_121 : f32 to vector<256x128xf32>
    %max3A_123 = arith.maximumf %add3A_120, %max3A_122 : vector<256x128xf32>
    %convert_element_type3A_124 = arith.truncf %max3A_123 : vector<256x128xf32> to vector<256x128xbf16>
    %dot_general3A_125 = arith.constant dense<0.000000e+00> : vector<1024x128xf32>
    %dot_general3A_126 = tpu.matmul %convert_element_type3A_117, %convert_element_type3A_124, %dot_general3A_125 {dimension_numbers = #tpu.dot_dimension_numbers<[0], [0], [1], [1], [0, 1, 1, 1], [], []>, transpose_lhs_hint = false} : vector<256x1024xbf16>, vector<256x128xbf16>, vector<1024x128xf32> -> vector<1024x128xf32>
    %add3A_127 = arith.addf %add3A_110, %dot_general3A_126 : vector<1024x128xf32>
    %slice3A_128 = vector.extract_strided_slice %get3A_13 {offsets = [1792], sizes = [256], strides = [1]} : vector<2048xi32> to vector<256xi32>
    %broadcast_in_dim3A_129 = vector.shape_cast %slice3A_128 : vector<256xi32> to vector<256x1xi32>
    %eq3A_130 = vector.broadcast %broadcast_in_dim3A_129 : vector<256x1xi32> to vector<256x1024xi32>
    %eq3A_131 = arith.cmpi eq, %eq3A_130, %iota3A : vector<256x1024xi32>
    %convert_element_type3A_132 = arith.extui %eq3A_131 : vector<256x1024xi1> to vector<256x1024xi32>
    %convert_element_type3A_133 = arith.sitofp %convert_element_type3A_132 : vector<256x1024xi32> to vector<256x1024xf32>
    %convert_element_type3A_134 = arith.truncf %convert_element_type3A_133 : vector<256x1024xf32> to vector<256x1024xbf16>
    %slice3A_135 = vector.extract_strided_slice %get3A_3 {offsets = [1792, 0], sizes = [256, 128], strides = [1, 1]} : vector<2048x128xf32> to vector<256x128xf32>
    %slice3A_136 = vector.extract_strided_slice %get3A_8 {offsets = [1792, 0], sizes = [256, 128], strides = [1, 1]} : vector<2048x128xf32> to vector<256x128xf32>
    %add3A_137 = arith.addf %slice3A_135, %slice3A_136 : vector<256x128xf32>
    %max3A_138 = arith.constant 0.000000e+00 : f32
    %max3A_139 = vector.broadcast %max3A_138 : f32 to vector<256x128xf32>
    %max3A_140 = arith.maximumf %add3A_137, %max3A_139 : vector<256x128xf32>
    %convert_element_type3A_141 = arith.truncf %max3A_140 : vector<256x128xf32> to vector<256x128xbf16>
    %dot_general3A_142 = arith.constant dense<0.000000e+00> : vector<1024x128xf32>
    %dot_general3A_143 = tpu.matmul %convert_element_type3A_134, %convert_element_type3A_141, %dot_general3A_142 {dimension_numbers = #tpu.dot_dimension_numbers<[0], [0], [1], [1], [0, 1, 1, 1], [], []>, transpose_lhs_hint = false} : vector<256x1024xbf16>, vector<256x128xbf16>, vector<1024x128xf32> -> vector<1024x128xf32>
    %add3A_144 = arith.addf %add3A_127, %dot_general3A_143 : vector<1024x128xf32>
    %get3A_145 = arith.constant 0 : index
    %get3A_146 = arith.constant 0 : index
    %get3A_147 = vector.load %arg1[%get3A_145, %get3A_146] : memref<1024x128xf32, #tpu.memory_space<vmem>>, vector<1024x128xf32>
    %add3A_148 = arith.addf %get3A_147, %add3A_144 : vector<1024x128xf32>
    %get3A_149 = arith.constant 0 : index
    %get3A_150 = arith.constant 0 : index
    %get3A_151 = vector.load %arg5[%get3A_149, %get3A_150] : memref<128x128xf32, #tpu.memory_space<vmem>>, vector<128x128xf32>
    %dot_general3A_152 = arith.constant dense<0.000000e+00> : vector<1024x128xf32>
    %dot_general3A_153 = tpu.matmul %add3A_148, %get3A_151, %dot_general3A_152 {dimension_numbers = #tpu.dot_dimension_numbers<[1], [0], [0], [1], [0, 0, 1, 1], [], []>, transpose_lhs_hint = false} : vector<1024x128xf32>, vector<128x128xf32>, vector<1024x128xf32> -> vector<1024x128xf32>
    %get3A_154 = arith.constant 0 : index
    %get3A_155 = arith.constant 0 : index
    %get3A_156 = vector.load %arg6[%get3A_154, %get3A_155] : memref<1x128xf32, #tpu.memory_space<vmem>>, vector<1x128xf32>
    %add3A_157 = vector.broadcast %get3A_156 : vector<1x128xf32> to vector<1024x128xf32>
    %add3A_158 = arith.addf %dot_general3A_153, %add3A_157 : vector<1024x128xf32>
    %max3A_159 = arith.constant 0.000000e+00 : f32
    %max3A_160 = vector.broadcast %max3A_159 : f32 to vector<1024x128xf32>
    %max3A_161 = arith.maximumf %add3A_158, %max3A_160 : vector<1024x128xf32>
    %get3A_162 = arith.constant 0 : index
    %get3A_163 = arith.constant 0 : index
    %get3A_164 = vector.load %arg7[%get3A_162, %get3A_163] : memref<128x128xf32, #tpu.memory_space<vmem>>, vector<128x128xf32>
    %dot_general3A_165 = arith.constant dense<0.000000e+00> : vector<1024x128xf32>
    %dot_general3A_166 = tpu.matmul %max3A_161, %get3A_164, %dot_general3A_165 {dimension_numbers = #tpu.dot_dimension_numbers<[1], [0], [0], [1], [0, 0, 1, 1], [], []>, transpose_lhs_hint = false} : vector<1024x128xf32>, vector<128x128xf32>, vector<1024x128xf32> -> vector<1024x128xf32>
    %get3A_167 = arith.constant 0 : index
    %get3A_168 = arith.constant 0 : index
    %get3A_169 = vector.load %arg8[%get3A_167, %get3A_168] : memref<1x128xf32, #tpu.memory_space<vmem>>, vector<1x128xf32>
    %add3A_170 = vector.broadcast %get3A_169 : vector<1x128xf32> to vector<1024x128xf32>
    %add3A_171 = arith.addf %dot_general3A_166, %add3A_170 : vector<1024x128xf32>
    %swap3A = arith.constant 0 : index
    %swap3A_172 = arith.constant 0 : index
    %swap3A_173 = vector.load %arg9[%swap3A, %swap3A_172] : memref<1024x128xf32, #tpu.memory_space<vmem>>, vector<1024x128xf32>
    tpu.vector_store %arg9[%swap3A, %swap3A_172], %add3A_171 {strides = array<i32>} : memref<1024x128xf32, #tpu.memory_space<vmem>>, vector<1024x128xf32>,
    return
  }
  func.func @transform_0(%arg0: i32) -> (i32, i32) {
    %c0_i32 = arith.constant 0 : i32
    %c0_i32_0 = arith.constant 0 : i32
    return %arg0, %c0_i32 : i32, i32
  }
  func.func @transform_1(%arg0: i32) -> (i32, i32, i32) {
    %c0_i32 = arith.constant 0 : i32
    %c0_i32_0 = arith.constant 0 : i32
    %c0_i32_1 = arith.constant 0 : i32
    return %arg0, %c0_i32, %c0_i32_0 : i32, i32, i32
  }
  func.func @transform_2(%arg0: i32) -> (i32, i32, i32) {
    %c0_i32 = arith.constant 0 : i32
    %c0_i32_0 = arith.constant 0 : i32
    %c0_i32_1 = arith.constant 0 : i32
    return %arg0, %c0_i32, %c0_i32_0 : i32, i32, i32
  }
  func.func @transform_3(%arg0: i32) -> (i32, i32, i32) {
    %c0_i32 = arith.constant 0 : i32
    %c0_i32_0 = arith.constant 0 : i32
    %c0_i32_1 = arith.constant 0 : i32
    return %arg0, %c0_i32, %c0_i32_0 : i32, i32, i32
  }
  func.func @transform_4(%arg0: i32) -> (i32, i32) {
    %c0_i32 = arith.constant 0 : i32
    %c0_i32_0 = arith.constant 0 : i32
    %c0_i32_1 = arith.constant 0 : i32
    return %c0_i32, %c0_i32_0 : i32, i32
  }
  func.func @transform_5(%arg0: i32) -> (i32, i32) {
    %c0_i32 = arith.constant 0 : i32
    %c0_i32_0 = arith.constant 0 : i32
    %c0_i32_1 = arith.constant 0 : i32
    return %c0_i32, %c0_i32_0 : i32, i32
  }
  func.func @transform_6(%arg0: i32) -> (i32, i32) {
    %c0_i32 = arith.constant 0 : i32
    %c0_i32_0 = arith.constant 0 : i32
    %c0_i32_1 = arith.constant 0 : i32
    return %c0_i32, %c0_i32_0 : i32, i32
  }
  func.func @transform_7(%arg0: i32) -> (i32, i32) {
    %c0_i32 = arith.constant 0 : i32
    %c0_i32_0 = arith.constant 0 : i32
    %c0_i32_1 = arith.constant 0 : i32
    return %c0_i32, %c0_i32_0 : i32, i32
  }
  func.func @transform_8(%arg0: i32) -> (i32, i32) {
    %c0_i32 = arith.constant 0 : i32
    %c0_i32_0 = arith.constant 0 : i32
    return %arg0, %c0_i32 : i32, i32
  }
}

module attributes {stable_mosaic.version = 14 : i64} {
  func.func @_dense_body(%arg0: i32, %arg1: memref<1x16x2048xf32, #tpu.memory_space<vmem>>, %arg2: memref<1x4x2048xf32, #tpu.memory_space<vmem>>, %arg3: memref<4x64xf32, #tpu.memory_space<vmem>>, %arg4: memref<1x64xf32, #tpu.memory_space<vmem>>, %arg5: memref<64x64xf32, #tpu.memory_space<vmem>>, %arg6: memref<1x64xf32, #tpu.memory_space<vmem>>, %arg7: memref<64x128xf32, #tpu.memory_space<vmem>>, %arg8: memref<4x128xf32, #tpu.memory_space<vmem>>, %arg9: memref<1x128xf32, #tpu.memory_space<vmem>>, %arg10: memref<128x128xf32, #tpu.memory_space<vmem>>, %arg11: memref<1x128xf32, #tpu.memory_space<vmem>>, %arg12: memref<128x128xf32, #tpu.memory_space<vmem>>, %arg13: memref<1x128xf32, #tpu.memory_space<vmem>>, %arg14: memref<128x128xf32, #tpu.memory_space<vmem>>, %arg15: memref<1x128xf32, #tpu.memory_space<vmem>>, %arg16: memref<1x2048x128xf32, #tpu.memory_space<vmem>>) attributes {dimension_semantics = [#tpu.dimension_semantics<arbitrary>], iteration_bounds = array<i64: 8>, scalar_prefetch = 0 : i64, scratch_operands = 0 : i64, tpu.core_type = #tpu.core_type<tc>, window_params = [{transform_indices = @transform_0, window_bounds = array<i64: 1, 16, 2048>}, {transform_indices = @transform_1, window_bounds = array<i64: 1, 4, 2048>}, {pipeline_mode = #tpu.pipeline_mode<synchronous>, transform_indices = @transform_2, window_bounds = array<i64: 4, 64>}, {pipeline_mode = #tpu.pipeline_mode<synchronous>, transform_indices = @transform_3, window_bounds = array<i64: 1, 64>}, {pipeline_mode = #tpu.pipeline_mode<synchronous>, transform_indices = @transform_4, window_bounds = array<i64: 64, 64>}, {pipeline_mode = #tpu.pipeline_mode<synchronous>, transform_indices = @transform_5, window_bounds = array<i64: 1, 64>}, {pipeline_mode = #tpu.pipeline_mode<synchronous>, transform_indices = @transform_6, window_bounds = array<i64: 64, 128>}, {pipeline_mode = #tpu.pipeline_mode<synchronous>, transform_indices = @transform_7, window_bounds = array<i64: 4, 128>}, {pipeline_mode = #tpu.pipeline_mode<synchronous>, transform_indices = @transform_8, window_bounds = array<i64: 1, 128>}, {pipeline_mode = #tpu.pipeline_mode<synchronous>, transform_indices = @transform_9, window_bounds = array<i64: 128, 128>}, {pipeline_mode = #tpu.pipeline_mode<synchronous>, transform_indices = @transform_10, window_bounds = array<i64: 1, 128>}, {pipeline_mode = #tpu.pipeline_mode<synchronous>, transform_indices = @transform_11, window_bounds = array<i64: 128, 128>}, {pipeline_mode = #tpu.pipeline_mode<synchronous>, transform_indices = @transform_12, window_bounds = array<i64: 1, 128>}, {pipeline_mode = #tpu.pipeline_mode<synchronous>, transform_indices = @transform_13, window_bounds = array<i64: 128, 128>}, {pipeline_mode = #tpu.pipeline_mode<synchronous>, transform_indices = @transform_14, window_bounds = array<i64: 1, 128>}, {transform_indices = @transform_15, window_bounds = array<i64: 1, 2048, 128>}]} {
    %get3A = arith.constant 0 : index
    %get3A_0 = arith.constant 0 : index
    %get3A_1 = arith.constant 0 : index
    %get3A_2 = vector.load %arg1[%get3A, %get3A_0, %get3A_1] : memref<1x16x2048xf32, #tpu.memory_space<vmem>>, vector<1x16x2048xf32>
    %get3A_3 = vector.shape_cast %get3A_2 : vector<1x16x2048xf32> to vector<16x2048xf32>
    %abs3A = math.absf %get3A_3 : vector<16x2048xf32>
    %get3A_4 = arith.constant 0 : index
    %get3A_5 = arith.constant 0 : index
    %get3A_6 = arith.constant 0 : index
    %get3A_7 = vector.load %arg2[%get3A_4, %get3A_5, %get3A_6] : memref<1x4x2048xf32, #tpu.memory_space<vmem>>, vector<1x4x2048xf32>
    %get3A_8 = vector.shape_cast %get3A_7 : vector<1x4x2048xf32> to vector<4x2048xf32>
    %slice3A = vector.extract_strided_slice %get3A_8 {offsets = [0, 0], sizes = [1, 2048], strides = [1, 1]} : vector<4x2048xf32> to vector<1x2048xf32>
    %squeeze3A = vector.shape_cast %slice3A : vector<1x2048xf32> to vector<2048xf32>
    %broadcast_in_dim3A = vector.shape_cast %squeeze3A : vector<2048xf32> to vector<1x2048xf32>
    %mul3A = vector.broadcast %broadcast_in_dim3A : vector<1x2048xf32> to vector<16x2048xf32>
    %mul3A_9 = arith.mulf %abs3A, %mul3A : vector<16x2048xf32>
    %reduce_sum3A = arith.constant dense<0.000000e+00> : vector<16xf32>
    %reduce_sum3A_10 = vector.multi_reduction <add>, %mul3A_9, %reduce_sum3A [1] : vector<16x2048xf32> to vector<16xf32>
    %broadcast_in_dim3A_11 = vector.shape_cast %reduce_sum3A_10 : vector<16xf32> to vector<16x1xf32>
    %slice3A_12 = vector.extract_strided_slice %get3A_8 {offsets = [1, 0], sizes = [1, 2048], strides = [1, 1]} : vector<4x2048xf32> to vector<1x2048xf32>
    %squeeze3A_13 = vector.shape_cast %slice3A_12 : vector<1x2048xf32> to vector<2048xf32>
    %broadcast_in_dim3A_14 = vector.shape_cast %squeeze3A_13 : vector<2048xf32> to vector<1x2048xf32>
    %mul3A_15 = vector.broadcast %broadcast_in_dim3A_14 : vector<1x2048xf32> to vector<16x2048xf32>
    %mul3A_16 = arith.mulf %abs3A, %mul3A_15 : vector<16x2048xf32>
    %reduce_sum3A_17 = arith.constant dense<0.000000e+00> : vector<16xf32>
    %reduce_sum3A_18 = vector.multi_reduction <add>, %mul3A_16, %reduce_sum3A_17 [1] : vector<16x2048xf32> to vector<16xf32>
    %broadcast_in_dim3A_19 = vector.shape_cast %reduce_sum3A_18 : vector<16xf32> to vector<16x1xf32>
    %slice3A_20 = vector.extract_strided_slice %get3A_8 {offsets = [2, 0], sizes = [1, 2048], strides = [1, 1]} : vector<4x2048xf32> to vector<1x2048xf32>
    %squeeze3A_21 = vector.shape_cast %slice3A_20 : vector<1x2048xf32> to vector<2048xf32>
    %broadcast_in_dim3A_22 = vector.shape_cast %squeeze3A_21 : vector<2048xf32> to vector<1x2048xf32>
    %mul3A_23 = vector.broadcast %broadcast_in_dim3A_22 : vector<1x2048xf32> to vector<16x2048xf32>
    %mul3A_24 = arith.mulf %abs3A, %mul3A_23 : vector<16x2048xf32>
    %reduce_sum3A_25 = arith.constant dense<0.000000e+00> : vector<16xf32>
    %reduce_sum3A_26 = vector.multi_reduction <add>, %mul3A_24, %reduce_sum3A_25 [1] : vector<16x2048xf32> to vector<16xf32>
    %broadcast_in_dim3A_27 = vector.shape_cast %reduce_sum3A_26 : vector<16xf32> to vector<16x1xf32>
    %slice3A_28 = vector.extract_strided_slice %get3A_8 {offsets = [3, 0], sizes = [1, 2048], strides = [1, 1]} : vector<4x2048xf32> to vector<1x2048xf32>
    %squeeze3A_29 = vector.shape_cast %slice3A_28 : vector<1x2048xf32> to vector<2048xf32>
    %broadcast_in_dim3A_30 = vector.shape_cast %squeeze3A_29 : vector<2048xf32> to vector<1x2048xf32>
    %mul3A_31 = vector.broadcast %broadcast_in_dim3A_30 : vector<1x2048xf32> to vector<16x2048xf32>
    %mul3A_32 = arith.mulf %abs3A, %mul3A_31 : vector<16x2048xf32>
    %reduce_sum3A_33 = arith.constant dense<0.000000e+00> : vector<16xf32>
    %reduce_sum3A_34 = vector.multi_reduction <add>, %mul3A_32, %reduce_sum3A_33 [1] : vector<16x2048xf32> to vector<16xf32>
    %broadcast_in_dim3A_35 = vector.shape_cast %reduce_sum3A_34 : vector<16xf32> to vector<16x1xf32>
    %concatenate3A = tpu.concatenate %broadcast_in_dim3A_11, %broadcast_in_dim3A_19, %broadcast_in_dim3A_27, %broadcast_in_dim3A_35 in 1 : vector<16x1xf32>, vector<16x1xf32>, vector<16x1xf32>, vector<16x1xf32> -> vector<16x4xf32>
    %get3A_36 = arith.constant 0 : index
    %get3A_37 = arith.constant 0 : index
    %get3A_38 = vector.load %arg3[%get3A_36, %get3A_37] : memref<4x64xf32, #tpu.memory_space<vmem>>, vector<4x64xf32>
    %dot_general3A = arith.constant dense<0.000000e+00> : vector<16x64xf32>
    %dot_general3A_39 = tpu.matmul %concatenate3A, %get3A_38, %dot_general3A {dimension_numbers = #tpu.dot_dimension_numbers<[1], [0], [0], [1], [0, 0, 1, 1], [], []>, transpose_lhs_hint = false} : vector<16x4xf32>, vector<4x64xf32>, vector<16x64xf32> -> vector<16x64xf32>
    %get3A_40 = arith.constant 0 : index
    %get3A_41 = arith.constant 0 : index
    %get3A_42 = vector.load %arg4[%get3A_40, %get3A_41] : memref<1x64xf32, #tpu.memory_space<vmem>>, vector<1x64xf32>
    %add3A = vector.broadcast %get3A_42 : vector<1x64xf32> to vector<16x64xf32>
    %add3A_43 = arith.addf %dot_general3A_39, %add3A : vector<16x64xf32>
    %max3A = arith.constant 0.000000e+00 : f32
    %max3A_44 = vector.broadcast %max3A : f32 to vector<16x64xf32>
    %max3A_45 = arith.maximumf %add3A_43, %max3A_44 : vector<16x64xf32>
    %get3A_46 = arith.constant 0 : index
    %get3A_47 = arith.constant 0 : index
    %get3A_48 = vector.load %arg5[%get3A_46, %get3A_47] : memref<64x64xf32, #tpu.memory_space<vmem>>, vector<64x64xf32>
    %dot_general3A_49 = arith.constant dense<0.000000e+00> : vector<16x64xf32>
    %dot_general3A_50 = tpu.matmul %max3A_45, %get3A_48, %dot_general3A_49 {dimension_numbers = #tpu.dot_dimension_numbers<[1], [0], [0], [1], [0, 0, 1, 1], [], []>, transpose_lhs_hint = false} : vector<16x64xf32>, vector<64x64xf32>, vector<16x64xf32> -> vector<16x64xf32>
    %get3A_51 = arith.constant 0 : index
    %get3A_52 = arith.constant 0 : index
    %get3A_53 = vector.load %arg6[%get3A_51, %get3A_52] : memref<1x64xf32, #tpu.memory_space<vmem>>, vector<1x64xf32>
    %add3A_54 = vector.broadcast %get3A_53 : vector<1x64xf32> to vector<16x64xf32>
    %add3A_55 = arith.addf %dot_general3A_50, %add3A_54 : vector<16x64xf32>
    %get3A_56 = arith.constant 0 : index
    %get3A_57 = arith.constant 0 : index
    %get3A_58 = vector.load %arg7[%get3A_56, %get3A_57] : memref<64x128xf32, #tpu.memory_space<vmem>>, vector<64x128xf32>
    %dot_general3A_59 = arith.constant dense<0.000000e+00> : vector<16x128xf32>
    %dot_general3A_60 = tpu.matmul %add3A_55, %get3A_58, %dot_general3A_59 {dimension_numbers = #tpu.dot_dimension_numbers<[1], [0], [0], [1], [0, 0, 1, 1], [], []>, transpose_lhs_hint = false} : vector<16x64xf32>, vector<64x128xf32>, vector<16x128xf32> -> vector<16x128xf32>
    %get3A_61 = arith.constant 0 : index
    %get3A_62 = arith.constant 0 : index
    %get3A_63 = vector.load %arg9[%get3A_61, %get3A_62] : memref<1x128xf32, #tpu.memory_space<vmem>>, vector<1x128xf32>
    %add3A_64 = vector.broadcast %get3A_63 : vector<1x128xf32> to vector<16x128xf32>
    %add3A_65 = arith.addf %dot_general3A_60, %add3A_64 : vector<16x128xf32>
    %get3A_66 = arith.constant 0 : index
    %get3A_67 = arith.constant 0 : index
    %get3A_68 = vector.load %arg8[%get3A_66, %get3A_67] : memref<4x128xf32, #tpu.memory_space<vmem>>, vector<4x128xf32>
    %slice3A_69 = vector.extract_strided_slice %get3A_8 {offsets = [0, 0], sizes = [1, 2048], strides = [1, 1]} : vector<4x2048xf32> to vector<1x2048xf32>
    %squeeze3A_70 = vector.shape_cast %slice3A_69 : vector<1x2048xf32> to vector<2048xf32>
    %broadcast_in_dim3A_71 = vector.shape_cast %squeeze3A_70 : vector<2048xf32> to vector<2048x1xf32>
    %slice3A_72 = vector.extract_strided_slice %get3A_68 {offsets = [0, 0], sizes = [1, 128], strides = [1, 1]} : vector<4x128xf32> to vector<1x128xf32>
    %squeeze3A_73 = vector.shape_cast %slice3A_72 : vector<1x128xf32> to vector<128xf32>
    %broadcast_in_dim3A_74 = vector.shape_cast %squeeze3A_73 : vector<128xf32> to vector<1x128xf32>
    %mul3A_75 = vector.broadcast %broadcast_in_dim3A_71 : vector<2048x1xf32> to vector<2048x128xf32>
    %mul3A_76 = vector.broadcast %broadcast_in_dim3A_74 : vector<1x128xf32> to vector<2048x128xf32>
    %mul3A_77 = arith.mulf %mul3A_75, %mul3A_76 : vector<2048x128xf32>
    %slice3A_78 = vector.extract_strided_slice %get3A_8 {offsets = [1, 0], sizes = [1, 2048], strides = [1, 1]} : vector<4x2048xf32> to vector<1x2048xf32>
    %squeeze3A_79 = vector.shape_cast %slice3A_78 : vector<1x2048xf32> to vector<2048xf32>
    %broadcast_in_dim3A_80 = vector.shape_cast %squeeze3A_79 : vector<2048xf32> to vector<2048x1xf32>
    %slice3A_81 = vector.extract_strided_slice %get3A_68 {offsets = [1, 0], sizes = [1, 128], strides = [1, 1]} : vector<4x128xf32> to vector<1x128xf32>
    %squeeze3A_82 = vector.shape_cast %slice3A_81 : vector<1x128xf32> to vector<128xf32>
    %broadcast_in_dim3A_83 = vector.shape_cast %squeeze3A_82 : vector<128xf32> to vector<1x128xf32>
    %mul3A_84 = vector.broadcast %broadcast_in_dim3A_80 : vector<2048x1xf32> to vector<2048x128xf32>
    %mul3A_85 = vector.broadcast %broadcast_in_dim3A_83 : vector<1x128xf32> to vector<2048x128xf32>
    %mul3A_86 = arith.mulf %mul3A_84, %mul3A_85 : vector<2048x128xf32>
    %add3A_87 = arith.addf %mul3A_77, %mul3A_86 : vector<2048x128xf32>
    %slice3A_88 = vector.extract_strided_slice %get3A_8 {offsets = [2, 0], sizes = [1, 2048], strides = [1, 1]} : vector<4x2048xf32> to vector<1x2048xf32>
    %squeeze3A_89 = vector.shape_cast %slice3A_88 : vector<1x2048xf32> to vector<2048xf32>
    %broadcast_in_dim3A_90 = vector.shape_cast %squeeze3A_89 : vector<2048xf32> to vector<2048x1xf32>
    %slice3A_91 = vector.extract_strided_slice %get3A_68 {offsets = [2, 0], sizes = [1, 128], strides = [1, 1]} : vector<4x128xf32> to vector<1x128xf32>
    %squeeze3A_92 = vector.shape_cast %slice3A_91 : vector<1x128xf32> to vector<128xf32>
    %broadcast_in_dim3A_93 = vector.shape_cast %squeeze3A_92 : vector<128xf32> to vector<1x128xf32>
    %mul3A_94 = vector.broadcast %broadcast_in_dim3A_90 : vector<2048x1xf32> to vector<2048x128xf32>
    %mul3A_95 = vector.broadcast %broadcast_in_dim3A_93 : vector<1x128xf32> to vector<2048x128xf32>
    %mul3A_96 = arith.mulf %mul3A_94, %mul3A_95 : vector<2048x128xf32>
    %add3A_97 = arith.addf %add3A_87, %mul3A_96 : vector<2048x128xf32>
    %slice3A_98 = vector.extract_strided_slice %get3A_8 {offsets = [3, 0], sizes = [1, 2048], strides = [1, 1]} : vector<4x2048xf32> to vector<1x2048xf32>
    %squeeze3A_99 = vector.shape_cast %slice3A_98 : vector<1x2048xf32> to vector<2048xf32>
    %broadcast_in_dim3A_100 = vector.shape_cast %squeeze3A_99 : vector<2048xf32> to vector<2048x1xf32>
    %slice3A_101 = vector.extract_strided_slice %get3A_68 {offsets = [3, 0], sizes = [1, 128], strides = [1, 1]} : vector<4x128xf32> to vector<1x128xf32>
    %squeeze3A_102 = vector.shape_cast %slice3A_101 : vector<1x128xf32> to vector<128xf32>
    %broadcast_in_dim3A_103 = vector.shape_cast %squeeze3A_102 : vector<128xf32> to vector<1x128xf32>
    %mul3A_104 = vector.broadcast %broadcast_in_dim3A_100 : vector<2048x1xf32> to vector<2048x128xf32>
    %mul3A_105 = vector.broadcast %broadcast_in_dim3A_103 : vector<1x128xf32> to vector<2048x128xf32>
    %mul3A_106 = arith.mulf %mul3A_104, %mul3A_105 : vector<2048x128xf32>
    %add3A_107 = arith.addf %add3A_97, %mul3A_106 : vector<2048x128xf32>
    %broadcast_in_dim3A_108 = arith.constant 0.000000e+00 : f32
    %broadcast_in_dim3A_109 = vector.broadcast %broadcast_in_dim3A_108 : f32 to vector<2048x128xf32>
    %slice3A_110 = vector.extract_strided_slice %add3A_65 {offsets = [0, 0], sizes = [1, 128], strides = [1, 1]} : vector<16x128xf32> to vector<1x128xf32>
    %squeeze3A_111 = vector.shape_cast %slice3A_110 : vector<1x128xf32> to vector<128xf32>
    %broadcast_in_dim3A_112 = vector.shape_cast %squeeze3A_111 : vector<128xf32> to vector<1x128xf32>
    %slice3A_113 = vector.extract_strided_slice %abs3A {offsets = [0, 0], sizes = [1, 2048], strides = [1, 1]} : vector<16x2048xf32> to vector<1x2048xf32>
    %squeeze3A_114 = vector.shape_cast %slice3A_113 : vector<1x2048xf32> to vector<2048xf32>
    %broadcast_in_dim3A_115 = vector.shape_cast %squeeze3A_114 : vector<2048xf32> to vector<2048x1xf32>
    %mul3A_116 = vector.broadcast %broadcast_in_dim3A_115 : vector<2048x1xf32> to vector<2048x128xf32>
    %mul3A_117 = arith.mulf %mul3A_116, %add3A_107 : vector<2048x128xf32>
    %add3A_118 = vector.broadcast %broadcast_in_dim3A_112 : vector<1x128xf32> to vector<2048x128xf32>
    %add3A_119 = arith.addf %add3A_118, %mul3A_117 : vector<2048x128xf32>
    %max3A_120 = arith.constant 0.000000e+00 : f32
    %max3A_121 = vector.broadcast %max3A_120 : f32 to vector<2048x128xf32>
    %max3A_122 = arith.maximumf %add3A_119, %max3A_121 : vector<2048x128xf32>
    %add3A_123 = arith.addf %broadcast_in_dim3A_109, %max3A_122 : vector<2048x128xf32>
    %slice3A_124 = vector.extract_strided_slice %add3A_65 {offsets = [1, 0], sizes = [1, 128], strides = [1, 1]} : vector<16x128xf32> to vector<1x128xf32>
    %squeeze3A_125 = vector.shape_cast %slice3A_124 : vector<1x128xf32> to vector<128xf32>
    %broadcast_in_dim3A_126 = vector.shape_cast %squeeze3A_125 : vector<128xf32> to vector<1x128xf32>
    %slice3A_127 = vector.extract_strided_slice %abs3A {offsets = [1, 0], sizes = [1, 2048], strides = [1, 1]} : vector<16x2048xf32> to vector<1x2048xf32>
    %squeeze3A_128 = vector.shape_cast %slice3A_127 : vector<1x2048xf32> to vector<2048xf32>
    %broadcast_in_dim3A_129 = vector.shape_cast %squeeze3A_128 : vector<2048xf32> to vector<2048x1xf32>
    %mul3A_130 = vector.broadcast %broadcast_in_dim3A_129 : vector<2048x1xf32> to vector<2048x128xf32>
    %mul3A_131 = arith.mulf %mul3A_130, %add3A_107 : vector<2048x128xf32>
    %add3A_132 = vector.broadcast %broadcast_in_dim3A_126 : vector<1x128xf32> to vector<2048x128xf32>
    %add3A_133 = arith.addf %add3A_132, %mul3A_131 : vector<2048x128xf32>
    %max3A_134 = arith.constant 0.000000e+00 : f32
    %max3A_135 = vector.broadcast %max3A_134 : f32 to vector<2048x128xf32>
    %max3A_136 = arith.maximumf %add3A_133, %max3A_135 : vector<2048x128xf32>
    %add3A_137 = arith.addf %add3A_123, %max3A_136 : vector<2048x128xf32>
    %slice3A_138 = vector.extract_strided_slice %add3A_65 {offsets = [2, 0], sizes = [1, 128], strides = [1, 1]} : vector<16x128xf32> to vector<1x128xf32>
    %squeeze3A_139 = vector.shape_cast %slice3A_138 : vector<1x128xf32> to vector<128xf32>
    %broadcast_in_dim3A_140 = vector.shape_cast %squeeze3A_139 : vector<128xf32> to vector<1x128xf32>
    %slice3A_141 = vector.extract_strided_slice %abs3A {offsets = [2, 0], sizes = [1, 2048], strides = [1, 1]} : vector<16x2048xf32> to vector<1x2048xf32>
    %squeeze3A_142 = vector.shape_cast %slice3A_141 : vector<1x2048xf32> to vector<2048xf32>
    %broadcast_in_dim3A_143 = vector.shape_cast %squeeze3A_142 : vector<2048xf32> to vector<2048x1xf32>
    %mul3A_144 = vector.broadcast %broadcast_in_dim3A_143 : vector<2048x1xf32> to vector<2048x128xf32>
    %mul3A_145 = arith.mulf %mul3A_144, %add3A_107 : vector<2048x128xf32>
    %add3A_146 = vector.broadcast %broadcast_in_dim3A_140 : vector<1x128xf32> to vector<2048x128xf32>
    %add3A_147 = arith.addf %add3A_146, %mul3A_145 : vector<2048x128xf32>
    %max3A_148 = arith.constant 0.000000e+00 : f32
    %max3A_149 = vector.broadcast %max3A_148 : f32 to vector<2048x128xf32>
    %max3A_150 = arith.maximumf %add3A_147, %max3A_149 : vector<2048x128xf32>
    %add3A_151 = arith.addf %add3A_137, %max3A_150 : vector<2048x128xf32>
    %slice3A_152 = vector.extract_strided_slice %add3A_65 {offsets = [3, 0], sizes = [1, 128], strides = [1, 1]} : vector<16x128xf32> to vector<1x128xf32>
    %squeeze3A_153 = vector.shape_cast %slice3A_152 : vector<1x128xf32> to vector<128xf32>
    %broadcast_in_dim3A_154 = vector.shape_cast %squeeze3A_153 : vector<128xf32> to vector<1x128xf32>
    %slice3A_155 = vector.extract_strided_slice %abs3A {offsets = [3, 0], sizes = [1, 2048], strides = [1, 1]} : vector<16x2048xf32> to vector<1x2048xf32>
    %squeeze3A_156 = vector.shape_cast %slice3A_155 : vector<1x2048xf32> to vector<2048xf32>
    %broadcast_in_dim3A_157 = vector.shape_cast %squeeze3A_156 : vector<2048xf32> to vector<2048x1xf32>
    %mul3A_158 = vector.broadcast %broadcast_in_dim3A_157 : vector<2048x1xf32> to vector<2048x128xf32>
    %mul3A_159 = arith.mulf %mul3A_158, %add3A_107 : vector<2048x128xf32>
    %add3A_160 = vector.broadcast %broadcast_in_dim3A_154 : vector<1x128xf32> to vector<2048x128xf32>
    %add3A_161 = arith.addf %add3A_160, %mul3A_159 : vector<2048x128xf32>
    %max3A_162 = arith.constant 0.000000e+00 : f32
    %max3A_163 = vector.broadcast %max3A_162 : f32 to vector<2048x128xf32>
    %max3A_164 = arith.maximumf %add3A_161, %max3A_163 : vector<2048x128xf32>
    %add3A_165 = arith.addf %add3A_151, %max3A_164 : vector<2048x128xf32>
    %slice3A_166 = vector.extract_strided_slice %add3A_65 {offsets = [4, 0], sizes = [1, 128], strides = [1, 1]} : vector<16x128xf32> to vector<1x128xf32>
    %squeeze3A_167 = vector.shape_cast %slice3A_166 : vector<1x128xf32> to vector<128xf32>
    %broadcast_in_dim3A_168 = vector.shape_cast %squeeze3A_167 : vector<128xf32> to vector<1x128xf32>
    %slice3A_169 = vector.extract_strided_slice %abs3A {offsets = [4, 0], sizes = [1, 2048], strides = [1, 1]} : vector<16x2048xf32> to vector<1x2048xf32>
    %squeeze3A_170 = vector.shape_cast %slice3A_169 : vector<1x2048xf32> to vector<2048xf32>
    %broadcast_in_dim3A_171 = vector.shape_cast %squeeze3A_170 : vector<2048xf32> to vector<2048x1xf32>
    %mul3A_172 = vector.broadcast %broadcast_in_dim3A_171 : vector<2048x1xf32> to vector<2048x128xf32>
    %mul3A_173 = arith.mulf %mul3A_172, %add3A_107 : vector<2048x128xf32>
    %add3A_174 = vector.broadcast %broadcast_in_dim3A_168 : vector<1x128xf32> to vector<2048x128xf32>
    %add3A_175 = arith.addf %add3A_174, %mul3A_173 : vector<2048x128xf32>
    %max3A_176 = arith.constant 0.000000e+00 : f32
    %max3A_177 = vector.broadcast %max3A_176 : f32 to vector<2048x128xf32>
    %max3A_178 = arith.maximumf %add3A_175, %max3A_177 : vector<2048x128xf32>
    %add3A_179 = arith.addf %add3A_165, %max3A_178 : vector<2048x128xf32>
    %slice3A_180 = vector.extract_strided_slice %add3A_65 {offsets = [5, 0], sizes = [1, 128], strides = [1, 1]} : vector<16x128xf32> to vector<1x128xf32>
    %squeeze3A_181 = vector.shape_cast %slice3A_180 : vector<1x128xf32> to vector<128xf32>
    %broadcast_in_dim3A_182 = vector.shape_cast %squeeze3A_181 : vector<128xf32> to vector<1x128xf32>
    %slice3A_183 = vector.extract_strided_slice %abs3A {offsets = [5, 0], sizes = [1, 2048], strides = [1, 1]} : vector<16x2048xf32> to vector<1x2048xf32>
    %squeeze3A_184 = vector.shape_cast %slice3A_183 : vector<1x2048xf32> to vector<2048xf32>
    %broadcast_in_dim3A_185 = vector.shape_cast %squeeze3A_184 : vector<2048xf32> to vector<2048x1xf32>
    %mul3A_186 = vector.broadcast %broadcast_in_dim3A_185 : vector<2048x1xf32> to vector<2048x128xf32>
    %mul3A_187 = arith.mulf %mul3A_186, %add3A_107 : vector<2048x128xf32>
    %add3A_188 = vector.broadcast %broadcast_in_dim3A_182 : vector<1x128xf32> to vector<2048x128xf32>
    %add3A_189 = arith.addf %add3A_188, %mul3A_187 : vector<2048x128xf32>
    %max3A_190 = arith.constant 0.000000e+00 : f32
    %max3A_191 = vector.broadcast %max3A_190 : f32 to vector<2048x128xf32>
    %max3A_192 = arith.maximumf %add3A_189, %max3A_191 : vector<2048x128xf32>
    %add3A_193 = arith.addf %add3A_179, %max3A_192 : vector<2048x128xf32>
    %slice3A_194 = vector.extract_strided_slice %add3A_65 {offsets = [6, 0], sizes = [1, 128], strides = [1, 1]} : vector<16x128xf32> to vector<1x128xf32>
    %squeeze3A_195 = vector.shape_cast %slice3A_194 : vector<1x128xf32> to vector<128xf32>
    %broadcast_in_dim3A_196 = vector.shape_cast %squeeze3A_195 : vector<128xf32> to vector<1x128xf32>
    %slice3A_197 = vector.extract_strided_slice %abs3A {offsets = [6, 0], sizes = [1, 2048], strides = [1, 1]} : vector<16x2048xf32> to vector<1x2048xf32>
    %squeeze3A_198 = vector.shape_cast %slice3A_197 : vector<1x2048xf32> to vector<2048xf32>
    %broadcast_in_dim3A_199 = vector.shape_cast %squeeze3A_198 : vector<2048xf32> to vector<2048x1xf32>
    %mul3A_200 = vector.broadcast %broadcast_in_dim3A_199 : vector<2048x1xf32> to vector<2048x128xf32>
    %mul3A_201 = arith.mulf %mul3A_200, %add3A_107 : vector<2048x128xf32>
    %add3A_202 = vector.broadcast %broadcast_in_dim3A_196 : vector<1x128xf32> to vector<2048x128xf32>
    %add3A_203 = arith.addf %add3A_202, %mul3A_201 : vector<2048x128xf32>
    %max3A_204 = arith.constant 0.000000e+00 : f32
    %max3A_205 = vector.broadcast %max3A_204 : f32 to vector<2048x128xf32>
    %max3A_206 = arith.maximumf %add3A_203, %max3A_205 : vector<2048x128xf32>
    %add3A_207 = arith.addf %add3A_193, %max3A_206 : vector<2048x128xf32>
    %slice3A_208 = vector.extract_strided_slice %add3A_65 {offsets = [7, 0], sizes = [1, 128], strides = [1, 1]} : vector<16x128xf32> to vector<1x128xf32>
    %squeeze3A_209 = vector.shape_cast %slice3A_208 : vector<1x128xf32> to vector<128xf32>
    %broadcast_in_dim3A_210 = vector.shape_cast %squeeze3A_209 : vector<128xf32> to vector<1x128xf32>
    %slice3A_211 = vector.extract_strided_slice %abs3A {offsets = [7, 0], sizes = [1, 2048], strides = [1, 1]} : vector<16x2048xf32> to vector<1x2048xf32>
    %squeeze3A_212 = vector.shape_cast %slice3A_211 : vector<1x2048xf32> to vector<2048xf32>
    %broadcast_in_dim3A_213 = vector.shape_cast %squeeze3A_212 : vector<2048xf32> to vector<2048x1xf32>
    %mul3A_214 = vector.broadcast %broadcast_in_dim3A_213 : vector<2048x1xf32> to vector<2048x128xf32>
    %mul3A_215 = arith.mulf %mul3A_214, %add3A_107 : vector<2048x128xf32>
    %add3A_216 = vector.broadcast %broadcast_in_dim3A_210 : vector<1x128xf32> to vector<2048x128xf32>
    %add3A_217 = arith.addf %add3A_216, %mul3A_215 : vector<2048x128xf32>
    %max3A_218 = arith.constant 0.000000e+00 : f32
    %max3A_219 = vector.broadcast %max3A_218 : f32 to vector<2048x128xf32>
    %max3A_220 = arith.maximumf %add3A_217, %max3A_219 : vector<2048x128xf32>
    %add3A_221 = arith.addf %add3A_207, %max3A_220 : vector<2048x128xf32>
    %slice3A_222 = vector.extract_strided_slice %add3A_65 {offsets = [8, 0], sizes = [1, 128], strides = [1, 1]} : vector<16x128xf32> to vector<1x128xf32>
    %squeeze3A_223 = vector.shape_cast %slice3A_222 : vector<1x128xf32> to vector<128xf32>
    %broadcast_in_dim3A_224 = vector.shape_cast %squeeze3A_223 : vector<128xf32> to vector<1x128xf32>
    %slice3A_225 = vector.extract_strided_slice %abs3A {offsets = [8, 0], sizes = [1, 2048], strides = [1, 1]} : vector<16x2048xf32> to vector<1x2048xf32>
    %squeeze3A_226 = vector.shape_cast %slice3A_225 : vector<1x2048xf32> to vector<2048xf32>
    %broadcast_in_dim3A_227 = vector.shape_cast %squeeze3A_226 : vector<2048xf32> to vector<2048x1xf32>
    %mul3A_228 = vector.broadcast %broadcast_in_dim3A_227 : vector<2048x1xf32> to vector<2048x128xf32>
    %mul3A_229 = arith.mulf %mul3A_228, %add3A_107 : vector<2048x128xf32>
    %add3A_230 = vector.broadcast %broadcast_in_dim3A_224 : vector<1x128xf32> to vector<2048x128xf32>
    %add3A_231 = arith.addf %add3A_230, %mul3A_229 : vector<2048x128xf32>
    %max3A_232 = arith.constant 0.000000e+00 : f32
    %max3A_233 = vector.broadcast %max3A_232 : f32 to vector<2048x128xf32>
    %max3A_234 = arith.maximumf %add3A_231, %max3A_233 : vector<2048x128xf32>
    %add3A_235 = arith.addf %add3A_221, %max3A_234 : vector<2048x128xf32>
    %slice3A_236 = vector.extract_strided_slice %add3A_65 {offsets = [9, 0], sizes = [1, 128], strides = [1, 1]} : vector<16x128xf32> to vector<1x128xf32>
    %squeeze3A_237 = vector.shape_cast %slice3A_236 : vector<1x128xf32> to vector<128xf32>
    %broadcast_in_dim3A_238 = vector.shape_cast %squeeze3A_237 : vector<128xf32> to vector<1x128xf32>
    %slice3A_239 = vector.extract_strided_slice %abs3A {offsets = [9, 0], sizes = [1, 2048], strides = [1, 1]} : vector<16x2048xf32> to vector<1x2048xf32>
    %squeeze3A_240 = vector.shape_cast %slice3A_239 : vector<1x2048xf32> to vector<2048xf32>
    %broadcast_in_dim3A_241 = vector.shape_cast %squeeze3A_240 : vector<2048xf32> to vector<2048x1xf32>
    %mul3A_242 = vector.broadcast %broadcast_in_dim3A_241 : vector<2048x1xf32> to vector<2048x128xf32>
    %mul3A_243 = arith.mulf %mul3A_242, %add3A_107 : vector<2048x128xf32>
    %add3A_244 = vector.broadcast %broadcast_in_dim3A_238 : vector<1x128xf32> to vector<2048x128xf32>
    %add3A_245 = arith.addf %add3A_244, %mul3A_243 : vector<2048x128xf32>
    %max3A_246 = arith.constant 0.000000e+00 : f32
    %max3A_247 = vector.broadcast %max3A_246 : f32 to vector<2048x128xf32>
    %max3A_248 = arith.maximumf %add3A_245, %max3A_247 : vector<2048x128xf32>
    %add3A_249 = arith.addf %add3A_235, %max3A_248 : vector<2048x128xf32>
    %slice3A_250 = vector.extract_strided_slice %add3A_65 {offsets = [10, 0], sizes = [1, 128], strides = [1, 1]} : vector<16x128xf32> to vector<1x128xf32>
    %squeeze3A_251 = vector.shape_cast %slice3A_250 : vector<1x128xf32> to vector<128xf32>
    %broadcast_in_dim3A_252 = vector.shape_cast %squeeze3A_251 : vector<128xf32> to vector<1x128xf32>
    %slice3A_253 = vector.extract_strided_slice %abs3A {offsets = [10, 0], sizes = [1, 2048], strides = [1, 1]} : vector<16x2048xf32> to vector<1x2048xf32>
    %squeeze3A_254 = vector.shape_cast %slice3A_253 : vector<1x2048xf32> to vector<2048xf32>
    %broadcast_in_dim3A_255 = vector.shape_cast %squeeze3A_254 : vector<2048xf32> to vector<2048x1xf32>
    %mul3A_256 = vector.broadcast %broadcast_in_dim3A_255 : vector<2048x1xf32> to vector<2048x128xf32>
    %mul3A_257 = arith.mulf %mul3A_256, %add3A_107 : vector<2048x128xf32>
    %add3A_258 = vector.broadcast %broadcast_in_dim3A_252 : vector<1x128xf32> to vector<2048x128xf32>
    %add3A_259 = arith.addf %add3A_258, %mul3A_257 : vector<2048x128xf32>
    %max3A_260 = arith.constant 0.000000e+00 : f32
    %max3A_261 = vector.broadcast %max3A_260 : f32 to vector<2048x128xf32>
    %max3A_262 = arith.maximumf %add3A_259, %max3A_261 : vector<2048x128xf32>
    %add3A_263 = arith.addf %add3A_249, %max3A_262 : vector<2048x128xf32>
    %slice3A_264 = vector.extract_strided_slice %add3A_65 {offsets = [11, 0], sizes = [1, 128], strides = [1, 1]} : vector<16x128xf32> to vector<1x128xf32>
    %squeeze3A_265 = vector.shape_cast %slice3A_264 : vector<1x128xf32> to vector<128xf32>
    %broadcast_in_dim3A_266 = vector.shape_cast %squeeze3A_265 : vector<128xf32> to vector<1x128xf32>
    %slice3A_267 = vector.extract_strided_slice %abs3A {offsets = [11, 0], sizes = [1, 2048], strides = [1, 1]} : vector<16x2048xf32> to vector<1x2048xf32>
    %squeeze3A_268 = vector.shape_cast %slice3A_267 : vector<1x2048xf32> to vector<2048xf32>
    %broadcast_in_dim3A_269 = vector.shape_cast %squeeze3A_268 : vector<2048xf32> to vector<2048x1xf32>
    %mul3A_270 = vector.broadcast %broadcast_in_dim3A_269 : vector<2048x1xf32> to vector<2048x128xf32>
    %mul3A_271 = arith.mulf %mul3A_270, %add3A_107 : vector<2048x128xf32>
    %add3A_272 = vector.broadcast %broadcast_in_dim3A_266 : vector<1x128xf32> to vector<2048x128xf32>
    %add3A_273 = arith.addf %add3A_272, %mul3A_271 : vector<2048x128xf32>
    %max3A_274 = arith.constant 0.000000e+00 : f32
    %max3A_275 = vector.broadcast %max3A_274 : f32 to vector<2048x128xf32>
    %max3A_276 = arith.maximumf %add3A_273, %max3A_275 : vector<2048x128xf32>
    %add3A_277 = arith.addf %add3A_263, %max3A_276 : vector<2048x128xf32>
    %slice3A_278 = vector.extract_strided_slice %add3A_65 {offsets = [12, 0], sizes = [1, 128], strides = [1, 1]} : vector<16x128xf32> to vector<1x128xf32>
    %squeeze3A_279 = vector.shape_cast %slice3A_278 : vector<1x128xf32> to vector<128xf32>
    %broadcast_in_dim3A_280 = vector.shape_cast %squeeze3A_279 : vector<128xf32> to vector<1x128xf32>
    %slice3A_281 = vector.extract_strided_slice %abs3A {offsets = [12, 0], sizes = [1, 2048], strides = [1, 1]} : vector<16x2048xf32> to vector<1x2048xf32>
    %squeeze3A_282 = vector.shape_cast %slice3A_281 : vector<1x2048xf32> to vector<2048xf32>
    %broadcast_in_dim3A_283 = vector.shape_cast %squeeze3A_282 : vector<2048xf32> to vector<2048x1xf32>
    %mul3A_284 = vector.broadcast %broadcast_in_dim3A_283 : vector<2048x1xf32> to vector<2048x128xf32>
    %mul3A_285 = arith.mulf %mul3A_284, %add3A_107 : vector<2048x128xf32>
    %add3A_286 = vector.broadcast %broadcast_in_dim3A_280 : vector<1x128xf32> to vector<2048x128xf32>
    %add3A_287 = arith.addf %add3A_286, %mul3A_285 : vector<2048x128xf32>
    %max3A_288 = arith.constant 0.000000e+00 : f32
    %max3A_289 = vector.broadcast %max3A_288 : f32 to vector<2048x128xf32>
    %max3A_290 = arith.maximumf %add3A_287, %max3A_289 : vector<2048x128xf32>
    %add3A_291 = arith.addf %add3A_277, %max3A_290 : vector<2048x128xf32>
    %slice3A_292 = vector.extract_strided_slice %add3A_65 {offsets = [13, 0], sizes = [1, 128], strides = [1, 1]} : vector<16x128xf32> to vector<1x128xf32>
    %squeeze3A_293 = vector.shape_cast %slice3A_292 : vector<1x128xf32> to vector<128xf32>
    %broadcast_in_dim3A_294 = vector.shape_cast %squeeze3A_293 : vector<128xf32> to vector<1x128xf32>
    %slice3A_295 = vector.extract_strided_slice %abs3A {offsets = [13, 0], sizes = [1, 2048], strides = [1, 1]} : vector<16x2048xf32> to vector<1x2048xf32>
    %squeeze3A_296 = vector.shape_cast %slice3A_295 : vector<1x2048xf32> to vector<2048xf32>
    %broadcast_in_dim3A_297 = vector.shape_cast %squeeze3A_296 : vector<2048xf32> to vector<2048x1xf32>
    %mul3A_298 = vector.broadcast %broadcast_in_dim3A_297 : vector<2048x1xf32> to vector<2048x128xf32>
    %mul3A_299 = arith.mulf %mul3A_298, %add3A_107 : vector<2048x128xf32>
    %add3A_300 = vector.broadcast %broadcast_in_dim3A_294 : vector<1x128xf32> to vector<2048x128xf32>
    %add3A_301 = arith.addf %add3A_300, %mul3A_299 : vector<2048x128xf32>
    %max3A_302 = arith.constant 0.000000e+00 : f32
    %max3A_303 = vector.broadcast %max3A_302 : f32 to vector<2048x128xf32>
    %max3A_304 = arith.maximumf %add3A_301, %max3A_303 : vector<2048x128xf32>
    %add3A_305 = arith.addf %add3A_291, %max3A_304 : vector<2048x128xf32>
    %slice3A_306 = vector.extract_strided_slice %add3A_65 {offsets = [14, 0], sizes = [1, 128], strides = [1, 1]} : vector<16x128xf32> to vector<1x128xf32>
    %squeeze3A_307 = vector.shape_cast %slice3A_306 : vector<1x128xf32> to vector<128xf32>
    %broadcast_in_dim3A_308 = vector.shape_cast %squeeze3A_307 : vector<128xf32> to vector<1x128xf32>
    %slice3A_309 = vector.extract_strided_slice %abs3A {offsets = [14, 0], sizes = [1, 2048], strides = [1, 1]} : vector<16x2048xf32> to vector<1x2048xf32>
    %squeeze3A_310 = vector.shape_cast %slice3A_309 : vector<1x2048xf32> to vector<2048xf32>
    %broadcast_in_dim3A_311 = vector.shape_cast %squeeze3A_310 : vector<2048xf32> to vector<2048x1xf32>
    %mul3A_312 = vector.broadcast %broadcast_in_dim3A_311 : vector<2048x1xf32> to vector<2048x128xf32>
    %mul3A_313 = arith.mulf %mul3A_312, %add3A_107 : vector<2048x128xf32>
    %add3A_314 = vector.broadcast %broadcast_in_dim3A_308 : vector<1x128xf32> to vector<2048x128xf32>
    %add3A_315 = arith.addf %add3A_314, %mul3A_313 : vector<2048x128xf32>
    %max3A_316 = arith.constant 0.000000e+00 : f32
    %max3A_317 = vector.broadcast %max3A_316 : f32 to vector<2048x128xf32>
    %max3A_318 = arith.maximumf %add3A_315, %max3A_317 : vector<2048x128xf32>
    %add3A_319 = arith.addf %add3A_305, %max3A_318 : vector<2048x128xf32>
    %slice3A_320 = vector.extract_strided_slice %add3A_65 {offsets = [15, 0], sizes = [1, 128], strides = [1, 1]} : vector<16x128xf32> to vector<1x128xf32>
    %squeeze3A_321 = vector.shape_cast %slice3A_320 : vector<1x128xf32> to vector<128xf32>
    %broadcast_in_dim3A_322 = vector.shape_cast %squeeze3A_321 : vector<128xf32> to vector<1x128xf32>
    %slice3A_323 = vector.extract_strided_slice %abs3A {offsets = [15, 0], sizes = [1, 2048], strides = [1, 1]} : vector<16x2048xf32> to vector<1x2048xf32>
    %squeeze3A_324 = vector.shape_cast %slice3A_323 : vector<1x2048xf32> to vector<2048xf32>
    %broadcast_in_dim3A_325 = vector.shape_cast %squeeze3A_324 : vector<2048xf32> to vector<2048x1xf32>
    %mul3A_326 = vector.broadcast %broadcast_in_dim3A_325 : vector<2048x1xf32> to vector<2048x128xf32>
    %mul3A_327 = arith.mulf %mul3A_326, %add3A_107 : vector<2048x128xf32>
    %add3A_328 = vector.broadcast %broadcast_in_dim3A_322 : vector<1x128xf32> to vector<2048x128xf32>
    %add3A_329 = arith.addf %add3A_328, %mul3A_327 : vector<2048x128xf32>
    %max3A_330 = arith.constant 0.000000e+00 : f32
    %max3A_331 = vector.broadcast %max3A_330 : f32 to vector<2048x128xf32>
    %max3A_332 = arith.maximumf %add3A_329, %max3A_331 : vector<2048x128xf32>
    %add3A_333 = arith.addf %add3A_319, %max3A_332 : vector<2048x128xf32>
    %get3A_334 = arith.constant 0 : index
    %get3A_335 = arith.constant 0 : index
    %get3A_336 = vector.load %arg10[%get3A_334, %get3A_335] : memref<128x128xf32, #tpu.memory_space<vmem>>, vector<128x128xf32>
    %dot_general3A_337 = arith.constant dense<0.000000e+00> : vector<2048x128xf32>
    %dot_general3A_338 = tpu.matmul %add3A_333, %get3A_336, %dot_general3A_337 {dimension_numbers = #tpu.dot_dimension_numbers<[1], [0], [0], [1], [0, 0, 1, 1], [], []>, transpose_lhs_hint = false} : vector<2048x128xf32>, vector<128x128xf32>, vector<2048x128xf32> -> vector<2048x128xf32>
    %get3A_339 = arith.constant 0 : index
    %get3A_340 = arith.constant 0 : index
    %get3A_341 = vector.load %arg11[%get3A_339, %get3A_340] : memref<1x128xf32, #tpu.memory_space<vmem>>, vector<1x128xf32>
    %mul3A_342 = arith.constant 1.600000e+01 : f32
    %mul3A_343 = vector.broadcast %mul3A_342 : f32 to vector<1x128xf32>
    %mul3A_344 = arith.mulf %mul3A_343, %get3A_341 : vector<1x128xf32>
    %add3A_345 = vector.broadcast %mul3A_344 : vector<1x128xf32> to vector<2048x128xf32>
    %add3A_346 = arith.addf %dot_general3A_338, %add3A_345 : vector<2048x128xf32>
    %get3A_347 = arith.constant 0 : index
    %get3A_348 = arith.constant 0 : index
    %get3A_349 = vector.load %arg12[%get3A_347, %get3A_348] : memref<128x128xf32, #tpu.memory_space<vmem>>, vector<128x128xf32>
    %dot_general3A_350 = arith.constant dense<0.000000e+00> : vector<2048x128xf32>
    %dot_general3A_351 = tpu.matmul %add3A_346, %get3A_349, %dot_general3A_350 {dimension_numbers = #tpu.dot_dimension_numbers<[1], [0], [0], [1], [0, 0, 1, 1], [], []>, transpose_lhs_hint = false} : vector<2048x128xf32>, vector<128x128xf32>, vector<2048x128xf32> -> vector<2048x128xf32>
    %get3A_352 = arith.constant 0 : index
    %get3A_353 = arith.constant 0 : index
    %get3A_354 = vector.load %arg13[%get3A_352, %get3A_353] : memref<1x128xf32, #tpu.memory_space<vmem>>, vector<1x128xf32>
    %add3A_355 = vector.broadcast %get3A_354 : vector<1x128xf32> to vector<2048x128xf32>
    %add3A_356 = arith.addf %dot_general3A_351, %add3A_355 : vector<2048x128xf32>
    %max3A_357 = arith.constant 0.000000e+00 : f32
    %max3A_358 = vector.broadcast %max3A_357 : f32 to vector<2048x128xf32>
    %max3A_359 = arith.maximumf %add3A_356, %max3A_358 : vector<2048x128xf32>
    %get3A_360 = arith.constant 0 : index
    %get3A_361 = arith.constant 0 : index
    %get3A_362 = vector.load %arg14[%get3A_360, %get3A_361] : memref<128x128xf32, #tpu.memory_space<vmem>>, vector<128x128xf32>
    %dot_general3A_363 = arith.constant dense<0.000000e+00> : vector<2048x128xf32>
    %dot_general3A_364 = tpu.matmul %max3A_359, %get3A_362, %dot_general3A_363 {dimension_numbers = #tpu.dot_dimension_numbers<[1], [0], [0], [1], [0, 0, 1, 1], [], []>, transpose_lhs_hint = false} : vector<2048x128xf32>, vector<128x128xf32>, vector<2048x128xf32> -> vector<2048x128xf32>
    %get3A_365 = arith.constant 0 : index
    %get3A_366 = arith.constant 0 : index
    %get3A_367 = vector.load %arg15[%get3A_365, %get3A_366] : memref<1x128xf32, #tpu.memory_space<vmem>>, vector<1x128xf32>
    %add3A_368 = vector.broadcast %get3A_367 : vector<1x128xf32> to vector<2048x128xf32>
    %add3A_369 = arith.addf %dot_general3A_364, %add3A_368 : vector<2048x128xf32>
    %swap3A = arith.constant 0 : index
    %swap3A_370 = arith.constant 0 : index
    %swap3A_371 = arith.constant 0 : index
    %swap3A_372 = vector.load %arg16[%swap3A, %swap3A_370, %swap3A_371] : memref<1x2048x128xf32, #tpu.memory_space<vmem>>, vector<1x2048x128xf32>
    %swap3A_373 = vector.shape_cast %swap3A_372 : vector<1x2048x128xf32> to vector<2048x128xf32>
    %swap3A_374 = vector.shape_cast %add3A_369 : vector<2048x128xf32> to vector<1x2048x128xf32>
    tpu.vector_store %arg16[%swap3A, %swap3A_370, %swap3A_371], %swap3A_374 {strides = array<i32>} : memref<1x2048x128xf32, #tpu.memory_space<vmem>>, vector<1x2048x128xf32>,
    return
  }
  func.func @transform_0(%arg0: i32) -> (i32, i32, i32) {
    %c0_i32 = arith.constant 0 : i32
    %c0_i32_0 = arith.constant 0 : i32
    %c0_i32_1 = arith.constant 0 : i32
    return %arg0, %c0_i32, %c0_i32_0 : i32, i32, i32
  }
  func.func @transform_1(%arg0: i32) -> (i32, i32, i32) {
    %c0_i32 = arith.constant 0 : i32
    %c0_i32_0 = arith.constant 0 : i32
    %c0_i32_1 = arith.constant 0 : i32
    return %arg0, %c0_i32, %c0_i32_0 : i32, i32, i32
  }
  func.func @transform_2(%arg0: i32) -> (i32, i32) {
    %c0_i32 = arith.constant 0 : i32
    %c0_i32_0 = arith.constant 0 : i32
    %c0_i32_1 = arith.constant 0 : i32
    return %c0_i32, %c0_i32_0 : i32, i32
  }
  func.func @transform_3(%arg0: i32) -> (i32, i32) {
    %c0_i32 = arith.constant 0 : i32
    %c0_i32_0 = arith.constant 0 : i32
    %c0_i32_1 = arith.constant 0 : i32
    return %c0_i32, %c0_i32_0 : i32, i32
  }
  func.func @transform_4(%arg0: i32) -> (i32, i32) {
    %c0_i32 = arith.constant 0 : i32
    %c0_i32_0 = arith.constant 0 : i32
    %c0_i32_1 = arith.constant 0 : i32
    return %c0_i32, %c0_i32_0 : i32, i32
  }
  func.func @transform_5(%arg0: i32) -> (i32, i32) {
    %c0_i32 = arith.constant 0 : i32
    %c0_i32_0 = arith.constant 0 : i32
    %c0_i32_1 = arith.constant 0 : i32
    return %c0_i32, %c0_i32_0 : i32, i32
  }
  func.func @transform_6(%arg0: i32) -> (i32, i32) {
    %c0_i32 = arith.constant 0 : i32
    %c0_i32_0 = arith.constant 0 : i32
    %c0_i32_1 = arith.constant 0 : i32
    return %c0_i32, %c0_i32_0 : i32, i32
  }
  func.func @transform_7(%arg0: i32) -> (i32, i32) {
    %c0_i32 = arith.constant 0 : i32
    %c0_i32_0 = arith.constant 0 : i32
    %c0_i32_1 = arith.constant 0 : i32
    return %c0_i32, %c0_i32_0 : i32, i32
  }
  func.func @transform_8(%arg0: i32) -> (i32, i32) {
    %c0_i32 = arith.constant 0 : i32
    %c0_i32_0 = arith.constant 0 : i32
    %c0_i32_1 = arith.constant 0 : i32
    return %c0_i32, %c0_i32_0 : i32, i32
  }
  func.func @transform_9(%arg0: i32) -> (i32, i32) {
    %c0_i32 = arith.constant 0 : i32
    %c0_i32_0 = arith.constant 0 : i32
    %c0_i32_1 = arith.constant 0 : i32
    return %c0_i32, %c0_i32_0 : i32, i32
  }
  func.func @transform_10(%arg0: i32) -> (i32, i32) {
    %c0_i32 = arith.constant 0 : i32
    %c0_i32_0 = arith.constant 0 : i32
    %c0_i32_1 = arith.constant 0 : i32
    return %c0_i32, %c0_i32_0 : i32, i32
  }
  func.func @transform_11(%arg0: i32) -> (i32, i32) {
    %c0_i32 = arith.constant 0 : i32
    %c0_i32_0 = arith.constant 0 : i32
    %c0_i32_1 = arith.constant 0 : i32
    return %c0_i32, %c0_i32_0 : i32, i32
  }
  func.func @transform_12(%arg0: i32) -> (i32, i32) {
    %c0_i32 = arith.constant 0 : i32
    %c0_i32_0 = arith.constant 0 : i32
    %c0_i32_1 = arith.constant 0 : i32
    return %c0_i32, %c0_i32_0 : i32, i32
  }
  func.func @transform_13(%arg0: i32) -> (i32, i32) {
    %c0_i32 = arith.constant 0 : i32
    %c0_i32_0 = arith.constant 0 : i32
    %c0_i32_1 = arith.constant 0 : i32
    return %c0_i32, %c0_i32_0 : i32, i32
  }
  func.func @transform_14(%arg0: i32) -> (i32, i32) {
    %c0_i32 = arith.constant 0 : i32
    %c0_i32_0 = arith.constant 0 : i32
    %c0_i32_1 = arith.constant 0 : i32
    return %c0_i32, %c0_i32_0 : i32, i32
  }
  func.func @transform_15(%arg0: i32) -> (i32, i32, i32) {
    %c0_i32 = arith.constant 0 : i32
    %c0_i32_0 = arith.constant 0 : i32
    %c0_i32_1 = arith.constant 0 : i32
    return %arg0, %c0_i32, %c0_i32_0 : i32, i32, i32
  }
}

module attributes {stable_mosaic.version = 14 : i64} {
  func.func @_final_body(%arg0: i32, %arg1: memref<1024x128xf32, #tpu.memory_space<vmem>>, %arg2: memref<1x2048x128xf32, #tpu.memory_space<vmem>>, %arg3: memref<1x2048x128xf32, #tpu.memory_space<vmem>>, %arg4: memref<1x1x2048xi32, #tpu.memory_space<vmem>>, %arg5: memref<128x128xf32, #tpu.memory_space<vmem>>, %arg6: memref<1x128xf32, #tpu.memory_space<vmem>>, %arg7: memref<128x128xf32, #tpu.memory_space<vmem>>, %arg8: memref<1x128xf32, #tpu.memory_space<vmem>>, %arg9: memref<128x128xf32, #tpu.memory_space<vmem>>, %arg10: memref<1x128xf32, #tpu.memory_space<vmem>>, %arg11: memref<1x1x128xf32, #tpu.memory_space<vmem>>) attributes {dimension_semantics = [#tpu.dimension_semantics<arbitrary>], iteration_bounds = array<i64: 8>, scalar_prefetch = 0 : i64, scratch_operands = 0 : i64, tpu.core_type = #tpu.core_type<tc>, window_params = [{transform_indices = @transform_0, window_bounds = array<i64: 1024, 128>}, {transform_indices = @transform_1, window_bounds = array<i64: 1, 2048, 128>}, {transform_indices = @transform_2, window_bounds = array<i64: 1, 2048, 128>}, {transform_indices = @transform_3, window_bounds = array<i64: 1, 1, 2048>}, {pipeline_mode = #tpu.pipeline_mode<synchronous>, transform_indices = @transform_4, window_bounds = array<i64: 128, 128>}, {pipeline_mode = #tpu.pipeline_mode<synchronous>, transform_indices = @transform_5, window_bounds = array<i64: 1, 128>}, {pipeline_mode = #tpu.pipeline_mode<synchronous>, transform_indices = @transform_6, window_bounds = array<i64: 128, 128>}, {pipeline_mode = #tpu.pipeline_mode<synchronous>, transform_indices = @transform_7, window_bounds = array<i64: 1, 128>}, {pipeline_mode = #tpu.pipeline_mode<synchronous>, transform_indices = @transform_8, window_bounds = array<i64: 128, 128>}, {pipeline_mode = #tpu.pipeline_mode<synchronous>, transform_indices = @transform_9, window_bounds = array<i64: 1, 128>}, {transform_indices = @transform_10, window_bounds = array<i64: 1, 1, 128>}]} {
    %get3A = arith.constant 0 : index
    %get3A_0 = arith.constant 0 : index
    %get3A_1 = arith.constant 0 : index
    %get3A_2 = vector.load %arg2[%get3A, %get3A_0, %get3A_1] : memref<1x2048x128xf32, #tpu.memory_space<vmem>>, vector<1x2048x128xf32>
    %get3A_3 = vector.shape_cast %get3A_2 : vector<1x2048x128xf32> to vector<2048x128xf32>
    %get3A_4 = arith.constant 0 : index
    %get3A_5 = arith.constant 0 : index
    %get3A_6 = arith.constant 0 : index
    %get3A_7 = vector.load %arg3[%get3A_4, %get3A_5, %get3A_6] : memref<1x2048x128xf32, #tpu.memory_space<vmem>>, vector<1x2048x128xf32>
    %get3A_8 = vector.shape_cast %get3A_7 : vector<1x2048x128xf32> to vector<2048x128xf32>
    %get3A_9 = arith.constant 0 : index
    %get3A_10 = arith.constant 0 : index
    %get3A_11 = arith.constant 0 : index
    %get3A_12 = vector.load %arg4[%get3A_9, %get3A_10, %get3A_11] : memref<1x1x2048xi32, #tpu.memory_space<vmem>>, vector<1x1x2048xi32>
    %get3A_13 = vector.shape_cast %get3A_12 : vector<1x1x2048xi32> to vector<2048xi32>
    %broadcast_in_dim3A = arith.constant 0.000000e+00 : f32
    %broadcast_in_dim3A_14 = vector.broadcast %broadcast_in_dim3A : f32 to vector<1024x128xf32>
    %iota3A = tpu.iota {dimensions = array<i32: 1>} : vector<256x1024xi32>
    %slice3A = vector.extract_strided_slice %get3A_13 {offsets = [0], sizes = [256], strides = [1]} : vector<2048xi32> to vector<256xi32>
    %broadcast_in_dim3A_15 = vector.shape_cast %slice3A : vector<256xi32> to vector<256x1xi32>
    %eq3A = vector.broadcast %broadcast_in_dim3A_15 : vector<256x1xi32> to vector<256x1024xi32>
    %eq3A_16 = arith.cmpi eq, %eq3A, %iota3A : vector<256x1024xi32>
    %convert_element_type3A = arith.extui %eq3A_16 : vector<256x1024xi1> to vector<256x1024xi32>
    %convert_element_type3A_17 = arith.sitofp %convert_element_type3A : vector<256x1024xi32> to vector<256x1024xf32>
    %convert_element_type3A_18 = arith.truncf %convert_element_type3A_17 : vector<256x1024xf32> to vector<256x1024xbf16>
    %slice3A_19 = vector.extract_strided_slice %get3A_3 {offsets = [0, 0], sizes = [256, 128], strides = [1, 1]} : vector<2048x128xf32> to vector<256x128xf32>
    %slice3A_20 = vector.extract_strided_slice %get3A_8 {offsets = [0, 0], sizes = [256, 128], strides = [1, 1]} : vector<2048x128xf32> to vector<256x128xf32>
    %add3A = arith.addf %slice3A_19, %slice3A_20 : vector<256x128xf32>
    %max3A = arith.constant 0.000000e+00 : f32
    %max3A_21 = vector.broadcast %max3A : f32 to vector<256x128xf32>
    %max3A_22 = arith.maximumf %add3A, %max3A_21 : vector<256x128xf32>
    %convert_element_type3A_23 = arith.truncf %max3A_22 : vector<256x128xf32> to vector<256x128xbf16>
    %dot_general3A = arith.constant dense<0.000000e+00> : vector<1024x128xf32>
    %dot_general3A_24 = tpu.matmul %convert_element_type3A_18, %convert_element_type3A_23, %dot_general3A {dimension_numbers = #tpu.dot_dimension_numbers<[0], [0], [1], [1], [0, 1, 1, 1], [], []>, transpose_lhs_hint = false} : vector<256x1024xbf16>, vector<256x128xbf16>, vector<1024x128xf32> -> vector<1024x128xf32>
    %add3A_25 = arith.addf %broadcast_in_dim3A_14, %dot_general3A_24 : vector<1024x128xf32>
    %slice3A_26 = vector.extract_strided_slice %get3A_13 {offsets = [256], sizes = [256], strides = [1]} : vector<2048xi32> to vector<256xi32>
    %broadcast_in_dim3A_27 = vector.shape_cast %slice3A_26 : vector<256xi32> to vector<256x1xi32>
    %eq3A_28 = vector.broadcast %broadcast_in_dim3A_27 : vector<256x1xi32> to vector<256x1024xi32>
    %eq3A_29 = arith.cmpi eq, %eq3A_28, %iota3A : vector<256x1024xi32>
    %convert_element_type3A_30 = arith.extui %eq3A_29 : vector<256x1024xi1> to vector<256x1024xi32>
    %convert_element_type3A_31 = arith.sitofp %convert_element_type3A_30 : vector<256x1024xi32> to vector<256x1024xf32>
    %convert_element_type3A_32 = arith.truncf %convert_element_type3A_31 : vector<256x1024xf32> to vector<256x1024xbf16>
    %slice3A_33 = vector.extract_strided_slice %get3A_3 {offsets = [256, 0], sizes = [256, 128], strides = [1, 1]} : vector<2048x128xf32> to vector<256x128xf32>
    %slice3A_34 = vector.extract_strided_slice %get3A_8 {offsets = [256, 0], sizes = [256, 128], strides = [1, 1]} : vector<2048x128xf32> to vector<256x128xf32>
    %add3A_35 = arith.addf %slice3A_33, %slice3A_34 : vector<256x128xf32>
    %max3A_36 = arith.constant 0.000000e+00 : f32
    %max3A_37 = vector.broadcast %max3A_36 : f32 to vector<256x128xf32>
    %max3A_38 = arith.maximumf %add3A_35, %max3A_37 : vector<256x128xf32>
    %convert_element_type3A_39 = arith.truncf %max3A_38 : vector<256x128xf32> to vector<256x128xbf16>
    %dot_general3A_40 = arith.constant dense<0.000000e+00> : vector<1024x128xf32>
    %dot_general3A_41 = tpu.matmul %convert_element_type3A_32, %convert_element_type3A_39, %dot_general3A_40 {dimension_numbers = #tpu.dot_dimension_numbers<[0], [0], [1], [1], [0, 1, 1, 1], [], []>, transpose_lhs_hint = false} : vector<256x1024xbf16>, vector<256x128xbf16>, vector<1024x128xf32> -> vector<1024x128xf32>
    %add3A_42 = arith.addf %add3A_25, %dot_general3A_41 : vector<1024x128xf32>
    %slice3A_43 = vector.extract_strided_slice %get3A_13 {offsets = [512], sizes = [256], strides = [1]} : vector<2048xi32> to vector<256xi32>
    %broadcast_in_dim3A_44 = vector.shape_cast %slice3A_43 : vector<256xi32> to vector<256x1xi32>
    %eq3A_45 = vector.broadcast %broadcast_in_dim3A_44 : vector<256x1xi32> to vector<256x1024xi32>
    %eq3A_46 = arith.cmpi eq, %eq3A_45, %iota3A : vector<256x1024xi32>
    %convert_element_type3A_47 = arith.extui %eq3A_46 : vector<256x1024xi1> to vector<256x1024xi32>
    %convert_element_type3A_48 = arith.sitofp %convert_element_type3A_47 : vector<256x1024xi32> to vector<256x1024xf32>
    %convert_element_type3A_49 = arith.truncf %convert_element_type3A_48 : vector<256x1024xf32> to vector<256x1024xbf16>
    %slice3A_50 = vector.extract_strided_slice %get3A_3 {offsets = [512, 0], sizes = [256, 128], strides = [1, 1]} : vector<2048x128xf32> to vector<256x128xf32>
    %slice3A_51 = vector.extract_strided_slice %get3A_8 {offsets = [512, 0], sizes = [256, 128], strides = [1, 1]} : vector<2048x128xf32> to vector<256x128xf32>
    %add3A_52 = arith.addf %slice3A_50, %slice3A_51 : vector<256x128xf32>
    %max3A_53 = arith.constant 0.000000e+00 : f32
    %max3A_54 = vector.broadcast %max3A_53 : f32 to vector<256x128xf32>
    %max3A_55 = arith.maximumf %add3A_52, %max3A_54 : vector<256x128xf32>
    %convert_element_type3A_56 = arith.truncf %max3A_55 : vector<256x128xf32> to vector<256x128xbf16>
    %dot_general3A_57 = arith.constant dense<0.000000e+00> : vector<1024x128xf32>
    %dot_general3A_58 = tpu.matmul %convert_element_type3A_49, %convert_element_type3A_56, %dot_general3A_57 {dimension_numbers = #tpu.dot_dimension_numbers<[0], [0], [1], [1], [0, 1, 1, 1], [], []>, transpose_lhs_hint = false} : vector<256x1024xbf16>, vector<256x128xbf16>, vector<1024x128xf32> -> vector<1024x128xf32>
    %add3A_59 = arith.addf %add3A_42, %dot_general3A_58 : vector<1024x128xf32>
    %slice3A_60 = vector.extract_strided_slice %get3A_13 {offsets = [768], sizes = [256], strides = [1]} : vector<2048xi32> to vector<256xi32>
    %broadcast_in_dim3A_61 = vector.shape_cast %slice3A_60 : vector<256xi32> to vector<256x1xi32>
    %eq3A_62 = vector.broadcast %broadcast_in_dim3A_61 : vector<256x1xi32> to vector<256x1024xi32>
    %eq3A_63 = arith.cmpi eq, %eq3A_62, %iota3A : vector<256x1024xi32>
    %convert_element_type3A_64 = arith.extui %eq3A_63 : vector<256x1024xi1> to vector<256x1024xi32>
    %convert_element_type3A_65 = arith.sitofp %convert_element_type3A_64 : vector<256x1024xi32> to vector<256x1024xf32>
    %convert_element_type3A_66 = arith.truncf %convert_element_type3A_65 : vector<256x1024xf32> to vector<256x1024xbf16>
    %slice3A_67 = vector.extract_strided_slice %get3A_3 {offsets = [768, 0], sizes = [256, 128], strides = [1, 1]} : vector<2048x128xf32> to vector<256x128xf32>
    %slice3A_68 = vector.extract_strided_slice %get3A_8 {offsets = [768, 0], sizes = [256, 128], strides = [1, 1]} : vector<2048x128xf32> to vector<256x128xf32>
    %add3A_69 = arith.addf %slice3A_67, %slice3A_68 : vector<256x128xf32>
    %max3A_70 = arith.constant 0.000000e+00 : f32
    %max3A_71 = vector.broadcast %max3A_70 : f32 to vector<256x128xf32>
    %max3A_72 = arith.maximumf %add3A_69, %max3A_71 : vector<256x128xf32>
    %convert_element_type3A_73 = arith.truncf %max3A_72 : vector<256x128xf32> to vector<256x128xbf16>
    %dot_general3A_74 = arith.constant dense<0.000000e+00> : vector<1024x128xf32>
    %dot_general3A_75 = tpu.matmul %convert_element_type3A_66, %convert_element_type3A_73, %dot_general3A_74 {dimension_numbers = #tpu.dot_dimension_numbers<[0], [0], [1], [1], [0, 1, 1, 1], [], []>, transpose_lhs_hint = false} : vector<256x1024xbf16>, vector<256x128xbf16>, vector<1024x128xf32> -> vector<1024x128xf32>
    %add3A_76 = arith.addf %add3A_59, %dot_general3A_75 : vector<1024x128xf32>
    %slice3A_77 = vector.extract_strided_slice %get3A_13 {offsets = [1024], sizes = [256], strides = [1]} : vector<2048xi32> to vector<256xi32>
    %broadcast_in_dim3A_78 = vector.shape_cast %slice3A_77 : vector<256xi32> to vector<256x1xi32>
    %eq3A_79 = vector.broadcast %broadcast_in_dim3A_78 : vector<256x1xi32> to vector<256x1024xi32>
    %eq3A_80 = arith.cmpi eq, %eq3A_79, %iota3A : vector<256x1024xi32>
    %convert_element_type3A_81 = arith.extui %eq3A_80 : vector<256x1024xi1> to vector<256x1024xi32>
    %convert_element_type3A_82 = arith.sitofp %convert_element_type3A_81 : vector<256x1024xi32> to vector<256x1024xf32>
    %convert_element_type3A_83 = arith.truncf %convert_element_type3A_82 : vector<256x1024xf32> to vector<256x1024xbf16>
    %slice3A_84 = vector.extract_strided_slice %get3A_3 {offsets = [1024, 0], sizes = [256, 128], strides = [1, 1]} : vector<2048x128xf32> to vector<256x128xf32>
    %slice3A_85 = vector.extract_strided_slice %get3A_8 {offsets = [1024, 0], sizes = [256, 128], strides = [1, 1]} : vector<2048x128xf32> to vector<256x128xf32>
    %add3A_86 = arith.addf %slice3A_84, %slice3A_85 : vector<256x128xf32>
    %max3A_87 = arith.constant 0.000000e+00 : f32
    %max3A_88 = vector.broadcast %max3A_87 : f32 to vector<256x128xf32>
    %max3A_89 = arith.maximumf %add3A_86, %max3A_88 : vector<256x128xf32>
    %convert_element_type3A_90 = arith.truncf %max3A_89 : vector<256x128xf32> to vector<256x128xbf16>
    %dot_general3A_91 = arith.constant dense<0.000000e+00> : vector<1024x128xf32>
    %dot_general3A_92 = tpu.matmul %convert_element_type3A_83, %convert_element_type3A_90, %dot_general3A_91 {dimension_numbers = #tpu.dot_dimension_numbers<[0], [0], [1], [1], [0, 1, 1, 1], [], []>, transpose_lhs_hint = false} : vector<256x1024xbf16>, vector<256x128xbf16>, vector<1024x128xf32> -> vector<1024x128xf32>
    %add3A_93 = arith.addf %add3A_76, %dot_general3A_92 : vector<1024x128xf32>
    %slice3A_94 = vector.extract_strided_slice %get3A_13 {offsets = [1280], sizes = [256], strides = [1]} : vector<2048xi32> to vector<256xi32>
    %broadcast_in_dim3A_95 = vector.shape_cast %slice3A_94 : vector<256xi32> to vector<256x1xi32>
    %eq3A_96 = vector.broadcast %broadcast_in_dim3A_95 : vector<256x1xi32> to vector<256x1024xi32>
    %eq3A_97 = arith.cmpi eq, %eq3A_96, %iota3A : vector<256x1024xi32>
    %convert_element_type3A_98 = arith.extui %eq3A_97 : vector<256x1024xi1> to vector<256x1024xi32>
    %convert_element_type3A_99 = arith.sitofp %convert_element_type3A_98 : vector<256x1024xi32> to vector<256x1024xf32>
    %convert_element_type3A_100 = arith.truncf %convert_element_type3A_99 : vector<256x1024xf32> to vector<256x1024xbf16>
    %slice3A_101 = vector.extract_strided_slice %get3A_3 {offsets = [1280, 0], sizes = [256, 128], strides = [1, 1]} : vector<2048x128xf32> to vector<256x128xf32>
    %slice3A_102 = vector.extract_strided_slice %get3A_8 {offsets = [1280, 0], sizes = [256, 128], strides = [1, 1]} : vector<2048x128xf32> to vector<256x128xf32>
    %add3A_103 = arith.addf %slice3A_101, %slice3A_102 : vector<256x128xf32>
    %max3A_104 = arith.constant 0.000000e+00 : f32
    %max3A_105 = vector.broadcast %max3A_104 : f32 to vector<256x128xf32>
    %max3A_106 = arith.maximumf %add3A_103, %max3A_105 : vector<256x128xf32>
    %convert_element_type3A_107 = arith.truncf %max3A_106 : vector<256x128xf32> to vector<256x128xbf16>
    %dot_general3A_108 = arith.constant dense<0.000000e+00> : vector<1024x128xf32>
    %dot_general3A_109 = tpu.matmul %convert_element_type3A_100, %convert_element_type3A_107, %dot_general3A_108 {dimension_numbers = #tpu.dot_dimension_numbers<[0], [0], [1], [1], [0, 1, 1, 1], [], []>, transpose_lhs_hint = false} : vector<256x1024xbf16>, vector<256x128xbf16>, vector<1024x128xf32> -> vector<1024x128xf32>
    %add3A_110 = arith.addf %add3A_93, %dot_general3A_109 : vector<1024x128xf32>
    %slice3A_111 = vector.extract_strided_slice %get3A_13 {offsets = [1536], sizes = [256], strides = [1]} : vector<2048xi32> to vector<256xi32>
    %broadcast_in_dim3A_112 = vector.shape_cast %slice3A_111 : vector<256xi32> to vector<256x1xi32>
    %eq3A_113 = vector.broadcast %broadcast_in_dim3A_112 : vector<256x1xi32> to vector<256x1024xi32>
    %eq3A_114 = arith.cmpi eq, %eq3A_113, %iota3A : vector<256x1024xi32>
    %convert_element_type3A_115 = arith.extui %eq3A_114 : vector<256x1024xi1> to vector<256x1024xi32>
    %convert_element_type3A_116 = arith.sitofp %convert_element_type3A_115 : vector<256x1024xi32> to vector<256x1024xf32>
    %convert_element_type3A_117 = arith.truncf %convert_element_type3A_116 : vector<256x1024xf32> to vector<256x1024xbf16>
    %slice3A_118 = vector.extract_strided_slice %get3A_3 {offsets = [1536, 0], sizes = [256, 128], strides = [1, 1]} : vector<2048x128xf32> to vector<256x128xf32>
    %slice3A_119 = vector.extract_strided_slice %get3A_8 {offsets = [1536, 0], sizes = [256, 128], strides = [1, 1]} : vector<2048x128xf32> to vector<256x128xf32>
    %add3A_120 = arith.addf %slice3A_118, %slice3A_119 : vector<256x128xf32>
    %max3A_121 = arith.constant 0.000000e+00 : f32
    %max3A_122 = vector.broadcast %max3A_121 : f32 to vector<256x128xf32>
    %max3A_123 = arith.maximumf %add3A_120, %max3A_122 : vector<256x128xf32>
    %convert_element_type3A_124 = arith.truncf %max3A_123 : vector<256x128xf32> to vector<256x128xbf16>
    %dot_general3A_125 = arith.constant dense<0.000000e+00> : vector<1024x128xf32>
    %dot_general3A_126 = tpu.matmul %convert_element_type3A_117, %convert_element_type3A_124, %dot_general3A_125 {dimension_numbers = #tpu.dot_dimension_numbers<[0], [0], [1], [1], [0, 1, 1, 1], [], []>, transpose_lhs_hint = false} : vector<256x1024xbf16>, vector<256x128xbf16>, vector<1024x128xf32> -> vector<1024x128xf32>
    %add3A_127 = arith.addf %add3A_110, %dot_general3A_126 : vector<1024x128xf32>
    %slice3A_128 = vector.extract_strided_slice %get3A_13 {offsets = [1792], sizes = [256], strides = [1]} : vector<2048xi32> to vector<256xi32>
    %broadcast_in_dim3A_129 = vector.shape_cast %slice3A_128 : vector<256xi32> to vector<256x1xi32>
    %eq3A_130 = vector.broadcast %broadcast_in_dim3A_129 : vector<256x1xi32> to vector<256x1024xi32>
    %eq3A_131 = arith.cmpi eq, %eq3A_130, %iota3A : vector<256x1024xi32>
    %convert_element_type3A_132 = arith.extui %eq3A_131 : vector<256x1024xi1> to vector<256x1024xi32>
    %convert_element_type3A_133 = arith.sitofp %convert_element_type3A_132 : vector<256x1024xi32> to vector<256x1024xf32>
    %convert_element_type3A_134 = arith.truncf %convert_element_type3A_133 : vector<256x1024xf32> to vector<256x1024xbf16>
    %slice3A_135 = vector.extract_strided_slice %get3A_3 {offsets = [1792, 0], sizes = [256, 128], strides = [1, 1]} : vector<2048x128xf32> to vector<256x128xf32>
    %slice3A_136 = vector.extract_strided_slice %get3A_8 {offsets = [1792, 0], sizes = [256, 128], strides = [1, 1]} : vector<2048x128xf32> to vector<256x128xf32>
    %add3A_137 = arith.addf %slice3A_135, %slice3A_136 : vector<256x128xf32>
    %max3A_138 = arith.constant 0.000000e+00 : f32
    %max3A_139 = vector.broadcast %max3A_138 : f32 to vector<256x128xf32>
    %max3A_140 = arith.maximumf %add3A_137, %max3A_139 : vector<256x128xf32>
    %convert_element_type3A_141 = arith.truncf %max3A_140 : vector<256x128xf32> to vector<256x128xbf16>
    %dot_general3A_142 = arith.constant dense<0.000000e+00> : vector<1024x128xf32>
    %dot_general3A_143 = tpu.matmul %convert_element_type3A_134, %convert_element_type3A_141, %dot_general3A_142 {dimension_numbers = #tpu.dot_dimension_numbers<[0], [0], [1], [1], [0, 1, 1, 1], [], []>, transpose_lhs_hint = false} : vector<256x1024xbf16>, vector<256x128xbf16>, vector<1024x128xf32> -> vector<1024x128xf32>
    %add3A_144 = arith.addf %add3A_127, %dot_general3A_143 : vector<1024x128xf32>
    %get3A_145 = arith.constant 0 : index
    %get3A_146 = arith.constant 0 : index
    %get3A_147 = vector.load %arg1[%get3A_145, %get3A_146] : memref<1024x128xf32, #tpu.memory_space<vmem>>, vector<1024x128xf32>
    %add3A_148 = arith.addf %get3A_147, %add3A_144 : vector<1024x128xf32>
    %get3A_149 = arith.constant 0 : index
    %get3A_150 = arith.constant 0 : index
    %get3A_151 = vector.load %arg5[%get3A_149, %get3A_150] : memref<128x128xf32, #tpu.memory_space<vmem>>, vector<128x128xf32>
    %dot_general3A_152 = arith.constant dense<0.000000e+00> : vector<1024x128xf32>
    %dot_general3A_153 = tpu.matmul %add3A_148, %get3A_151, %dot_general3A_152 {dimension_numbers = #tpu.dot_dimension_numbers<[1], [0], [0], [1], [0, 0, 1, 1], [], []>, transpose_lhs_hint = false} : vector<1024x128xf32>, vector<128x128xf32>, vector<1024x128xf32> -> vector<1024x128xf32>
    %get3A_154 = arith.constant 0 : index
    %get3A_155 = arith.constant 0 : index
    %get3A_156 = vector.load %arg6[%get3A_154, %get3A_155] : memref<1x128xf32, #tpu.memory_space<vmem>>, vector<1x128xf32>
    %add3A_157 = vector.broadcast %get3A_156 : vector<1x128xf32> to vector<1024x128xf32>
    %add3A_158 = arith.addf %dot_general3A_153, %add3A_157 : vector<1024x128xf32>
    %max3A_159 = arith.constant 0.000000e+00 : f32
    %max3A_160 = vector.broadcast %max3A_159 : f32 to vector<1024x128xf32>
    %max3A_161 = arith.maximumf %add3A_158, %max3A_160 : vector<1024x128xf32>
    %get3A_162 = arith.constant 0 : index
    %get3A_163 = arith.constant 0 : index
    %get3A_164 = vector.load %arg7[%get3A_162, %get3A_163] : memref<128x128xf32, #tpu.memory_space<vmem>>, vector<128x128xf32>
    %dot_general3A_165 = arith.constant dense<0.000000e+00> : vector<1024x128xf32>
    %dot_general3A_166 = tpu.matmul %max3A_161, %get3A_164, %dot_general3A_165 {dimension_numbers = #tpu.dot_dimension_numbers<[1], [0], [0], [1], [0, 0, 1, 1], [], []>, transpose_lhs_hint = false} : vector<1024x128xf32>, vector<128x128xf32>, vector<1024x128xf32> -> vector<1024x128xf32>
    %get3A_167 = arith.constant 0 : index
    %get3A_168 = arith.constant 0 : index
    %get3A_169 = vector.load %arg8[%get3A_167, %get3A_168] : memref<1x128xf32, #tpu.memory_space<vmem>>, vector<1x128xf32>
    %add3A_170 = vector.broadcast %get3A_169 : vector<1x128xf32> to vector<1024x128xf32>
    %add3A_171 = arith.addf %dot_general3A_166, %add3A_170 : vector<1024x128xf32>
    %reduce_sum3A = arith.constant dense<0.000000e+00> : vector<128xf32>
    %reduce_sum3A_172 = vector.multi_reduction <add>, %add3A_171, %reduce_sum3A [0] : vector<1024x128xf32> to vector<128xf32>
    %broadcast_in_dim3A_173 = vector.shape_cast %reduce_sum3A_172 : vector<128xf32> to vector<1x128xf32>
    %div3A = arith.constant 1.024000e+03 : f32
    %div3A_174 = vector.broadcast %div3A : f32 to vector<1x128xf32>
    %div3A_175 = arith.divf %broadcast_in_dim3A_173, %div3A_174 : vector<1x128xf32>
    %get3A_176 = arith.constant 0 : index
    %get3A_177 = arith.constant 0 : index
    %get3A_178 = vector.load %arg9[%get3A_176, %get3A_177] : memref<128x128xf32, #tpu.memory_space<vmem>>, vector<128x128xf32>
    %dot_general3A_179 = arith.constant dense<0.000000e+00> : vector<1x128xf32>
    %dot_general3A_180 = tpu.matmul %div3A_175, %get3A_178, %dot_general3A_179 {dimension_numbers = #tpu.dot_dimension_numbers<[1], [0], [0], [1], [0, 0, 1, 1], [], []>, transpose_lhs_hint = false} : vector<1x128xf32>, vector<128x128xf32>, vector<1x128xf32> -> vector<1x128xf32>
    %get3A_181 = arith.constant 0 : index
    %get3A_182 = arith.constant 0 : index
    %get3A_183 = vector.load %arg10[%get3A_181, %get3A_182] : memref<1x128xf32, #tpu.memory_space<vmem>>, vector<1x128xf32>
    %add3A_184 = arith.addf %dot_general3A_180, %get3A_183 : vector<1x128xf32>
    %swap3A = arith.constant 0 : index
    %swap3A_185 = arith.constant 0 : index
    %swap3A_186 = arith.constant 0 : index
    %swap3A_187 = vector.load %arg11[%swap3A, %swap3A_185, %swap3A_186] : memref<1x1x128xf32, #tpu.memory_space<vmem>>, vector<1x1x128xf32>
    %swap3A_188 = vector.shape_cast %swap3A_187 : vector<1x1x128xf32> to vector<1x128xf32>
    %swap3A_189 = vector.shape_cast %add3A_184 : vector<1x128xf32> to vector<1x1x128xf32>
    tpu.vector_store %arg11[%swap3A, %swap3A_185, %swap3A_186], %swap3A_189 {strides = array<i32>} : memref<1x1x128xf32, #tpu.memory_space<vmem>>, vector<1x1x128xf32>,
    return
  }
  func.func @transform_0(%arg0: i32) -> (i32, i32) {
    %c0_i32 = arith.constant 0 : i32
    %c0_i32_0 = arith.constant 0 : i32
    return %arg0, %c0_i32 : i32, i32
  }
  func.func @transform_1(%arg0: i32) -> (i32, i32, i32) {
    %c0_i32 = arith.constant 0 : i32
    %c0_i32_0 = arith.constant 0 : i32
    %c0_i32_1 = arith.constant 0 : i32
    return %arg0, %c0_i32, %c0_i32_0 : i32, i32, i32
  }
  func.func @transform_2(%arg0: i32) -> (i32, i32, i32) {
    %c0_i32 = arith.constant 0 : i32
    %c0_i32_0 = arith.constant 0 : i32
    %c0_i32_1 = arith.constant 0 : i32
    return %arg0, %c0_i32, %c0_i32_0 : i32, i32, i32
  }
  func.func @transform_3(%arg0: i32) -> (i32, i32, i32) {
    %c0_i32 = arith.constant 0 : i32
    %c0_i32_0 = arith.constant 0 : i32
    %c0_i32_1 = arith.constant 0 : i32
    return %arg0, %c0_i32, %c0_i32_0 : i32, i32, i32
  }
  func.func @transform_4(%arg0: i32) -> (i32, i32) {
    %c0_i32 = arith.constant 0 : i32
    %c0_i32_0 = arith.constant 0 : i32
    %c0_i32_1 = arith.constant 0 : i32
    return %c0_i32, %c0_i32_0 : i32, i32
  }
  func.func @transform_5(%arg0: i32) -> (i32, i32) {
    %c0_i32 = arith.constant 0 : i32
    %c0_i32_0 = arith.constant 0 : i32
    %c0_i32_1 = arith.constant 0 : i32
    return %c0_i32, %c0_i32_0 : i32, i32
  }
  func.func @transform_6(%arg0: i32) -> (i32, i32) {
    %c0_i32 = arith.constant 0 : i32
    %c0_i32_0 = arith.constant 0 : i32
    %c0_i32_1 = arith.constant 0 : i32
    return %c0_i32, %c0_i32_0 : i32, i32
  }
  func.func @transform_7(%arg0: i32) -> (i32, i32) {
    %c0_i32 = arith.constant 0 : i32
    %c0_i32_0 = arith.constant 0 : i32
    %c0_i32_1 = arith.constant 0 : i32
    return %c0_i32, %c0_i32_0 : i32, i32
  }
  func.func @transform_8(%arg0: i32) -> (i32, i32) {
    %c0_i32 = arith.constant 0 : i32
    %c0_i32_0 = arith.constant 0 : i32
    %c0_i32_1 = arith.constant 0 : i32
    return %c0_i32, %c0_i32_0 : i32, i32
  }
  func.func @transform_9(%arg0: i32) -> (i32, i32) {
    %c0_i32 = arith.constant 0 : i32
    %c0_i32_0 = arith.constant 0 : i32
    %c0_i32_1 = arith.constant 0 : i32
    return %c0_i32, %c0_i32_0 : i32, i32
  }
  func.func @transform_10(%arg0: i32) -> (i32, i32, i32) {
    %c0_i32 = arith.constant 0 : i32
    %c0_i32_0 = arith.constant 0 : i32
    %c0_i32_1 = arith.constant 0 : i32
    return %arg0, %c0_i32, %c0_i32_0 : i32, i32, i32
  }
}

</mosaic_0001>

<sc_bundles>
// kernel: kernel.11.cloned.1.call-start
scs
__scs_entry_jumppad:
0x0: {  	(pc) =	sbr.rel $0x88, $3  }
0x1: {  	(tag) =	ssettag $0x0;
	lr =	simm.s32 $0x1  }
0x2: {  	[smem:$0x3F8A] =	sst lr;
	_ =	strace $0xD0000000  }
0x3: {  	_ = 	snop  }
0x4: {  	_ = 	snop  }
0x5: {  	_ = 	snop  }
0x6: {  	_ = 	snop  }
0x7: {  	_ = 	snop  }
__scs_overlays_trampoline_lowered:
0x8: {  	[smem:$0x3F99] =	sst s0  }
0x9: {  	[smem:$0x3F9A] =	sst s1  }
0xa: {  	[smem:$0x3F9B] =	sst s2  }
0xb: {  	[smem:$0x3F9C] =	sst s3  }
0xc: {  	[smem:$0x3F9D] =	sst s4  }
0xd: {  	[smem:$0x3F9E] =	sst s5  }
0xe: {  	[smem:$0x3F9F] =	sst s6  }
0xf: {  	[smem:$0x3FA0] =	sst s7  }
0x10: {  	[smem:$0x3FA1] =	sst s8  }
0x11: {  	[smem:$0x3FA2] =	sst s9;
	s0 =	simm.s32 @!p0 $0x0  }
0x12: {  	s1 =	sld [smem:$0x3F88];
	s0 =	simm.s32 @p0 $0x1  }
0x13: {  	[smem:$0x3FA3] =	sst s0;
	s0 =	simm.s32 @!p1 $0x0  }
0x14: {  	s2 =	sld [smem:$0x3F87];
	s0 =	simm.s32 @p1 $0x1  }
0x15: {  	[smem:$0x3FA4] =	sst s0;
	s0 =	simm.s32 @!p2 $0x0  }
0x16: {  	s3 =	sld [smem:$0x3FDB];
	s0 =	simm.s32 @p2 $0x1  }
0x17: {  	s4 =	simm.s32 $0x1BF5;
	[smem:$0x3FA6] =	sst s0  }
0x18: {  	s0 =	sld [smem:$0x3F89];
	_ =	swait.ge [sflag:s4], $0x0  }
0x19: {  	s7 =	sld [smem:$0x3F8A]  }
0x1a: {  	s8 =	sadd.s32 $0xFFFFE003, lr  }
0x1b: {  	s9 =	sadd.s32 $0xFFFFFEF7, lr;
	s5 =	simm.s32 $0xFFFFFFFF;
	p2 =	slt.u32 s8, $0xFFFFF086  }
0x1c: {  	p1 =	slt.u32 s9, $0xF7A;
	s5 =	simm.s32 @!p2 $0x0  }
0x1d: {  	s5 =	simm.s32 @p1 $0x1;
	p0 =	seq.s32 s7, s2  }
0x1e: {  	s7 =	smul.u32 @!p0 $0xF7A, s2;
	p2 =	seq.s32 @!p0 s5, $0x0  }
0x1f: {  	s9 =	smul.u32 $0xF7A, s1;
	s8 =	simm.s32 @!p0 $0x1BF5;
	p2 =	por !p2, p0  }
0x20: {  	[sflag:s8] =	ssyncset.s32 @!p0 $0xFFFFF086;
	s6 =	sadd.s32 @!p0 s3, s7;
	s7 =	simm.s32 @!p0 $0x108  }
0x21: {  	s3 =	sadd.s32 s3, s9;
	s6 =	sadd.s32 @!p0 $0x88, s6;
	s7 =	simm.s32 @p2 $0x1082  }
0x22: {  	[simem:s7], [sflag:s8] =	dma.local @!p0 [hbm:s6], $0xF7A  }
0x23: {  	s9 =	sor.u32 $0xD0000000, s2;
	s6 =	simm.s32 $0x108;
	_ =	swait.ge @!p0 [sflag:s8], $0x0  }
0x24: {  	s3 =	sadd.s32 $0x88, s3;
	s6 =	simm.s32 @!p1 $0x1082;
	[sflag:s4] =	ssyncset.s32 $0xFFFFF086  }
0x25: {  	[simem:s6], [sflag:s4] =	dma.local [hbm:s3], $0xF7A  }
0x26: {  	[smem:$0x3F8A] =	sst s1;
	(tag) =	ssettag s2;
	_ =	strace s9  }
0x27: {  	s1 =	sld [smem:$0x3F9A]  }
0x28: {  	s2 =	sld [smem:$0x3F9B]  }
0x29: {  	s4 =	sld [smem:$0x3F9D]  }
0x2a: {  	p0 =	seq.s32 s5, $0x0;
	s5 =	sld [smem:$0x3F9E]  }
0x2b: {  	s6 =	sld [smem:$0x3F9F]  }
0x2c: {  	s7 =	sld [smem:$0x3FA0]  }
0x2d: {  	s3 =	simm.s32 $0x108;
	s8 =	sld [smem:$0x3FA1]  }
0x2e: {  	s3 =	simm.s32 @!p0 $0x1082;
	s9 =	sld [smem:$0x3FA2]  }
0x2f: {  	lr =	sadd.s32 s0, s3;
	s0 =	sld [smem:$0x3F99]  }
0x30: {  	s3 =	sld [smem:$0x3F9C]  }
0x31: {  	[smem:$0x3FA5] =	sst s10  }
0x32: {  	s10 =	sld [smem:$0x3FA3];
	_ =	sdelay $0x3  }
0x33: {  	p0 =	seq.s32 s10, $0x1;
	s10 =	sld [smem:$0x3FA5];
	_ =	sdelay $0x3  }
0x34: {  	[smem:$0x3FA5] =	sst s10  }
0x35: {  	s10 =	sld [smem:$0x3FA4];
	_ =	sdelay $0x3  }
0x36: {  	p1 =	seq.s32 s10, $0x1;
	s10 =	sld [smem:$0x3FA5];
	_ =	sdelay $0x3  }
0x37: {  	[smem:$0x3FA5] =	sst s10  }
0x38: {  	s10 =	sld [smem:$0x3FA6]  }
0x39: {  	_ = 	snop;
	(pc) =	sbr.ind lr, $3  }
0x3a: {  	_ = 	snop  }
0x3b: {  	_ = 	snop  }
0x3c: {  	p2 =	seq.s32 s10, $0x1;
	s10 =	sld [smem:$0x3FA5]  }
0x3d: {  	_ =	shalt  }
0x3e: {  	_ =	shalt  }
0x3f: {  	_ =	shalt  }
0x40: {  	_ =	shalt  }
0x41: {  	_ =	shalt  }
0x42: {  	_ =	shalt  }
0x43: {  	_ =	shalt  }
0x44: {  	_ =	shalt  }
0x45: {  	_ =	shalt  }
0x46: {  	_ =	shalt  }
0x47: {  	_ =	shalt  }
0x48: {  	_ =	shalt  }
0x49: {  	_ =	shalt  }
0x4a: {  	_ =	shalt  }
0x4b: {  	_ =	shalt  }
0x4c: {  	_ =	shalt  }
0x4d: {  	_ =	shalt  }
0x4e: {  	_ =	shalt  }
0x4f: {  	_ =	shalt  }
0x50: {  	_ =	shalt  }
0x51: {  	_ =	shalt  }
0x52: {  	_ =	shalt  }
0x53: {  	_ =	shalt  }
0x54: {  	_ =	shalt  }
0x55: {  	_ =	shalt  }
0x56: {  	_ =	shalt  }
0x57: {  	_ =	shalt  }
0x58: {  	_ =	shalt  }
0x59: {  	_ =	shalt  }
0x5a: {  	_ =	shalt  }
0x5b: {  	_ =	shalt  }
0x5c: {  	_ =	shalt  }
0x5d: {  	_ =	shalt  }
0x5e: {  	_ =	shalt  }
0x5f: {  	_ =	shalt  }
0x60: {  	_ =	shalt  }
0x61: {  	_ =	shalt  }
0x62: {  	_ =	shalt  }
0x63: {  	_ =	shalt  }
0x64: {  	_ =	shalt  }
0x65: {  	_ =	shalt  }
0x66: {  	_ =	shalt  }
0x67: {  	_ =	shalt  }
0x68: {  	_ =	shalt  }
0x69: {  	_ =	shalt  }
0x6a: {  	_ =	shalt  }
0x6b: {  	_ =	shalt  }
0x6c: {  	_ =	shalt  }
0x6d: {  	_ =	shalt  }
0x6e: {  	_ =	shalt  }
0x6f: {  	_ =	shalt  }
0x70: {  	_ =	shalt  }
0x71: {  	_ =	shalt  }
0x72: {  	_ =	shalt  }
0x73: {  	_ =	shalt  }
0x74: {  	_ =	shalt  }
0x75: {  	_ =	shalt  }
0x76: {  	_ =	shalt  }
0x77: {  	_ =	shalt  }
0x78: {  	_ =	shalt  }
0x79: {  	_ =	shalt  }
0x7a: {  	_ =	shalt  }
0x7b: {  	_ =	shalt  }
0x7c: {  	_ =	shalt  }
0x7d: {  	_ =	shalt  }
0x7e: {  	_ =	shalt  }
0x7f: {  	_ =	shalt  }
0x80: {  	_ =	shalt  }
0x81: {  	_ =	shalt  }
0x82: {  	_ =	shalt  }
0x83: {  	_ =	shalt  }
0x84: {  	_ =	shalt  }
0x85: {  	_ =	shalt  }
0x86: {  	_ =	shalt  }
0x87: {  	_ =	shalt  }
.Lfunc_end0:
.L_simem_size_0:
called_computation_lowered:
.L_overlay_start_0:
0x88: {  	s2 =	sld [smem:$0x3FD9]  }
0x89: {  	s3 =	sld [smem:$0x3FFE];
	_ =	sdelay $0x1  }
0x8a: {  	s1 =	srdreg.scid  }
0x8b: {  	s0 =	sand.u32 $0x1, s1  }
0x8c: {  	s17 =	sshll.u32 s0, $0xA;
	s2 =	sadd.s32 s3, s2  }
0x8d: {  	s2 =	sadd.s32 s2, s17  }
0x8e: {  	[smem:$0x3FB1] =	sst s2  }
0x8f: {  	_ = 	snop  }
0x90: {  	s2 =	sld [smem:$0x3FC8];
	(tm) =	ssettm $0x1  }
0x91: {  	s18 =	sld [smem:$0x3FFB];
	_ =	sdelay $0x3  }
0x92: {  	_ =	strace s18  }
0x93: {  	s3 =	sld [smem:$0x3FFC];
	_ =	sdelay $0x3  }
0x94: {  	_ =	strace s3  }
0x95: {  	s3 =	sld [smem:$0x3FFD];
	_ =	sdelay $0x3  }
0x96: {  	_ =	strace s3  }
0x97: {  	_ =	strace $0x8FFFFFFF  }
0x98: {  	s19 =	sld [smem:$0x3FDB];
	_ =	sdelay $0x1  }
0x99: {  	s4 =	simm.s32 $_scs_section_size  }
0x9a: {  	s5 =	simm.s32 $_size__tile_overlayer_lowered;
	s6 =	simm.s32 $_tile_overlayer_lowered  }
0x9b: {  	s22 =	simm.s32 $0x1BFF;
	s21 =	sshll.u32 s6, $0x1;
	s3 =	sadd.s32 s4, s19  }
0x9c: {  	s7 =	simm.s32 $0x0;
	s20 =	sshll.u32 s5, $0x1;
	s5 =	sadd.s32 s21, s3  }
0x9d: {  	[timem:s7], [sflag:s22] =	dma.local [hbm:s5], s20  }
0x9e: {  	_ =	swait.ge [sflag:s22], s20  }
0x9f: {  	s4 =	ssub.s32 $0x0, s20;
	[sflag:s22] =	ssyncset.done $0x0  }
0xa0: {  	[sflag:s22] =	ssyncadd.s32 s4;
	_ =	sdelay $0x1  }
0xa1: {  	s23 =	simm.s32 $0x1B8B  }
0xa2: {  	_ =	swait.ge [sflag:s23], $0x1  }
0xa3: {  	[sflag:s23] =	ssyncset.done $0x0  }
0xa4: {  	s25 =	simm.s32 $0x1B8E;
	s24 =	sld [smem:$0x3FFE];
	[sflag:s23] =	ssyncadd.s32 $0xFFFFFFFF  }
0xa5: {  	s26 =	simm.s32 $execute0_lowered;
	[smem:$0x3FD2] =	sst s25  }
0xa6: {  	s5 =	sshll.u32 s26, $0x1;
	_ =	strace $0x80000046;
	[dreg:$0x1] =	wrdreg $0xFFFFFFFF  }
0xa7: {  	s28 =	simm.s32 $_size_execute0_lowered;
	s3 =	sadd.s32 s3, s5;
	[dreg:$0x0] =	wrdreg $0x0  }
0xa8: {  	s5 =	sshll.u32 s28, $0x1;
	[dreg:$0x2] =	wrdreg s3  }
0xa9: {  	[dreg:$0x3] =	wrdreg s5  }
0xaa: {  	[dreg:$0x4] =	wrdreg $0xC0  }
0xab: {  	_ =	task [dreg:s7], $0x5FFFF  }
0xac: {  	[dreg:$0x1] =	wrdreg $0xFFFFFFFF  }
0xad: {  	[dreg:$0x0] =	wrdreg $0x60  }
0xae: {  	[dreg:$0x2] =	wrdreg s24  }
0xaf: {  	[dreg:$0x3] =	wrdreg s2  }
0xb0: {  	[dreg:$0x4] =	wrdreg $0x9  }
0xb1: {  	_ =	task.clear_ibuf [dreg:s7], $0x5FFFF;
	_ =	strace $0x90000046  }
0xb2: {  	s29 =	simm.s32 $0x9;
	_ =	strace $0x80000048  }
0xb3: {  	_ =	swait.ge [sflag:s29], $0x1  }
0xb4: {  	[sflag:s29] =	ssyncadd.s32 $0xFFFFFFFF  }
0xb5: {  	_ =	strace $0x90000048  }
0xb6: {  	_ =	sfence  }
0xb7: {  	s30 =	sld [smem:$0x0];
	_ =	sdelay $0x2  }
0xb8: {  	s31 =	sshll.u32 s1, $0xD;
	s1 =	sshrl.u32 s1, $0x2  }
0xb9: {  	s3 =	sand.u32 $0x4000, s31;
	s1 =	sadd.s32 s1, s30  }
0xba: {  	s0 =	sor.u32 s3, s0;
	s1 =	sshll.u32 s1, $0x11  }
0xbb: {  	s0 =	sor.u32 s1, s0  }
0xbc: {  	s0 =	sadd.s32 $0x8F2B, s0  }
0xbd: {  	[sflag:s0] =	ssyncadd.remote.s32 $0x1  }
0xbe: {  	_ =	sfence.sel $0xFFFF  }
0xbf: {  	[dreg:$0x0] =	wrdreg $0xFFFFFFFF;
	(pc) =	sbr.abs _section_cstart, $3  }
0xc0: {  	[dreg:$0x1] =	wrdreg $0xFFFFFFFF  }
0xc1: {  	_ =	task.clear_ibuf [dreg:s7], $0x2FFFF;
	_ =	strace $0x9FFFFFFF  }
0xc2: {  	(tm) =	ssettm $0x7FFFFFFF  }
0xc3: {  	_ =	shalt  }
tec
execute0_lowered:
.L_overlay_start_1:
0x0: {  	(tag) =	ssettag $0x1  }
0x1: {  	s0 =	rddreg [dreg:$0x0]  }
0x2: {  	s1 =	rddreg [dreg:$0x1];
	s5 =	stileid.u32  }
0x3: {  	s2 =	simm.s32 $0x0;
	s3 =	srdreg.scid;
	s11 =	simm.s32 $0x80  }
0x4: {  	s13 =	simm.s32 $0x1;
	s14 =	simm.s32 $0x100;
	s28 =	simm.s32 $0xD00  }
0x5: {  	s29 =	simm.s32 $0xF00;
	s30 =	simm.s32 $0x1100;
	s31 =	simm.s32 $0x1300  }
0x6: {  	s12 =	simm.s32 $0x1180;
	s15 =	simm.s32 $0x1380;
	s16 =	simm.s32 $0x0  }
0x7: {  	s4 =	sshll.u32 s5, $0x1;
	s5 =	sshrl.u32 s5, $0x1;
	s3 =	sand.u32 $0x1, s3  }
0x8: {  	[smem:$0x7FF] =	sst s2;
	s4 =	sand.u32 $0x2, s4;
	s6 =	sshll.u32 s5, $0x4  }
0x9: {  	_ =	strace $0x80000047;
	s8 =	sshll.u32 s5, $0xA;
	s5 =	sshll.u32 s5, $0x9  }
0xa: {  	s23 =	ssub.s32 $0x2, s3;
	s4 =	sor.u32 s3, s4;
	s6 =	sadd.s32 s6, s0  }
0xb: {  	s25 =	sshrl.u32 s23, $0x1;
	s7 =	sshll.u32 s4, $0x8;
	s4 =	sshll.u32 s4, $0x7  }
0xc: {  	s26 =	ssub.s32 s23, s25;
	s25 =	simm.s32 $0x1080;
	s7 =	sor.u32 s8, s7  }
0xd: {  	s24 =	sor.u32 s5, s4;
	s4 =	sadd.s32 $0x6000, s6;
	s10 =	smax.u32 s26, $0x1  }
0xe: {  	s26 =	simm.s32 $0x1280;
	s0 =	sadd.s32 s7, s0;
	s3 =	sadd.s32 s1, s24  }
0xf: {  	s1 =	simm.s32 $0xF80;
	s5 =	sadd.s32 $0x10, s3;
	s6 =	sadd.s32 $0x6800, s0  }
0x10: {  	s7 =	sadd.s32 $0x6810, s0;
	s8 =	sadd.s32 $0x6820, s0;
	s9 =	sadd.s32 $0x6830, s0  }
0x11: {  	s0 =	simm.s32 $0xD80;
	s18 =	sadd.s32 $0x40, s6;
	s20 =	sadd.s32 $0x80, s6  }
.LBB2_1:
0x12: {  	s17 =	simm.s32 $0x400  }
0x13: {  	[tilespmem:s2], [sflag:$0x1] =	stream.strided.gather [hbm4b:s4+s11], $0x800, s17, s11, $0x38;
	[tilespmem:$0x1400] =	vst v63  }
0x14: {  	_ =	swait.ge [sflag:s13], $0x800  }
0x15: {  	[sflag:s13] =	ssyncset.done $0x0  }
0x16: {  	s21 =	simm.s32 $0x800;
	[sflag:s13] =	ssyncadd.s32 $0xFFFFF800  }
0x17: {  	[tilespmem:s21], [sflag:$0x1] =	stream.strided.gather [hbm4b:s3+s11], $0x200, s14, s11, $0x38;
	[tilespmem:$0x1400] =	vst v63  }
0x18: {  	_ =	swait.ge [sflag:s13], $0x200  }
0x19: {  	[sflag:s13] =	ssyncset.done $0x0  }
0x1a: {  	s22 =	simm.s32 $0xA00;
	[sflag:s13] =	ssyncadd.s32 $0xFFFFFE00  }
0x1b: {  	[tilespmem:s22], [sflag:$0x1] =	stream.strided.gather [hbm4b:s5+s11], $0x200, s14, s11, $0x38;
	[tilespmem:$0x1400] =	vst v63  }
0x1c: {  	_ =	swait.ge [sflag:s13], $0x200  }
0x1d: {  	[sflag:s13] =	ssyncset.done $0x0  }
0x1e: {  	s23 =	simm.s32 $0x0;
	[sflag:s13] =	ssyncadd.s32 $0xFFFFFE00  }
0x1f: {  	v0 =	vld [tilespmem:s23+$0x800];
	_ =	sdelay $0x4  }
0x20: {  	v0 =	vshll.u32 v0, $0x1;
	_ =	sdelay $0x4  }
0x21: {  	v1 =	vld.idx.msk [tilespmem:v0+s2+$0x0], $0xffff  }
0x22: {  	v0 =	vor.u32 $0x1, v0  }
0x23: {  	v2 =	vld [tilespmem:s23+$0xA00]  }
0x24: {  	s24 =	sand.u32 $0x70, s2;
	s19 =	sand.u32 $0x600, s2  }
0x25: {  	s22 =	sor.u32 s24, s19  }
0x26: {  	[tilespmem:s22+$0xC00] =	vst v1  }
0x27: {  	v0 =	vld.idx.msk [tilespmem:v0+s2+$0x0], $0xffff  }
0x28: {  	v1 =	vshll.u32 v2, $0x1;
	_ =	sdelay $0x3  }
0x29: {  	[tilespmem:s22+$0xC80] =	vst v0  }
0x2a: {  	v0 =	vld.idx.msk [tilespmem:v1+s2+$0x0], $0xffff  }
0x2b: {  	v1 =	vor.u32 $0x1, v1;
	_ =	sdelay $0x3  }
0x2c: {  	[tilespmem:s22+$0xD00] =	vst v0  }
0x2d: {  	v0 =	vld.idx.msk [tilespmem:v1+s2+$0x0], $0xffff;
	_ =	sdelay $0x2  }
0x2e: {  	s17 =	simm.s32 $0x40;
	s21 =	simm.s32 $0x20;
	s19 =	simm.s32 $0x10  }
.LBB2_2:
0x2f: {  	p0 =	sne.s32 s21, $0x1F0  }
0x30: {  	s23 =	sshra.s32 s17, $0x2;
	[tilespmem:s22+$0xD80] =	vst v0;
	s22 =	smov.u32 s21;
	s21 =	sadd.s32 $0x10, s21  }
0x31: {  	v0 =	vld [tilespmem:s23+$0x800];
	_ =	sdelay $0x4  }
0x32: {  	v0 =	vshll.u32 v0, $0x1;
	_ =	sdelay $0x4  }
0x33: {  	v1 =	vld.idx.msk [tilespmem:v0+s2+$0x0], $0xffff;
	_ =	sdelay $0x1  }
0x34: {  	v0 =	vor.u32 $0x1, v0;
	_ =	sdelay $0x1  }
0x35: {  	s24 =	sand.u32 $0x70, s19;
	s19 =	smov.u32 s22;
	v2 =	vld [tilespmem:s23+$0xA00];
	s23 =	sand.u32 $0x600, s17  }
0x36: {  	s22 =	sor.u32 s24, s23  }
0x37: {  	[tilespmem:s22+$0xC00] =	vst v1  }
0x38: {  	v0 =	vld.idx.msk [tilespmem:v0+s2+$0x0], $0xffff;
	_ =	sdelay $0x1  }
0x39: {  	v1 =	vshll.u32 v2, $0x1;
	_ =	sdelay $0x3  }
0x3a: {  	[tilespmem:s22+$0xC80] =	vst v0  }
0x3b: {  	v0 =	vld.idx.msk [tilespmem:v1+s2+$0x0], $0xffff;
	_ =	sdelay $0x1  }
0x3c: {  	v1 =	vor.u32 $0x1, v1;
	_ =	sdelay $0x3  }
0x3d: {  	[tilespmem:s22+$0xD00] =	vst v0  }
0x3e: {  	v0 =	vld.idx.msk [tilespmem:v1+s2+$0x0], $0xffff  }
.Ltmp0:
0x3f: {  	(pc) =	sbr.rel @p0 .LBB2_2-.Ltmp0, $2  }
0x40: {  	_ =	sdelay $0x2  }
0x41: {  	s17 =	sadd.s32 $0x40, s17  }
0x42: {  	[tilespmem:s22+$0xD80] =	vst v0;
	s21 =	sshra.s32 s17, $0x2  }
0x43: {  	v0 =	vld [tilespmem:s21+$0x800];
	_ =	sdelay $0x4  }
0x44: {  	v0 =	vshll.u32 v0, $0x1;
	_ =	sdelay $0x4  }
0x45: {  	v1 =	vld.idx.msk [tilespmem:v0+s2+$0x0], $0xffff  }
0x46: {  	v0 =	vor.u32 $0x1, v0  }
0x47: {  	v2 =	vld [tilespmem:s21+$0xA00]  }
0x48: {  	s19 =	sand.u32 $0x70, s19;
	s23 =	sand.u32 $0x600, s17  }
0x49: {  	s17 =	sor.u32 s19, s23  }
0x4a: {  	[tilespmem:s17+$0xC00] =	vst v1  }
0x4b: {  	v0 =	vld.idx.msk [tilespmem:v0+s2+$0x0], $0xffff  }
0x4c: {  	v63 =	vshll.u32 v2, $0x1;
	_ =	sdelay $0x3  }
0x4d: {  	[tilespmem:s17+$0xC80] =	vst v0  }
0x4e: {  	v0 =	vld.idx.msk [tilespmem:v63+s2+$0x0], $0xffff  }
0x4f: {  	v1 =	vor.u32 $0x1, v63;
	_ =	sdelay $0x3  }
0x50: {  	[tilespmem:s17+$0xD00] =	vst v0  }
0x51: {  	v0 =	vld.idx.msk [tilespmem:v1+s2+$0x0], $0xffff;
	_ =	sdelay $0x4  }
0x52: {  	s24 =	simm.s32 $0xC00;
	[tilespmem:s17+$0xD80] =	vst v0  }
0x53: {  	[hbm4b:s6+s2] =	stream.linear.scatter [tilespmem:s24], [sflag:$0x1], $0x80, $0x38;
	[tilespmem:$0x1400] =	vst v63  }
0x54: {  	s19 =	simm.s32 $0xE00  }
0x55: {  	[hbm4b:s18+s2] =	stream.linear.scatter [tilespmem:s19], [sflag:$0x1], $0x80, $0x38;
	[tilespmem:$0x1400] =	vst v63  }
0x56: {  	s21 =	simm.s32 $0x1000  }
0x57: {  	[hbm4b:s20+s2] =	stream.linear.scatter [tilespmem:s21], [sflag:$0x1], $0x80, $0x38;
	[tilespmem:$0x1400] =	vst v63  }
0x58: {  	s22 =	sadd.s32 $0xC0, s6;
	s23 =	simm.s32 $0x1200  }
0x59: {  	[hbm4b:s22+s2] =	stream.linear.scatter [tilespmem:s23], [sflag:$0x1], $0x80, $0x38;
	[tilespmem:$0x1400] =	vst v63  }
0x5a: {  	_ =	swait.ge [sflag:s13], $0x200  }
0x5b: {  	[sflag:s13] =	ssyncset.done $0x0  }
0x5c: {  	s24 =	simm.s32 $0xC80;
	[sflag:s13] =	ssyncadd.s32 $0xFFFFFE00  }
0x5d: {  	[hbm4b:s7+s2] =	stream.linear.scatter [tilespmem:s24], [sflag:$0x1], $0x80, $0x38;
	[tilespmem:$0x1400] =	vst v63  }
0x5e: {  	s19 =	sadd.s32 $0x40, s7;
	s21 =	simm.s32 $0xE80  }
0x5f: {  	[hbm4b:s19+s2] =	stream.linear.scatter [tilespmem:s21], [sflag:$0x1], $0x80, $0x38;
	[tilespmem:$0x1400] =	vst v63  }
0x60: {  	s22 =	sadd.s32 $0x80, s7  }
0x61: {  	[hbm4b:s22+s2] =	stream.linear.scatter [tilespmem:s25], [sflag:$0x1], $0x80, $0x38;
	[tilespmem:$0x1400] =	vst v63  }
0x62: {  	s23 =	sadd.s32 $0xC0, s7  }
0x63: {  	[hbm4b:s23+s2] =	stream.linear.scatter [tilespmem:s26], [sflag:$0x1], $0x80, $0x38;
	[tilespmem:$0x1400] =	vst v63  }
0x64: {  	_ =	swait.ge [sflag:s13], $0x200  }
0x65: {  	[sflag:s13] =	ssyncset.done $0x0  }
0x66: {  	[sflag:s13] =	ssyncadd.s32 $0xFFFFFE00  }
0x67: {  	[hbm4b:s8+s2] =	stream.linear.scatter [tilespmem:s28], [sflag:$0x1], $0x80, $0x38;
	[tilespmem:$0x1400] =	vst v63  }
0x68: {  	s24 =	sadd.s32 $0x40, s8  }
0x69: {  	[hbm4b:s24+s2] =	stream.linear.scatter [tilespmem:s29], [sflag:$0x1], $0x80, $0x38;
	[tilespmem:$0x1400] =	vst v63  }
0x6a: {  	s19 =	sadd.s32 $0x80, s8  }
0x6b: {  	[hbm4b:s19+s2] =	stream.linear.scatter [tilespmem:s30], [sflag:$0x1], $0x80, $0x38;
	[tilespmem:$0x1400] =	vst v63  }
0x6c: {  	s21 =	sadd.s32 $0xC0, s8  }
0x6d: {  	[hbm4b:s21+s2] =	stream.linear.scatter [tilespmem:s31], [sflag:$0x1], $0x80, $0x38;
	[tilespmem:$0x1400] =	vst v63  }
0x6e: {  	_ =	swait.ge [sflag:s13], $0x200  }
0x6f: {  	[sflag:s13] =	ssyncset.done $0x0  }
0x70: {  	[sflag:s13] =	ssyncadd.s32 $0xFFFFFE00  }
0x71: {  	[hbm4b:s9+s2] =	stream.linear.scatter [tilespmem:s0], [sflag:$0x1], $0x80, $0x38;
	[tilespmem:$0x1400] =	vst v63  }
0x72: {  	s16 =	sadd.s32 $0x1, s16;
	s22 =	sadd.s32 $0x40, s9  }
0x73: {  	[hbm4b:s22+s2] =	stream.linear.scatter [tilespmem:s1], [sflag:$0x1], $0x80, $0x38;
	[tilespmem:$0x1400] =	vst v63  }
0x74: {  	p0 =	sne.s32 s16, s10;
	s23 =	sadd.s32 $0x80, s9  }
0x75: {  	[hbm4b:s23+s2] =	stream.linear.scatter [tilespmem:s12], [sflag:$0x1], $0x80, $0x38;
	[tilespmem:$0x1400] =	vst v63  }
.Ltmp1:
0x76: {  	s24 =	sadd.s32 $0xC0, s9;
	(pc) =	sbr.rel @p0 .LBB2_1-.Ltmp1, $4  }
0x77: {  	[hbm4b:s24+s2] =	stream.linear.scatter [tilespmem:s15], [sflag:$0x1], $0x80, $0x38;
	[tilespmem:$0x1400] =	vst v63  }
0x78: {  	_ =	swait.ge [sflag:s13], $0x200  }
0x79: {  	[sflag:s13] =	ssyncset.done $0x0  }
0x7a: {  	[sflag:s13] =	ssyncadd.s32 $0xFFFFFE00  }
0x7b: {  	_ =	sfence.sel $0x180000  }
0x7c: {  	[bflag:$0x0] =	sbarrier.arrive $0xFFFF  }
0x7d: {  	_ =	strace $0x90000047  }
0x7e: {  	s0 =	stileid.u32;
	[bflag:$0x2] =	sbarrier.arrive $0xFFFF  }
0x7f: {  	p0 =	sne.s32 s0, $0x0;
	s0 =	rddreg [dreg:$0x2]  }
0x80: {  	s0 =	sadd.s32 @!p0 $0x100000, s0  }
0x81: {  	[sflag:s0] =	ssyncadd.tile.s32 @!p0 $0x1;
	_ =	shalt  }
.Lfunc_end2:
_tile_overlayer_lowered:
.L_overlay_start_2:
0x82: {  	(tag) =	ssettag $0x2  }
0x83: {  	s0 =	rddreg [dreg:$0x0];
	s2 =	stileid.u32  }
0x84: {  	s1 =	rddreg [dreg:$0x1];
	p0 =	sne.s32 s2, $0x0  }
0x85: {  	s3 =	rddreg [dreg:$0x2];
	[bflag:$0x3] =	sbarrier.arrive $0xFFFF;
	s2 =	simm.s32 @!p0 $0x1C01  }
0x86: {  	[timem:s3], [sflag:s2] =	dma.local @!p0 [hbm:s0], s1  }
0x87: {  	s0 =	simm.s32 @!p0 $0x1  }
0x88: {  	_ =	swait.ge @!p0 [sflag:s0], s1  }
0x89: {  	s1 =	ssub.s32 @!p0 $0x0, s1;
	[sflag:s0] =	ssyncset.done @!p0 $0x0  }
0x8a: {  	[sflag:s0] =	ssyncadd.s32 @!p0 s1  }
0x8b: {  	[bflag:$0x3] =	sbarrier.arrive $0xFFFF  }
0x8c: {  	_ =	shalt  }

// kernel: kernel.14.cloned.1.call-start
scs
__scs_entry_jumppad:
0x0: {  	(pc) =	sbr.rel $0x88, $3  }
0x1: {  	(tag) =	ssettag $0x0;
	lr =	simm.s32 $0x1  }
0x2: {  	[smem:$0x3F8A] =	sst lr;
	_ =	strace $0xD0000000  }
0x3: {  	_ = 	snop  }
0x4: {  	_ = 	snop  }
0x5: {  	_ = 	snop  }
0x6: {  	_ = 	snop  }
0x7: {  	_ = 	snop  }
__scs_overlays_trampoline_lowered:
0x8: {  	[smem:$0x3F99] =	sst s0  }
0x9: {  	[smem:$0x3F9A] =	sst s1  }
0xa: {  	[smem:$0x3F9B] =	sst s2  }
0xb: {  	[smem:$0x3F9C] =	sst s3  }
0xc: {  	[smem:$0x3F9D] =	sst s4  }
0xd: {  	[smem:$0x3F9E] =	sst s5  }
0xe: {  	[smem:$0x3F9F] =	sst s6  }
0xf: {  	[smem:$0x3FA0] =	sst s7  }
0x10: {  	[smem:$0x3FA1] =	sst s8  }
0x11: {  	[smem:$0x3FA2] =	sst s9;
	s0 =	simm.s32 @!p0 $0x0  }
0x12: {  	s1 =	sld [smem:$0x3F88];
	s0 =	simm.s32 @p0 $0x1  }
0x13: {  	[smem:$0x3FA3] =	sst s0;
	s0 =	simm.s32 @!p1 $0x0  }
0x14: {  	s2 =	sld [smem:$0x3F87];
	s0 =	simm.s32 @p1 $0x1  }
0x15: {  	[smem:$0x3FA4] =	sst s0;
	s0 =	simm.s32 @!p2 $0x0  }
0x16: {  	s3 =	sld [smem:$0x3FDB];
	s0 =	simm.s32 @p2 $0x1  }
0x17: {  	s4 =	simm.s32 $0x1BF5;
	[smem:$0x3FA6] =	sst s0  }
0x18: {  	s0 =	sld [smem:$0x3F89];
	_ =	swait.ge [sflag:s4], $0x0  }
0x19: {  	s7 =	sld [smem:$0x3F8A]  }
0x1a: {  	s8 =	sadd.s32 $0xFFFFE003, lr  }
0x1b: {  	s9 =	sadd.s32 $0xFFFFFEF7, lr;
	s5 =	simm.s32 $0xFFFFFFFF;
	p2 =	slt.u32 s8, $0xFFFFF086  }
0x1c: {  	p1 =	slt.u32 s9, $0xF7A;
	s5 =	simm.s32 @!p2 $0x0  }
0x1d: {  	s5 =	simm.s32 @p1 $0x1;
	p0 =	seq.s32 s7, s2  }
0x1e: {  	s7 =	smul.u32 @!p0 $0xF7A, s2;
	p2 =	seq.s32 @!p0 s5, $0x0  }
0x1f: {  	s9 =	smul.u32 $0xF7A, s1;
	s8 =	simm.s32 @!p0 $0x1BF5;
	p2 =	por !p2, p0  }
0x20: {  	[sflag:s8] =	ssyncset.s32 @!p0 $0xFFFFF086;
	s6 =	sadd.s32 @!p0 s3, s7;
	s7 =	simm.s32 @!p0 $0x108  }
0x21: {  	s3 =	sadd.s32 s3, s9;
	s6 =	sadd.s32 @!p0 $0x88, s6;
	s7 =	simm.s32 @p2 $0x1082  }
0x22: {  	[simem:s7], [sflag:s8] =	dma.local @!p0 [hbm:s6], $0xF7A  }
0x23: {  	s9 =	sor.u32 $0xD0000000, s2;
	s6 =	simm.s32 $0x108;
	_ =	swait.ge @!p0 [sflag:s8], $0x0  }
0x24: {  	s3 =	sadd.s32 $0x88, s3;
	s6 =	simm.s32 @!p1 $0x1082;
	[sflag:s4] =	ssyncset.s32 $0xFFFFF086  }
0x25: {  	[simem:s6], [sflag:s4] =	dma.local [hbm:s3], $0xF7A  }
0x26: {  	[smem:$0x3F8A] =	sst s1;
	(tag) =	ssettag s2;
	_ =	strace s9  }
0x27: {  	s1 =	sld [smem:$0x3F9A]  }
0x28: {  	s2 =	sld [smem:$0x3F9B]  }
0x29: {  	s4 =	sld [smem:$0x3F9D]  }
0x2a: {  	p0 =	seq.s32 s5, $0x0;
	s5 =	sld [smem:$0x3F9E]  }
0x2b: {  	s6 =	sld [smem:$0x3F9F]  }
0x2c: {  	s7 =	sld [smem:$0x3FA0]  }
0x2d: {  	s3 =	simm.s32 $0x108;
	s8 =	sld [smem:$0x3FA1]  }
0x2e: {  	s3 =	simm.s32 @!p0 $0x1082;
	s9 =	sld [smem:$0x3FA2]  }
0x2f: {  	lr =	sadd.s32 s0, s3;
	s0 =	sld [smem:$0x3F99]  }
0x30: {  	s3 =	sld [smem:$0x3F9C]  }
0x31: {  	[smem:$0x3FA5] =	sst s10  }
0x32: {  	s10 =	sld [smem:$0x3FA3];
	_ =	sdelay $0x3  }
0x33: {  	p0 =	seq.s32 s10, $0x1;
	s10 =	sld [smem:$0x3FA5];
	_ =	sdelay $0x3  }
0x34: {  	[smem:$0x3FA5] =	sst s10  }
0x35: {  	s10 =	sld [smem:$0x3FA4];
	_ =	sdelay $0x3  }
0x36: {  	p1 =	seq.s32 s10, $0x1;
	s10 =	sld [smem:$0x3FA5];
	_ =	sdelay $0x3  }
0x37: {  	[smem:$0x3FA5] =	sst s10  }
0x38: {  	s10 =	sld [smem:$0x3FA6]  }
0x39: {  	_ = 	snop;
	(pc) =	sbr.ind lr, $3  }
0x3a: {  	_ = 	snop  }
0x3b: {  	_ = 	snop  }
0x3c: {  	p2 =	seq.s32 s10, $0x1;
	s10 =	sld [smem:$0x3FA5]  }
0x3d: {  	_ =	shalt  }
0x3e: {  	_ =	shalt  }
0x3f: {  	_ =	shalt  }
0x40: {  	_ =	shalt  }
0x41: {  	_ =	shalt  }
0x42: {  	_ =	shalt  }
0x43: {  	_ =	shalt  }
0x44: {  	_ =	shalt  }
0x45: {  	_ =	shalt  }
0x46: {  	_ =	shalt  }
0x47: {  	_ =	shalt  }
0x48: {  	_ =	shalt  }
0x49: {  	_ =	shalt  }
0x4a: {  	_ =	shalt  }
0x4b: {  	_ =	shalt  }
0x4c: {  	_ =	shalt  }
0x4d: {  	_ =	shalt  }
0x4e: {  	_ =	shalt  }
0x4f: {  	_ =	shalt  }
0x50: {  	_ =	shalt  }
0x51: {  	_ =	shalt  }
0x52: {  	_ =	shalt  }
0x53: {  	_ =	shalt  }
0x54: {  	_ =	shalt  }
0x55: {  	_ =	shalt  }
0x56: {  	_ =	shalt  }
0x57: {  	_ =	shalt  }
0x58: {  	_ =	shalt  }
0x59: {  	_ =	shalt  }
0x5a: {  	_ =	shalt  }
0x5b: {  	_ =	shalt  }
0x5c: {  	_ =	shalt  }
0x5d: {  	_ =	shalt  }
0x5e: {  	_ =	shalt  }
0x5f: {  	_ =	shalt  }
0x60: {  	_ =	shalt  }
0x61: {  	_ =	shalt  }
0x62: {  	_ =	shalt  }
0x63: {  	_ =	shalt  }
0x64: {  	_ =	shalt  }
0x65: {  	_ =	shalt  }
0x66: {  	_ =	shalt  }
0x67: {  	_ =	shalt  }
0x68: {  	_ =	shalt  }
0x69: {  	_ =	shalt  }
0x6a: {  	_ =	shalt  }
0x6b: {  	_ =	shalt  }
0x6c: {  	_ =	shalt  }
0x6d: {  	_ =	shalt  }
0x6e: {  	_ =	shalt  }
0x6f: {  	_ =	shalt  }
0x70: {  	_ =	shalt  }
0x71: {  	_ =	shalt  }
0x72: {  	_ =	shalt  }
0x73: {  	_ =	shalt  }
0x74: {  	_ =	shalt  }
0x75: {  	_ =	shalt  }
0x76: {  	_ =	shalt  }
0x77: {  	_ =	shalt  }
0x78: {  	_ =	shalt  }
0x79: {  	_ =	shalt  }
0x7a: {  	_ =	shalt  }
0x7b: {  	_ =	shalt  }
0x7c: {  	_ =	shalt  }
0x7d: {  	_ =	shalt  }
0x7e: {  	_ =	shalt  }
0x7f: {  	_ =	shalt  }
0x80: {  	_ =	shalt  }
0x81: {  	_ =	shalt  }
0x82: {  	_ =	shalt  }
0x83: {  	_ =	shalt  }
0x84: {  	_ =	shalt  }
0x85: {  	_ =	shalt  }
0x86: {  	_ =	shalt  }
0x87: {  	_ =	shalt  }
.Lfunc_end0:
.L_simem_size_0:
called_computation.1_lowered:
.L_overlay_start_0:
0x88: {  	s2 =	sld [smem:$0x3FD9]  }
0x89: {  	s3 =	sld [smem:$0x3FFE];
	_ =	sdelay $0x1  }
0x8a: {  	s1 =	srdreg.scid  }
0x8b: {  	s0 =	sand.u32 $0x1, s1  }
0x8c: {  	s17 =	sshll.u32 s0, $0xA;
	s2 =	sadd.s32 s3, s2  }
0x8d: {  	s2 =	sadd.s32 s2, s17  }
0x8e: {  	[smem:$0x3FB1] =	sst s2  }
0x8f: {  	_ = 	snop  }
0x90: {  	(tm) =	ssettm $0x1  }
0x91: {  	s18 =	sld [smem:$0x3FFB];
	_ =	sdelay $0x3  }
0x92: {  	_ =	strace s18  }
0x93: {  	s2 =	sld [smem:$0x3FFC];
	_ =	sdelay $0x3  }
0x94: {  	_ =	strace s2  }
0x95: {  	s2 =	sld [smem:$0x3FFD];
	_ =	sdelay $0x3  }
0x96: {  	_ =	strace s2  }
0x97: {  	_ =	strace $0x8FFFFFFF  }
0x98: {  	s19 =	sld [smem:$0x3FDB];
	_ =	sdelay $0x1  }
0x99: {  	s20 =	simm.s32 $_scs_section_size  }
0x9a: {  	s4 =	simm.s32 $_size__tile_overlayer_lowered;
	s5 =	simm.s32 $_tile_overlayer_lowered  }
0x9b: {  	s6 =	simm.s32 $0x1BFF;
	s21 =	sshll.u32 s5, $0x1;
	s3 =	sadd.s32 s20, s19  }
0x9c: {  	s22 =	simm.s32 $0x0;
	s4 =	sshll.u32 s4, $0x1;
	s5 =	sadd.s32 s21, s3  }
0x9d: {  	[timem:s22], [sflag:s6] =	dma.local [hbm:s5], s4  }
0x9e: {  	_ =	swait.ge [sflag:s6], s4  }
0x9f: {  	s4 =	ssub.s32 $0x0, s4;
	[sflag:s6] =	ssyncset.done $0x0  }
0xa0: {  	[sflag:s6] =	ssyncadd.s32 s4;
	_ =	sdelay $0x1  }
0xa1: {  	s23 =	simm.s32 $0x1B8B  }
0xa2: {  	_ =	swait.ge [sflag:s23], $0x1  }
0xa3: {  	[sflag:s23] =	ssyncset.done $0x0  }
0xa4: {  	[sflag:s23] =	ssyncadd.s32 $0xFFFFFFFF  }
0xa5: {  	s4 =	sld [smem:$0x0]  }
0xa6: {  	s5 =	sand.u32 $0xFFFFFFFE, s1  }
0xa7: {  	p0 =	sne.s32 s1, s5  }
0xa8: {  	s5 =	sshll.u32 @p0 s5, $0xE  }
0xa9: {  	s5 =	sadd.s32 @p0 $0x11B8D, s5;
	s6 =	sshll.u32 @p0 s4, $0x11  }
0xaa: {  	s5 =	sor.u32 @p0 s6, s5  }
0xab: {  	[sflag:s5] =	ssyncadd.remote.s32 @p0 $0x1;
	_ =	sdelay $0x1  }
0xac: {  	s5 =	simm.s32 @p0 $0x1B8D  }
0xad: {  	_ =	swait.eq @p0 [sflag:s5], $0x1  }
0xae: {  	[sflag:s5] =	ssyncadd.s32 @p0 $0xFFFFFFFF  }
0xaf: {  	s6 =	sshll.u32 @!p0 s1, $0xE  }
0xb0: {  	s6 =	sor.u32 @!p0 $0x4000, s6;
	s5 =	simm.s32 @!p0 $0x1B8D  }
0xb1: {  	s4 =	sshll.u32 @!p0 s4, $0x11;
	s6 =	sadd.s32 @!p0 $0x11B8D, s6;
	_ =	swait.eq @!p0 [sflag:s5], $0x1  }
0xb2: {  	s4 =	sor.u32 @!p0 s4, s6;
	[sflag:s5] =	ssyncadd.s32 @!p0 $0xFFFFFFFF  }
0xb3: {  	s25 =	simm.s32 $0x1B8E;
	s24 =	sld [smem:$0x3FFE];
	[sflag:s4] =	ssyncadd.remote.s32 @!p0 $0x1  }
0xb4: {  	s26 =	simm.s32 $execute0_lowered;
	[smem:$0x3FD2] =	sst s25  }
0xb5: {  	s5 =	sshll.u32 s26, $0x1;
	_ =	strace $0x80000049;
	[dreg:$0x1] =	wrdreg $0xFFFFFFFF  }
0xb6: {  	s28 =	simm.s32 $_size_execute0_lowered;
	s3 =	sadd.s32 s3, s5;
	[dreg:$0x0] =	wrdreg $0x0  }
0xb7: {  	s5 =	sshll.u32 s28, $0x1;
	[dreg:$0x2] =	wrdreg s3  }
0xb8: {  	[dreg:$0x3] =	wrdreg s5  }
0xb9: {  	[dreg:$0x4] =	wrdreg $0xC0  }
0xba: {  	_ =	task [dreg:s22], $0x5FFFF  }
0xbb: {  	[dreg:$0x1] =	wrdreg $0xFFFFFFFF  }
0xbc: {  	[dreg:$0x0] =	wrdreg $0x60  }
0xbd: {  	[dreg:$0x2] =	wrdreg s24  }
0xbe: {  	[dreg:$0x3] =	wrdreg $0xA  }
0xbf: {  	_ =	task.clear_ibuf [dreg:s22], $0x4FFFF;
	_ =	strace $0x90000049  }
0xc0: {  	s29 =	simm.s32 $0xA;
	_ =	strace $0x8000004B  }
0xc1: {  	_ =	swait.ge [sflag:s29], $0x1  }
0xc2: {  	[sflag:s29] =	ssyncadd.s32 $0xFFFFFFFF  }
0xc3: {  	_ =	strace $0x9000004B  }
0xc4: {  	_ =	sfence  }
0xc5: {  	s30 =	sld [smem:$0x0];
	_ =	sdelay $0x2  }
0xc6: {  	s31 =	sshll.u32 s1, $0xD;
	s1 =	sshrl.u32 s1, $0x2  }
0xc7: {  	s4 =	sand.u32 $0x4000, s31;
	s1 =	sadd.s32 s1, s30  }
0xc8: {  	s0 =	sor.u32 s4, s0;
	s1 =	sshll.u32 s1, $0x11  }
0xc9: {  	s0 =	sor.u32 s1, s0  }
0xca: {  	s0 =	sadd.s32 $0x8F2B, s0  }
0xcb: {  	[sflag:s0] =	ssyncadd.remote.s32 $0x1  }
0xcc: {  	_ =	sfence.sel $0xFFFF  }
0xcd: {  	[dreg:$0x0] =	wrdreg $0xFFFFFFFF;
	(pc) =	sbr.abs _section_cstart, $3  }
0xce: {  	[dreg:$0x1] =	wrdreg $0xFFFFFFFF  }
0xcf: {  	_ =	task.clear_ibuf [dreg:s22], $0x2FFFF;
	_ =	strace $0x9FFFFFFF  }
0xd0: {  	(tm) =	ssettm $0x7FFFFFFF  }
0xd1: {  	_ =	shalt  }
tec
execute0_lowered:
.L_overlay_start_1:
0x0: {  	(tag) =	ssettag $0x1  }
0x1: {  	s1 =	srdreg.scid  }
0x2: {  	s0 =	stileid.u32;
	s17 =	sand.u32 $0x1, s1  }
0x3: {  	s30 =	sshll.u32 s0, $0xA;
	s2 =	sshll.u32 s17, $0x9  }
0x4: {  	s11 =	sor.u32 s2, s30  }
0x5: {  	s10 =	rddreg [dreg:$0x0];
	s2 =	simm.s32 $0x0;
	s3 =	sshrl.u32 s11, $0x3  }
0x6: {  	s4 =	simm.s32 $0x4;
	[smem:$0x7FF] =	sst s2;
	s3 =	sadd.s32 s3, s10  }
0x7: {  	s1 =	rddreg [dreg:$0x1];
	_ =	strace $0x8000004A;
	s3 =	sadd.s32 $0x8800, s3  }
0x8: {  	[tilespmem:s2], [sflag:$0x4] =	stream.linear.gather [hbm4b:s3+s2], $0x200, $0x38;
	[tilespmem:$0x8200] =	vst v63  }
0x9: {  	_ =	swait.ge [sflag:s4], $0x200  }
0xa: {  	s6 =	simm.s32 $0x80;
	[sflag:s4] =	ssyncset.done $0x0  }
0xb: {  	s7 =	simm.s32 $0x200;
	s5 =	sadd.s32 $0x9000, s10;
	[sflag:s4] =	ssyncadd.s32 $0xFFFFFE00  }
0xc: {  	[tilespmem:s7], [sflag:$0x1] =	stream.indirect.gather [hbm4b:s5+s6], $0x80, s2, s6, $0xb8;
	[tilespmem:$0x8200] =	vst v63  }
0xd: {  	s8 =	simm.s32 $0x4200;
	s9 =	simm.s32 $0x1  }
0xe: {  	[tilespmem:s8], [sflag:$0x2] =	stream.indirect.gather [hbm4b:s5+s6], $0x80, s6, s6, $0xb8;
	[tilespmem:$0x8200] =	vst v63  }
0xf: {  	s11 =	sshll.u32 s11, $0x4;
	_ =	swait.ge [sflag:s9], $0x4000  }
0x10: {  	s18 =	sadd.s32 s11, s10;
	[sflag:s9] =	ssyncset.done $0x0  }
0x11: {  	s10 =	simm.s32 $0x3;
	s11 =	sadd.s32 $0x29000, s18;
	[sflag:s9] =	ssyncadd.s32 $0xFFFFC000  }
0x12: {  	[hbm4b:s11+s2] =	stream.linear.scatter [tilespmem:s7], [sflag:$0x3], $0x4000, $0x38;
	[tilespmem:$0x8200] =	vst v63  }
0x13: {  	_ =	swait.ge [sflag:s10], $0x4000  }
0x14: {  	[sflag:s10] =	ssyncset.done $0x0  }
0x15: {  	s12 =	simm.s32 $0x100;
	s13 =	simm.s32 $0x2;
	[sflag:s10] =	ssyncadd.s32 $0xFFFFC000  }
0x16: {  	[tilespmem:s7], [sflag:$0x1] =	stream.indirect.gather [hbm4b:s5+s6], $0x80, s12, s6, $0xb8;
	[tilespmem:$0x8200] =	vst v63  }
0x17: {  	_ =	swait.ge [sflag:s13], $0x4000  }
0x18: {  	[sflag:s13] =	ssyncset.done $0x0  }
0x19: {  	s14 =	sadd.s32 $0x29800, s18;
	[sflag:s13] =	ssyncadd.s32 $0xFFFFC000  }
0x1a: {  	[hbm4b:s14+s2] =	stream.linear.scatter [tilespmem:s8], [sflag:$0x3], $0x4000, $0x38;
	[tilespmem:$0x8200] =	vst v63  }
0x1b: {  	_ =	swait.ge [sflag:s10], $0x4000  }
0x1c: {  	[sflag:s10] =	ssyncset.done $0x0  }
0x1d: {  	s15 =	simm.s32 $0x180;
	[sflag:s10] =	ssyncadd.s32 $0xFFFFC000  }
0x1e: {  	[tilespmem:s8], [sflag:$0x2] =	stream.indirect.gather [hbm4b:s5+s6], $0x80, s15, s6, $0xb8;
	[tilespmem:$0x8200] =	vst v63  }
0x1f: {  	_ =	swait.ge [sflag:s9], $0x4000  }
0x20: {  	s19 =	ssub.s32 $0x2, s17;
	[sflag:s9] =	ssyncset.done $0x0  }
0x21: {  	s31 =	sshrl.u32 s19, $0x1;
	s16 =	sadd.s32 $0x2A000, s18;
	[sflag:s9] =	ssyncadd.s32 $0xFFFFC000  }
0x22: {  	[hbm4b:s16+s2] =	stream.linear.scatter [tilespmem:s7], [sflag:$0x3], $0x4000, $0x38;
	[tilespmem:$0x8200] =	vst v63  }
0x23: {  	s17 =	sadd.s32 $0x2A800, s18;
	s18 =	ssub.s32 s19, s31;
	_ =	swait.ge [sflag:s13], $0x4000  }
0x24: {  	s18 =	smax.u32 s18, $0x1;
	[sflag:s13] =	ssyncset.done $0x0  }
0x25: {  	p0 =	sne.s32 s18, $0x1;
	[sflag:s13] =	ssyncadd.s32 $0xFFFFC000  }
0x26: {  	[hbm4b:s17+s2] =	stream.linear.scatter [tilespmem:s8], [sflag:$0x3], $0x4000, $0x38;
	[tilespmem:$0x8200] =	vst v63  }
.Ltmp0:
0x27: {  	_ =	swait.ge [sflag:s10], $0x4000;
	(pc) =	sbr.rel @!p0 .LBB2_2-.Ltmp0, $4  }
0x28: {  	[sflag:s10] =	ssyncset.done $0x0  }
0x29: {  	[sflag:s10] =	ssyncadd.s32 $0xFFFFC000  }
0x2a: {  	_ =	swait.ge [sflag:s10], $0x4000  }
0x2b: {  	s18 =	sadd.s32 $0xFFFFFFFF, s18;
	[sflag:s10] =	ssyncset.done $0x0  }
.LBB2_1:
0x2c: {  	p0 =	sne.s32 s18, $0x1;
	s18 =	sadd.s32 $0xFFFFFFFF, s18;
	[sflag:s10] =	ssyncadd.s32 $0xFFFFC000  }
0x2d: {  	[tilespmem:s2], [sflag:$0x4] =	stream.linear.gather [hbm4b:s3+s2], $0x200, $0x38;
	[tilespmem:$0x8200] =	vst v63  }
0x2e: {  	_ =	swait.ge [sflag:s4], $0x200  }
0x2f: {  	[sflag:s4] =	ssyncset.done $0x0  }
0x30: {  	[sflag:s4] =	ssyncadd.s32 $0xFFFFFE00  }
0x31: {  	[tilespmem:s7], [sflag:$0x1] =	stream.indirect.gather [hbm4b:s5+s6], $0x80, s2, s6, $0xb8;
	[tilespmem:$0x8200] =	vst v63  }
0x32: {  	_ = 	snop  }
0x33: {  	[tilespmem:s8], [sflag:$0x2] =	stream.indirect.gather [hbm4b:s5+s6], $0x80, s6, s6, $0xb8;
	[tilespmem:$0x8200] =	vst v63  }
0x34: {  	_ =	swait.ge [sflag:s9], $0x4000  }
0x35: {  	[sflag:s9] =	ssyncset.done $0x0  }
0x36: {  	[sflag:s9] =	ssyncadd.s32 $0xFFFFC000  }
0x37: {  	[hbm4b:s11+s2] =	stream.linear.scatter [tilespmem:s7], [sflag:$0x3], $0x4000, $0x38;
	[tilespmem:$0x8200] =	vst v63  }
0x38: {  	_ =	swait.ge [sflag:s10], $0x4000  }
0x39: {  	[sflag:s10] =	ssyncset.done $0x0  }
0x3a: {  	[sflag:s10] =	ssyncadd.s32 $0xFFFFC000  }
0x3b: {  	[tilespmem:s7], [sflag:$0x1] =	stream.indirect.gather [hbm4b:s5+s6], $0x80, s12, s6, $0xb8;
	[tilespmem:$0x8200] =	vst v63  }
0x3c: {  	_ =	swait.ge [sflag:s13], $0x4000  }
0x3d: {  	[sflag:s13] =	ssyncset.done $0x0  }
0x3e: {  	[sflag:s13] =	ssyncadd.s32 $0xFFFFC000  }
0x3f: {  	[hbm4b:s14+s2] =	stream.linear.scatter [tilespmem:s8], [sflag:$0x3], $0x4000, $0x38;
	[tilespmem:$0x8200] =	vst v63  }
0x40: {  	_ =	swait.ge [sflag:s10], $0x4000  }
0x41: {  	[sflag:s10] =	ssyncset.done $0x0  }
0x42: {  	[sflag:s10] =	ssyncadd.s32 $0xFFFFC000  }
0x43: {  	[tilespmem:s8], [sflag:$0x2] =	stream.indirect.gather [hbm4b:s5+s6], $0x80, s15, s6, $0xb8;
	[tilespmem:$0x8200] =	vst v63  }
0x44: {  	_ =	swait.ge [sflag:s9], $0x4000  }
0x45: {  	[sflag:s9] =	ssyncset.done $0x0  }
0x46: {  	[sflag:s9] =	ssyncadd.s32 $0xFFFFC000  }
0x47: {  	[hbm4b:s16+s2] =	stream.linear.scatter [tilespmem:s7], [sflag:$0x3], $0x4000, $0x38;
	[tilespmem:$0x8200] =	vst v63  }
0x48: {  	_ =	swait.ge [sflag:s13], $0x4000  }
0x49: {  	[sflag:s13] =	ssyncset.done $0x0  }
0x4a: {  	[sflag:s13] =	ssyncadd.s32 $0xFFFFC000  }
0x4b: {  	[hbm4b:s17+s2] =	stream.linear.scatter [tilespmem:s8], [sflag:$0x3], $0x4000, $0x38;
	[tilespmem:$0x8200] =	vst v63  }
.Ltmp1:
0x4c: {  	_ =	swait.ge [sflag:s10], $0x4000;
	(pc) =	sbr.rel @p0 .LBB2_1-.Ltmp1, $4  }
0x4d: {  	[sflag:s10] =	ssyncset.done $0x0  }
0x4e: {  	[sflag:s10] =	ssyncadd.s32 $0xFFFFC000  }
0x4f: {  	_ =	swait.ge [sflag:s10], $0x4000  }
0x50: {  	[sflag:s10] =	ssyncset.done $0x0  }
.LBB2_2:
0x51: {  	[sflag:s10] =	ssyncadd.s32 $0xFFFFC000  }
0x52: {  	_ =	sfence.sel $0x180000  }
0x53: {  	[bflag:$0x0] =	sbarrier.arrive $0xFFFF  }
0x54: {  	p0 =	sne.s32 s0, $0x0;
	_ =	strace $0x9000004A  }
0x55: {  	s0 =	sadd.s32 @!p0 $0x100000, s1;
	[bflag:$0x2] =	sbarrier.arrive $0xFFFF  }
0x56: {  	[sflag:s0] =	ssyncadd.tile.s32 @!p0 $0x1;
	_ =	shalt  }
.Lfunc_end2:
_tile_overlayer_lowered:
.L_overlay_start_2:
0x57: {  	(tag) =	ssettag $0x2  }
0x58: {  	s0 =	rddreg [dreg:$0x0];
	s2 =	stileid.u32  }
0x59: {  	s1 =	rddreg [dreg:$0x1];
	p0 =	sne.s32 s2, $0x0  }
0x5a: {  	s3 =	rddreg [dreg:$0x2];
	[bflag:$0x3] =	sbarrier.arrive $0xFFFF;
	s2 =	simm.s32 @!p0 $0x1C04  }
0x5b: {  	[timem:s3], [sflag:s2] =	dma.local @!p0 [hbm:s0], s1  }
0x5c: {  	s0 =	simm.s32 @!p0 $0x4  }
0x5d: {  	_ =	swait.ge @!p0 [sflag:s0], s1  }
0x5e: {  	s1 =	ssub.s32 @!p0 $0x0, s1;
	[sflag:s0] =	ssyncset.done @!p0 $0x0  }
0x5f: {  	[sflag:s0] =	ssyncadd.s32 @!p0 s1  }
0x60: {  	[bflag:$0x3] =	sbarrier.arrive $0xFFFF  }
0x61: {  	_ =	shalt  }

// kernel: kernel.17.cloned.1.call-start
scs
__scs_entry_jumppad:
0x0: {  	(pc) =	sbr.rel $0x88, $3  }
0x1: {  	(tag) =	ssettag $0x0;
	lr =	simm.s32 $0x1  }
0x2: {  	[smem:$0x3F8A] =	sst lr;
	_ =	strace $0xD0000000  }
0x3: {  	_ = 	snop  }
0x4: {  	_ = 	snop  }
0x5: {  	_ = 	snop  }
0x6: {  	_ = 	snop  }
0x7: {  	_ = 	snop  }
__scs_overlays_trampoline_lowered:
0x8: {  	[smem:$0x3F99] =	sst s0  }
0x9: {  	[smem:$0x3F9A] =	sst s1  }
0xa: {  	[smem:$0x3F9B] =	sst s2  }
0xb: {  	[smem:$0x3F9C] =	sst s3  }
0xc: {  	[smem:$0x3F9D] =	sst s4  }
0xd: {  	[smem:$0x3F9E] =	sst s5  }
0xe: {  	[smem:$0x3F9F] =	sst s6  }
0xf: {  	[smem:$0x3FA0] =	sst s7  }
0x10: {  	[smem:$0x3FA1] =	sst s8  }
0x11: {  	[smem:$0x3FA2] =	sst s9;
	s0 =	simm.s32 @!p0 $0x0  }
0x12: {  	s1 =	sld [smem:$0x3F88];
	s0 =	simm.s32 @p0 $0x1  }
0x13: {  	[smem:$0x3FA3] =	sst s0;
	s0 =	simm.s32 @!p1 $0x0  }
0x14: {  	s2 =	sld [smem:$0x3F87];
	s0 =	simm.s32 @p1 $0x1  }
0x15: {  	[smem:$0x3FA4] =	sst s0;
	s0 =	simm.s32 @!p2 $0x0  }
0x16: {  	s3 =	sld [smem:$0x3FDB];
	s0 =	simm.s32 @p2 $0x1  }
0x17: {  	s4 =	simm.s32 $0x1BF5;
	[smem:$0x3FA6] =	sst s0  }
0x18: {  	s0 =	sld [smem:$0x3F89];
	_ =	swait.ge [sflag:s4], $0x0  }
0x19: {  	s7 =	sld [smem:$0x3F8A]  }
0x1a: {  	s8 =	sadd.s32 $0xFFFFE003, lr  }
0x1b: {  	s9 =	sadd.s32 $0xFFFFFEF7, lr;
	s5 =	simm.s32 $0xFFFFFFFF;
	p2 =	slt.u32 s8, $0xFFFFF086  }
0x1c: {  	p1 =	slt.u32 s9, $0xF7A;
	s5 =	simm.s32 @!p2 $0x0  }
0x1d: {  	s5 =	simm.s32 @p1 $0x1;
	p0 =	seq.s32 s7, s2  }
0x1e: {  	s7 =	smul.u32 @!p0 $0xF7A, s2;
	p2 =	seq.s32 @!p0 s5, $0x0  }
0x1f: {  	s9 =	smul.u32 $0xF7A, s1;
	s8 =	simm.s32 @!p0 $0x1BF5;
	p2 =	por !p2, p0  }
0x20: {  	[sflag:s8] =	ssyncset.s32 @!p0 $0xFFFFF086;
	s6 =	sadd.s32 @!p0 s3, s7;
	s7 =	simm.s32 @!p0 $0x108  }
0x21: {  	s3 =	sadd.s32 s3, s9;
	s6 =	sadd.s32 @!p0 $0x88, s6;
	s7 =	simm.s32 @p2 $0x1082  }
0x22: {  	[simem:s7], [sflag:s8] =	dma.local @!p0 [hbm:s6], $0xF7A  }
0x23: {  	s9 =	sor.u32 $0xD0000000, s2;
	s6 =	simm.s32 $0x108;
	_ =	swait.ge @!p0 [sflag:s8], $0x0  }
0x24: {  	s3 =	sadd.s32 $0x88, s3;
	s6 =	simm.s32 @!p1 $0x1082;
	[sflag:s4] =	ssyncset.s32 $0xFFFFF086  }
0x25: {  	[simem:s6], [sflag:s4] =	dma.local [hbm:s3], $0xF7A  }
0x26: {  	[smem:$0x3F8A] =	sst s1;
	(tag) =	ssettag s2;
	_ =	strace s9  }
0x27: {  	s1 =	sld [smem:$0x3F9A]  }
0x28: {  	s2 =	sld [smem:$0x3F9B]  }
0x29: {  	s4 =	sld [smem:$0x3F9D]  }
0x2a: {  	p0 =	seq.s32 s5, $0x0;
	s5 =	sld [smem:$0x3F9E]  }
0x2b: {  	s6 =	sld [smem:$0x3F9F]  }
0x2c: {  	s7 =	sld [smem:$0x3FA0]  }
0x2d: {  	s3 =	simm.s32 $0x108;
	s8 =	sld [smem:$0x3FA1]  }
0x2e: {  	s3 =	simm.s32 @!p0 $0x1082;
	s9 =	sld [smem:$0x3FA2]  }
0x2f: {  	lr =	sadd.s32 s0, s3;
	s0 =	sld [smem:$0x3F99]  }
0x30: {  	s3 =	sld [smem:$0x3F9C]  }
0x31: {  	[smem:$0x3FA5] =	sst s10  }
0x32: {  	s10 =	sld [smem:$0x3FA3];
	_ =	sdelay $0x3  }
0x33: {  	p0 =	seq.s32 s10, $0x1;
	s10 =	sld [smem:$0x3FA5];
	_ =	sdelay $0x3  }
0x34: {  	[smem:$0x3FA5] =	sst s10  }
0x35: {  	s10 =	sld [smem:$0x3FA4];
	_ =	sdelay $0x3  }
0x36: {  	p1 =	seq.s32 s10, $0x1;
	s10 =	sld [smem:$0x3FA5];
	_ =	sdelay $0x3  }
0x37: {  	[smem:$0x3FA5] =	sst s10  }
0x38: {  	s10 =	sld [smem:$0x3FA6]  }
0x39: {  	_ = 	snop;
	(pc) =	sbr.ind lr, $3  }
0x3a: {  	_ = 	snop  }
0x3b: {  	_ = 	snop  }
0x3c: {  	p2 =	seq.s32 s10, $0x1;
	s10 =	sld [smem:$0x3FA5]  }
0x3d: {  	_ =	shalt  }
0x3e: {  	_ =	shalt  }
0x3f: {  	_ =	shalt  }
0x40: {  	_ =	shalt  }
0x41: {  	_ =	shalt  }
0x42: {  	_ =	shalt  }
0x43: {  	_ =	shalt  }
0x44: {  	_ =	shalt  }
0x45: {  	_ =	shalt  }
0x46: {  	_ =	shalt  }
0x47: {  	_ =	shalt  }
0x48: {  	_ =	shalt  }
0x49: {  	_ =	shalt  }
0x4a: {  	_ =	shalt  }
0x4b: {  	_ =	shalt  }
0x4c: {  	_ =	shalt  }
0x4d: {  	_ =	shalt  }
0x4e: {  	_ =	shalt  }
0x4f: {  	_ =	shalt  }
0x50: {  	_ =	shalt  }
0x51: {  	_ =	shalt  }
0x52: {  	_ =	shalt  }
0x53: {  	_ =	shalt  }
0x54: {  	_ =	shalt  }
0x55: {  	_ =	shalt  }
0x56: {  	_ =	shalt  }
0x57: {  	_ =	shalt  }
0x58: {  	_ =	shalt  }
0x59: {  	_ =	shalt  }
0x5a: {  	_ =	shalt  }
0x5b: {  	_ =	shalt  }
0x5c: {  	_ =	shalt  }
0x5d: {  	_ =	shalt  }
0x5e: {  	_ =	shalt  }
0x5f: {  	_ =	shalt  }
0x60: {  	_ =	shalt  }
0x61: {  	_ =	shalt  }
0x62: {  	_ =	shalt  }
0x63: {  	_ =	shalt  }
0x64: {  	_ =	shalt  }
0x65: {  	_ =	shalt  }
0x66: {  	_ =	shalt  }
0x67: {  	_ =	shalt  }
0x68: {  	_ =	shalt  }
0x69: {  	_ =	shalt  }
0x6a: {  	_ =	shalt  }
0x6b: {  	_ =	shalt  }
0x6c: {  	_ =	shalt  }
0x6d: {  	_ =	shalt  }
0x6e: {  	_ =	shalt  }
0x6f: {  	_ =	shalt  }
0x70: {  	_ =	shalt  }
0x71: {  	_ =	shalt  }
0x72: {  	_ =	shalt  }
0x73: {  	_ =	shalt  }
0x74: {  	_ =	shalt  }
0x75: {  	_ =	shalt  }
0x76: {  	_ =	shalt  }
0x77: {  	_ =	shalt  }
0x78: {  	_ =	shalt  }
0x79: {  	_ =	shalt  }
0x7a: {  	_ =	shalt  }
0x7b: {  	_ =	shalt  }
0x7c: {  	_ =	shalt  }
0x7d: {  	_ =	shalt  }
0x7e: {  	_ =	shalt  }
0x7f: {  	_ =	shalt  }
0x80: {  	_ =	shalt  }
0x81: {  	_ =	shalt  }
0x82: {  	_ =	shalt  }
0x83: {  	_ =	shalt  }
0x84: {  	_ =	shalt  }
0x85: {  	_ =	shalt  }
0x86: {  	_ =	shalt  }
0x87: {  	_ =	shalt  }
.Lfunc_end0:
.L_simem_size_0:
called_computation.2_lowered:
.L_overlay_start_0:
0x88: {  	s2 =	sld [smem:$0x3FD9]  }
0x89: {  	s3 =	sld [smem:$0x3FFE];
	_ =	sdelay $0x1  }
0x8a: {  	s1 =	srdreg.scid  }
0x8b: {  	s0 =	sand.u32 $0x1, s1  }
0x8c: {  	s16 =	sshll.u32 s0, $0xA;
	s2 =	sadd.s32 s3, s2  }
0x8d: {  	s2 =	sadd.s32 s2, s16  }
0x8e: {  	[smem:$0x3FB1] =	sst s2  }
0x8f: {  	_ = 	snop  }
0x90: {  	(tm) =	ssettm $0x1  }
0x91: {  	s17 =	sld [smem:$0x3FFB];
	_ =	sdelay $0x3  }
0x92: {  	_ =	strace s17  }
0x93: {  	s2 =	sld [smem:$0x3FFC];
	_ =	sdelay $0x3  }
0x94: {  	_ =	strace s2  }
0x95: {  	s2 =	sld [smem:$0x3FFD];
	_ =	sdelay $0x3  }
0x96: {  	_ =	strace s2  }
0x97: {  	_ =	strace $0x8FFFFFFF  }
0x98: {  	s18 =	sld [smem:$0x3FDB];
	_ =	sdelay $0x1  }
0x99: {  	s19 =	simm.s32 $_scs_section_size  }
0x9a: {  	s4 =	simm.s32 $_size__tile_overlayer_lowered;
	s5 =	simm.s32 $_tile_overlayer_lowered  }
0x9b: {  	s22 =	simm.s32 $0x1BFF;
	s21 =	sshll.u32 s5, $0x1;
	s2 =	sadd.s32 s19, s18  }
0x9c: {  	s6 =	simm.s32 $0x0;
	s20 =	sshll.u32 s4, $0x1;
	s4 =	sadd.s32 s21, s2  }
0x9d: {  	[timem:s6], [sflag:s22] =	dma.local [hbm:s4], s20  }
0x9e: {  	_ =	swait.ge [sflag:s22], s20  }
0x9f: {  	s3 =	ssub.s32 $0x0, s20;
	[sflag:s22] =	ssyncset.done $0x0  }
0xa0: {  	[sflag:s22] =	ssyncadd.s32 s3;
	_ =	sdelay $0x1  }
0xa1: {  	s23 =	simm.s32 $0x1B8B  }
0xa2: {  	_ =	swait.ge [sflag:s23], $0x1  }
0xa3: {  	[sflag:s23] =	ssyncset.done $0x0  }
0xa4: {  	s25 =	simm.s32 $0x1B8E;
	s24 =	sld [smem:$0x3FFE];
	[sflag:s23] =	ssyncadd.s32 $0xFFFFFFFF  }
0xa5: {  	s26 =	simm.s32 $execute0_lowered;
	[smem:$0x3FD2] =	sst s25  }
0xa6: {  	s4 =	sshll.u32 s26, $0x1;
	_ =	strace $0x8000004C;
	[dreg:$0x1] =	wrdreg $0xFFFFFFFF  }
0xa7: {  	s28 =	simm.s32 $_size_execute0_lowered;
	s2 =	sadd.s32 s2, s4;
	[dreg:$0x0] =	wrdreg $0x0  }
0xa8: {  	s4 =	sshll.u32 s28, $0x1;
	[dreg:$0x2] =	wrdreg s2  }
0xa9: {  	[dreg:$0x3] =	wrdreg s4  }
0xaa: {  	[dreg:$0x4] =	wrdreg $0xC0  }
0xab: {  	_ =	task [dreg:s6], $0x5FFFF  }
0xac: {  	[dreg:$0x1] =	wrdreg $0xFFFFFFFF  }
0xad: {  	[dreg:$0x0] =	wrdreg $0x60  }
0xae: {  	[dreg:$0x2] =	wrdreg s24  }
0xaf: {  	[dreg:$0x3] =	wrdreg $0x9  }
0xb0: {  	_ =	task.clear_ibuf [dreg:s6], $0x4FFFF;
	_ =	strace $0x9000004C  }
0xb1: {  	s29 =	simm.s32 $0x9;
	_ =	strace $0x8000004E  }
0xb2: {  	_ =	swait.ge [sflag:s29], $0x1  }
0xb3: {  	[sflag:s29] =	ssyncadd.s32 $0xFFFFFFFF  }
0xb4: {  	_ =	strace $0x9000004E  }
0xb5: {  	_ =	sfence  }
0xb6: {  	s30 =	sld [smem:$0x0];
	_ =	sdelay $0x2  }
0xb7: {  	s31 =	sshll.u32 s1, $0xD;
	s1 =	sshrl.u32 s1, $0x2  }
0xb8: {  	s3 =	sand.u32 $0x4000, s31;
	s1 =	sadd.s32 s1, s30  }
0xb9: {  	s0 =	sor.u32 s3, s0;
	s1 =	sshll.u32 s1, $0x11  }
0xba: {  	s0 =	sor.u32 s1, s0  }
0xbb: {  	s0 =	sadd.s32 $0x8F2B, s0  }
0xbc: {  	[sflag:s0] =	ssyncadd.remote.s32 $0x1  }
0xbd: {  	_ =	sfence.sel $0xFFFF  }
0xbe: {  	[dreg:$0x0] =	wrdreg $0xFFFFFFFF;
	(pc) =	sbr.abs _section_cstart, $3  }
0xbf: {  	[dreg:$0x1] =	wrdreg $0xFFFFFFFF  }
0xc0: {  	_ =	task.clear_ibuf [dreg:s6], $0x2FFFF;
	_ =	strace $0x9FFFFFFF  }
0xc1: {  	(tm) =	ssettm $0x7FFFFFFF  }
tec
execute0_lowered:
.L_overlay_start_1:
0x0: {  	(tag) =	ssettag $0x1  }
0x1: {  	s1 =	srdreg.scid  }
0x2: {  	s0 =	stileid.u32;
	s17 =	sand.u32 $0x1, s1  }
0x3: {  	s30 =	sshll.u32 s0, $0xA;
	s2 =	sshll.u32 s17, $0x9  }
0x4: {  	s11 =	sor.u32 s2, s30  }
0x5: {  	s10 =	rddreg [dreg:$0x0];
	s2 =	simm.s32 $0x0;
	s3 =	sshrl.u32 s11, $0x3  }
0x6: {  	s4 =	simm.s32 $0x4;
	[smem:$0x7FF] =	sst s2;
	s3 =	sadd.s32 s3, s10  }
0x7: {  	s1 =	rddreg [dreg:$0x1];
	_ =	strace $0x8000004D;
	s3 =	sadd.s32 $0x8800, s3  }
0x8: {  	[tilespmem:s2], [sflag:$0x4] =	stream.linear.gather [hbm4b:s3+s2], $0x200, $0x38;
	[tilespmem:$0x8200] =	vst v63  }
0x9: {  	_ =	swait.ge [sflag:s4], $0x200  }
0xa: {  	s6 =	simm.s32 $0x80;
	[sflag:s4] =	ssyncset.done $0x0  }
0xb: {  	s7 =	simm.s32 $0x200;
	s5 =	sadd.s32 $0x9000, s10;
	[sflag:s4] =	ssyncadd.s32 $0xFFFFFE00  }
0xc: {  	[tilespmem:s7], [sflag:$0x1] =	stream.indirect.gather [hbm4b:s5+s6], $0x80, s2, s6, $0xb8;
	[tilespmem:$0x8200] =	vst v63  }
0xd: {  	s8 =	simm.s32 $0x4200;
	s9 =	simm.s32 $0x1  }
0xe: {  	[tilespmem:s8], [sflag:$0x2] =	stream.indirect.gather [hbm4b:s5+s6], $0x80, s6, s6, $0xb8;
	[tilespmem:$0x8200] =	vst v63  }
0xf: {  	s11 =	sshll.u32 s11, $0x4;
	_ =	swait.ge [sflag:s9], $0x4000  }
0x10: {  	s18 =	sadd.s32 s11, s10;
	[sflag:s9] =	ssyncset.done $0x0  }
0x11: {  	s10 =	simm.s32 $0x3;
	s11 =	sadd.s32 $0x29000, s18;
	[sflag:s9] =	ssyncadd.s32 $0xFFFFC000  }
0x12: {  	[hbm4b:s11+s2] =	stream.linear.scatter [tilespmem:s7], [sflag:$0x3], $0x4000, $0x38;
	[tilespmem:$0x8200] =	vst v63  }
0x13: {  	_ =	swait.ge [sflag:s10], $0x4000  }
0x14: {  	[sflag:s10] =	ssyncset.done $0x0  }
0x15: {  	s12 =	simm.s32 $0x100;
	s13 =	simm.s32 $0x2;
	[sflag:s10] =	ssyncadd.s32 $0xFFFFC000  }
0x16: {  	[tilespmem:s7], [sflag:$0x1] =	stream.indirect.gather [hbm4b:s5+s6], $0x80, s12, s6, $0xb8;
	[tilespmem:$0x8200] =	vst v63  }
0x17: {  	_ =	swait.ge [sflag:s13], $0x4000  }
0x18: {  	[sflag:s13] =	ssyncset.done $0x0  }
0x19: {  	s14 =	sadd.s32 $0x29800, s18;
	[sflag:s13] =	ssyncadd.s32 $0xFFFFC000  }
0x1a: {  	[hbm4b:s14+s2] =	stream.linear.scatter [tilespmem:s8], [sflag:$0x3], $0x4000, $0x38;
	[tilespmem:$0x8200] =	vst v63  }
0x1b: {  	_ =	swait.ge [sflag:s10], $0x4000  }
0x1c: {  	[sflag:s10] =	ssyncset.done $0x0  }
0x1d: {  	s15 =	simm.s32 $0x180;
	[sflag:s10] =	ssyncadd.s32 $0xFFFFC000  }
0x1e: {  	[tilespmem:s8], [sflag:$0x2] =	stream.indirect.gather [hbm4b:s5+s6], $0x80, s15, s6, $0xb8;
	[tilespmem:$0x8200] =	vst v63  }
0x1f: {  	_ =	swait.ge [sflag:s9], $0x4000  }
0x20: {  	s19 =	ssub.s32 $0x2, s17;
	[sflag:s9] =	ssyncset.done $0x0  }
0x21: {  	s31 =	sshrl.u32 s19, $0x1;
	s16 =	sadd.s32 $0x2A000, s18;
	[sflag:s9] =	ssyncadd.s32 $0xFFFFC000  }
0x22: {  	[hbm4b:s16+s2] =	stream.linear.scatter [tilespmem:s7], [sflag:$0x3], $0x4000, $0x38;
	[tilespmem:$0x8200] =	vst v63  }
0x23: {  	s17 =	sadd.s32 $0x2A800, s18;
	s18 =	ssub.s32 s19, s31;
	_ =	swait.ge [sflag:s13], $0x4000  }
0x24: {  	s18 =	smax.u32 s18, $0x1;
	[sflag:s13] =	ssyncset.done $0x0  }
0x25: {  	p0 =	sne.s32 s18, $0x1;
	[sflag:s13] =	ssyncadd.s32 $0xFFFFC000  }
0x26: {  	[hbm4b:s17+s2] =	stream.linear.scatter [tilespmem:s8], [sflag:$0x3], $0x4000, $0x38;
	[tilespmem:$0x8200] =	vst v63  }
.Ltmp0:
0x27: {  	_ =	swait.ge [sflag:s10], $0x4000;
	(pc) =	sbr.rel @!p0 .LBB2_2-.Ltmp0, $4  }
0x28: {  	[sflag:s10] =	ssyncset.done $0x0  }
0x29: {  	[sflag:s10] =	ssyncadd.s32 $0xFFFFC000  }
0x2a: {  	_ =	swait.ge [sflag:s10], $0x4000  }
0x2b: {  	s18 =	sadd.s32 $0xFFFFFFFF, s18;
	[sflag:s10] =	ssyncset.done $0x0  }
.LBB2_1:
0x2c: {  	p0 =	sne.s32 s18, $0x1;
	s18 =	sadd.s32 $0xFFFFFFFF, s18;
	[sflag:s10] =	ssyncadd.s32 $0xFFFFC000  }
0x2d: {  	[tilespmem:s2], [sflag:$0x4] =	stream.linear.gather [hbm4b:s3+s2], $0x200, $0x38;
	[tilespmem:$0x8200] =	vst v63  }
0x2e: {  	_ =	swait.ge [sflag:s4], $0x200  }
0x2f: {  	[sflag:s4] =	ssyncset.done $0x0  }
0x30: {  	[sflag:s4] =	ssyncadd.s32 $0xFFFFFE00  }
0x31: {  	[tilespmem:s7], [sflag:$0x1] =	stream.indirect.gather [hbm4b:s5+s6], $0x80, s2, s6, $0xb8;
	[tilespmem:$0x8200] =	vst v63  }
0x32: {  	_ = 	snop  }
0x33: {  	[tilespmem:s8], [sflag:$0x2] =	stream.indirect.gather [hbm4b:s5+s6], $0x80, s6, s6, $0xb8;
	[tilespmem:$0x8200] =	vst v63  }
0x34: {  	_ =	swait.ge [sflag:s9], $0x4000  }
0x35: {  	[sflag:s9] =	ssyncset.done $0x0  }
0x36: {  	[sflag:s9] =	ssyncadd.s32 $0xFFFFC000  }
0x37: {  	[hbm4b:s11+s2] =	stream.linear.scatter [tilespmem:s7], [sflag:$0x3], $0x4000, $0x38;
	[tilespmem:$0x8200] =	vst v63  }
0x38: {  	_ =	swait.ge [sflag:s10], $0x4000  }
0x39: {  	[sflag:s10] =	ssyncset.done $0x0  }
0x3a: {  	[sflag:s10] =	ssyncadd.s32 $0xFFFFC000  }
0x3b: {  	[tilespmem:s7], [sflag:$0x1] =	stream.indirect.gather [hbm4b:s5+s6], $0x80, s12, s6, $0xb8;
	[tilespmem:$0x8200] =	vst v63  }
0x3c: {  	_ =	swait.ge [sflag:s13], $0x4000  }
0x3d: {  	[sflag:s13] =	ssyncset.done $0x0  }
0x3e: {  	[sflag:s13] =	ssyncadd.s32 $0xFFFFC000  }
0x3f: {  	[hbm4b:s14+s2] =	stream.linear.scatter [tilespmem:s8], [sflag:$0x3], $0x4000, $0x38;
	[tilespmem:$0x8200] =	vst v63  }
0x40: {  	_ =	swait.ge [sflag:s10], $0x4000  }
0x41: {  	[sflag:s10] =	ssyncset.done $0x0  }
0x42: {  	[sflag:s10] =	ssyncadd.s32 $0xFFFFC000  }
0x43: {  	[tilespmem:s8], [sflag:$0x2] =	stream.indirect.gather [hbm4b:s5+s6], $0x80, s15, s6, $0xb8;
	[tilespmem:$0x8200] =	vst v63  }
0x44: {  	_ =	swait.ge [sflag:s9], $0x4000  }
0x45: {  	[sflag:s9] =	ssyncset.done $0x0  }
0x46: {  	[sflag:s9] =	ssyncadd.s32 $0xFFFFC000  }
0x47: {  	[hbm4b:s16+s2] =	stream.linear.scatter [tilespmem:s7], [sflag:$0x3], $0x4000, $0x38;
	[tilespmem:$0x8200] =	vst v63  }
0x48: {  	_ =	swait.ge [sflag:s13], $0x4000  }
0x49: {  	[sflag:s13] =	ssyncset.done $0x0  }
0x4a: {  	[sflag:s13] =	ssyncadd.s32 $0xFFFFC000  }
0x4b: {  	[hbm4b:s17+s2] =	stream.linear.scatter [tilespmem:s8], [sflag:$0x3], $0x4000, $0x38;
	[tilespmem:$0x8200] =	vst v63  }
.Ltmp1:
0x4c: {  	_ =	swait.ge [sflag:s10], $0x4000;
	(pc) =	sbr.rel @p0 .LBB2_1-.Ltmp1, $4  }
0x4d: {  	[sflag:s10] =	ssyncset.done $0x0  }
0x4e: {  	[sflag:s10] =	ssyncadd.s32 $0xFFFFC000  }
0x4f: {  	_ =	swait.ge [sflag:s10], $0x4000  }
0x50: {  	[sflag:s10] =	ssyncset.done $0x0  }
.LBB2_2:
0x51: {  	[sflag:s10] =	ssyncadd.s32 $0xFFFFC000  }
0x52: {  	_ =	sfence.sel $0x180000  }
0x53: {  	[bflag:$0x0] =	sbarrier.arrive $0xFFFF  }
0x54: {  	p0 =	sne.s32 s0, $0x0;
	_ =	strace $0x9000004D  }
0x55: {  	s0 =	sadd.s32 @!p0 $0x100000, s1;
	[bflag:$0x2] =	sbarrier.arrive $0xFFFF  }
0x56: {  	[sflag:s0] =	ssyncadd.tile.s32 @!p0 $0x1;
	_ =	shalt  }
.Lfunc_end2:
_tile_overlayer_lowered:
.L_overlay_start_2:
0x57: {  	(tag) =	ssettag $0x2  }
0x58: {  	s0 =	rddreg [dreg:$0x0];
	s2 =	stileid.u32  }
0x59: {  	s1 =	rddreg [dreg:$0x1];
	p0 =	sne.s32 s2, $0x0  }
0x5a: {  	s3 =	rddreg [dreg:$0x2];
	[bflag:$0x3] =	sbarrier.arrive $0xFFFF;
	s2 =	simm.s32 @!p0 $0x1C04  }
0x5b: {  	[timem:s3], [sflag:s2] =	dma.local @!p0 [hbm:s0], s1  }
0x5c: {  	s0 =	simm.s32 @!p0 $0x4  }
0x5d: {  	_ =	swait.ge @!p0 [sflag:s0], s1  }
0x5e: {  	s1 =	ssub.s32 @!p0 $0x0, s1;
	[sflag:s0] =	ssyncset.done @!p0 $0x0  }
0x5f: {  	[sflag:s0] =	ssyncadd.s32 @!p0 s1  }
0x60: {  	[bflag:$0x3] =	sbarrier.arrive $0xFFFF  }
0x61: {  	_ =	shalt  }

// kernel: kernel.20.cloned.1.call-start
scs
__scs_entry_jumppad:
0x0: {  	(pc) =	sbr.rel $0x88, $3  }
0x1: {  	(tag) =	ssettag $0x0;
	lr =	simm.s32 $0x1  }
0x2: {  	[smem:$0x3F8A] =	sst lr;
	_ =	strace $0xD0000000  }
0x3: {  	_ = 	snop  }
0x4: {  	_ = 	snop  }
0x5: {  	_ = 	snop  }
0x6: {  	_ = 	snop  }
0x7: {  	_ = 	snop  }
__scs_overlays_trampoline_lowered:
0x8: {  	[smem:$0x3F99] =	sst s0  }
0x9: {  	[smem:$0x3F9A] =	sst s1  }
0xa: {  	[smem:$0x3F9B] =	sst s2  }
0xb: {  	[smem:$0x3F9C] =	sst s3  }
0xc: {  	[smem:$0x3F9D] =	sst s4  }
0xd: {  	[smem:$0x3F9E] =	sst s5  }
0xe: {  	[smem:$0x3F9F] =	sst s6  }
0xf: {  	[smem:$0x3FA0] =	sst s7  }
0x10: {  	[smem:$0x3FA1] =	sst s8  }
0x11: {  	[smem:$0x3FA2] =	sst s9;
	s0 =	simm.s32 @!p0 $0x0  }
0x12: {  	s1 =	sld [smem:$0x3F88];
	s0 =	simm.s32 @p0 $0x1  }
0x13: {  	[smem:$0x3FA3] =	sst s0;
	s0 =	simm.s32 @!p1 $0x0  }
0x14: {  	s2 =	sld [smem:$0x3F87];
	s0 =	simm.s32 @p1 $0x1  }
0x15: {  	[smem:$0x3FA4] =	sst s0;
	s0 =	simm.s32 @!p2 $0x0  }
0x16: {  	s3 =	sld [smem:$0x3FDB];
	s0 =	simm.s32 @p2 $0x1  }
0x17: {  	s4 =	simm.s32 $0x1BF5;
	[smem:$0x3FA6] =	sst s0  }
0x18: {  	s0 =	sld [smem:$0x3F89];
	_ =	swait.ge [sflag:s4], $0x0  }
0x19: {  	s7 =	sld [smem:$0x3F8A]  }
0x1a: {  	s8 =	sadd.s32 $0xFFFFE003, lr  }
0x1b: {  	s9 =	sadd.s32 $0xFFFFFEF7, lr;
	s5 =	simm.s32 $0xFFFFFFFF;
	p2 =	slt.u32 s8, $0xFFFFF086  }
0x1c: {  	p1 =	slt.u32 s9, $0xF7A;
	s5 =	simm.s32 @!p2 $0x0  }
0x1d: {  	s5 =	simm.s32 @p1 $0x1;
	p0 =	seq.s32 s7, s2  }
0x1e: {  	s7 =	smul.u32 @!p0 $0xF7A, s2;
	p2 =	seq.s32 @!p0 s5, $0x0  }
0x1f: {  	s9 =	smul.u32 $0xF7A, s1;
	s8 =	simm.s32 @!p0 $0x1BF5;
	p2 =	por !p2, p0  }
0x20: {  	[sflag:s8] =	ssyncset.s32 @!p0 $0xFFFFF086;
	s6 =	sadd.s32 @!p0 s3, s7;
	s7 =	simm.s32 @!p0 $0x108  }
0x21: {  	s3 =	sadd.s32 s3, s9;
	s6 =	sadd.s32 @!p0 $0x88, s6;
	s7 =	simm.s32 @p2 $0x1082  }
0x22: {  	[simem:s7], [sflag:s8] =	dma.local @!p0 [hbm:s6], $0xF7A  }
0x23: {  	s9 =	sor.u32 $0xD0000000, s2;
	s6 =	simm.s32 $0x108;
	_ =	swait.ge @!p0 [sflag:s8], $0x0  }
0x24: {  	s3 =	sadd.s32 $0x88, s3;
	s6 =	simm.s32 @!p1 $0x1082;
	[sflag:s4] =	ssyncset.s32 $0xFFFFF086  }
0x25: {  	[simem:s6], [sflag:s4] =	dma.local [hbm:s3], $0xF7A  }
0x26: {  	[smem:$0x3F8A] =	sst s1;
	(tag) =	ssettag s2;
	_ =	strace s9  }
0x27: {  	s1 =	sld [smem:$0x3F9A]  }
0x28: {  	s2 =	sld [smem:$0x3F9B]  }
0x29: {  	s4 =	sld [smem:$0x3F9D]  }
0x2a: {  	p0 =	seq.s32 s5, $0x0;
	s5 =	sld [smem:$0x3F9E]  }
0x2b: {  	s6 =	sld [smem:$0x3F9F]  }
0x2c: {  	s7 =	sld [smem:$0x3FA0]  }
0x2d: {  	s3 =	simm.s32 $0x108;
	s8 =	sld [smem:$0x3FA1]  }
0x2e: {  	s3 =	simm.s32 @!p0 $0x1082;
	s9 =	sld [smem:$0x3FA2]  }
0x2f: {  	lr =	sadd.s32 s0, s3;
	s0 =	sld [smem:$0x3F99]  }
0x30: {  	s3 =	sld [smem:$0x3F9C]  }
0x31: {  	[smem:$0x3FA5] =	sst s10  }
0x32: {  	s10 =	sld [smem:$0x3FA3];
	_ =	sdelay $0x3  }
0x33: {  	p0 =	seq.s32 s10, $0x1;
	s10 =	sld [smem:$0x3FA5];
	_ =	sdelay $0x3  }
0x34: {  	[smem:$0x3FA5] =	sst s10  }
0x35: {  	s10 =	sld [smem:$0x3FA4];
	_ =	sdelay $0x3  }
0x36: {  	p1 =	seq.s32 s10, $0x1;
	s10 =	sld [smem:$0x3FA5];
	_ =	sdelay $0x3  }
0x37: {  	[smem:$0x3FA5] =	sst s10  }
0x38: {  	s10 =	sld [smem:$0x3FA6]  }
0x39: {  	_ = 	snop;
	(pc) =	sbr.ind lr, $3  }
0x3a: {  	_ = 	snop  }
0x3b: {  	_ = 	snop  }
0x3c: {  	p2 =	seq.s32 s10, $0x1;
	s10 =	sld [smem:$0x3FA5]  }
0x3d: {  	_ =	shalt  }
0x3e: {  	_ =	shalt  }
0x3f: {  	_ =	shalt  }
0x40: {  	_ =	shalt  }
0x41: {  	_ =	shalt  }
0x42: {  	_ =	shalt  }
0x43: {  	_ =	shalt  }
0x44: {  	_ =	shalt  }
0x45: {  	_ =	shalt  }
0x46: {  	_ =	shalt  }
0x47: {  	_ =	shalt  }
0x48: {  	_ =	shalt  }
0x49: {  	_ =	shalt  }
0x4a: {  	_ =	shalt  }
0x4b: {  	_ =	shalt  }
0x4c: {  	_ =	shalt  }
0x4d: {  	_ =	shalt  }
0x4e: {  	_ =	shalt  }
0x4f: {  	_ =	shalt  }
0x50: {  	_ =	shalt  }
0x51: {  	_ =	shalt  }
0x52: {  	_ =	shalt  }
0x53: {  	_ =	shalt  }
0x54: {  	_ =	shalt  }
0x55: {  	_ =	shalt  }
0x56: {  	_ =	shalt  }
0x57: {  	_ =	shalt  }
0x58: {  	_ =	shalt  }
0x59: {  	_ =	shalt  }
0x5a: {  	_ =	shalt  }
0x5b: {  	_ =	shalt  }
0x5c: {  	_ =	shalt  }
0x5d: {  	_ =	shalt  }
0x5e: {  	_ =	shalt  }
0x5f: {  	_ =	shalt  }
0x60: {  	_ =	shalt  }
0x61: {  	_ =	shalt  }
0x62: {  	_ =	shalt  }
0x63: {  	_ =	shalt  }
0x64: {  	_ =	shalt  }
0x65: {  	_ =	shalt  }
0x66: {  	_ =	shalt  }
0x67: {  	_ =	shalt  }
0x68: {  	_ =	shalt  }
0x69: {  	_ =	shalt  }
0x6a: {  	_ =	shalt  }
0x6b: {  	_ =	shalt  }
0x6c: {  	_ =	shalt  }
0x6d: {  	_ =	shalt  }
0x6e: {  	_ =	shalt  }
0x6f: {  	_ =	shalt  }
0x70: {  	_ =	shalt  }
0x71: {  	_ =	shalt  }
0x72: {  	_ =	shalt  }
0x73: {  	_ =	shalt  }
0x74: {  	_ =	shalt  }
0x75: {  	_ =	shalt  }
0x76: {  	_ =	shalt  }
0x77: {  	_ =	shalt  }
0x78: {  	_ =	shalt  }
0x79: {  	_ =	shalt  }
0x7a: {  	_ =	shalt  }
0x7b: {  	_ =	shalt  }
0x7c: {  	_ =	shalt  }
0x7d: {  	_ =	shalt  }
0x7e: {  	_ =	shalt  }
0x7f: {  	_ =	shalt  }
0x80: {  	_ =	shalt  }
0x81: {  	_ =	shalt  }
0x82: {  	_ =	shalt  }
0x83: {  	_ =	shalt  }
0x84: {  	_ =	shalt  }
0x85: {  	_ =	shalt  }
0x86: {  	_ =	shalt  }
0x87: {  	_ =	shalt  }
.Lfunc_end0:
.L_simem_size_0:
called_computation.3_lowered:
.L_overlay_start_0:
0x88: {  	s2 =	sld [smem:$0x3FD9]  }
0x89: {  	s3 =	sld [smem:$0x3FFE];
	_ =	sdelay $0x1  }
0x8a: {  	s1 =	srdreg.scid  }
0x8b: {  	s0 =	sand.u32 $0x1, s1  }
0x8c: {  	s16 =	sshll.u32 s0, $0xA;
	s2 =	sadd.s32 s3, s2  }
0x8d: {  	s2 =	sadd.s32 s2, s16  }
0x8e: {  	[smem:$0x3FB1] =	sst s2  }
0x8f: {  	_ = 	snop  }
0x90: {  	(tm) =	ssettm $0x1  }
0x91: {  	s17 =	sld [smem:$0x3FFB];
	_ =	sdelay $0x3  }
0x92: {  	_ =	strace s17  }
0x93: {  	s2 =	sld [smem:$0x3FFC];
	_ =	sdelay $0x3  }
0x94: {  	_ =	strace s2  }
0x95: {  	s2 =	sld [smem:$0x3FFD];
	_ =	sdelay $0x3  }
0x96: {  	_ =	strace s2  }
0x97: {  	_ =	strace $0x8FFFFFFF  }
0x98: {  	s18 =	sld [smem:$0x3FDB];
	_ =	sdelay $0x1  }
0x99: {  	s19 =	simm.s32 $_scs_section_size  }
0x9a: {  	s4 =	simm.s32 $_size__tile_overlayer_lowered;
	s5 =	simm.s32 $_tile_overlayer_lowered  }
0x9b: {  	s22 =	simm.s32 $0x1BFF;
	s21 =	sshll.u32 s5, $0x1;
	s2 =	sadd.s32 s19, s18  }
0x9c: {  	s6 =	simm.s32 $0x0;
	s20 =	sshll.u32 s4, $0x1;
	s4 =	sadd.s32 s21, s2  }
0x9d: {  	[timem:s6], [sflag:s22] =	dma.local [hbm:s4], s20  }
0x9e: {  	_ =	swait.ge [sflag:s22], s20  }
0x9f: {  	s3 =	ssub.s32 $0x0, s20;
	[sflag:s22] =	ssyncset.done $0x0  }
0xa0: {  	[sflag:s22] =	ssyncadd.s32 s3;
	_ =	sdelay $0x1  }
0xa1: {  	s23 =	simm.s32 $0x1B8B  }
0xa2: {  	_ =	swait.ge [sflag:s23], $0x1  }
0xa3: {  	[sflag:s23] =	ssyncset.done $0x0  }
0xa4: {  	s25 =	simm.s32 $0x1B8E;
	s24 =	sld [smem:$0x3FFE];
	[sflag:s23] =	ssyncadd.s32 $0xFFFFFFFF  }
0xa5: {  	s26 =	simm.s32 $execute0_lowered;
	[smem:$0x3FD2] =	sst s25  }
0xa6: {  	s4 =	sshll.u32 s26, $0x1;
	_ =	strace $0x8000004F;
	[dreg:$0x1] =	wrdreg $0xFFFFFFFF  }
0xa7: {  	s28 =	simm.s32 $_size_execute0_lowered;
	s2 =	sadd.s32 s2, s4;
	[dreg:$0x0] =	wrdreg $0x0  }
0xa8: {  	s4 =	sshll.u32 s28, $0x1;
	[dreg:$0x2] =	wrdreg s2  }
0xa9: {  	[dreg:$0x3] =	wrdreg s4  }
0xaa: {  	[dreg:$0x4] =	wrdreg $0xC0  }
0xab: {  	_ =	task [dreg:s6], $0x5FFFF  }
0xac: {  	[dreg:$0x1] =	wrdreg $0xFFFFFFFF  }
0xad: {  	[dreg:$0x0] =	wrdreg $0x60  }
0xae: {  	[dreg:$0x2] =	wrdreg s24  }
0xaf: {  	[dreg:$0x3] =	wrdreg $0x9  }
0xb0: {  	_ =	task.clear_ibuf [dreg:s6], $0x4FFFF;
	_ =	strace $0x9000004F  }
0xb1: {  	s29 =	simm.s32 $0x9;
	_ =	strace $0x80000051  }
0xb2: {  	_ =	swait.ge [sflag:s29], $0x1  }
0xb3: {  	[sflag:s29] =	ssyncadd.s32 $0xFFFFFFFF  }
0xb4: {  	_ =	strace $0x90000051  }
0xb5: {  	_ =	sfence  }
0xb6: {  	s30 =	sld [smem:$0x0];
	_ =	sdelay $0x2  }
0xb7: {  	s31 =	sshll.u32 s1, $0xD;
	s1 =	sshrl.u32 s1, $0x2  }
0xb8: {  	s3 =	sand.u32 $0x4000, s31;
	s1 =	sadd.s32 s1, s30  }
0xb9: {  	s0 =	sor.u32 s3, s0;
	s1 =	sshll.u32 s1, $0x11  }
0xba: {  	s0 =	sor.u32 s1, s0  }
0xbb: {  	s0 =	sadd.s32 $0x8F2B, s0  }
0xbc: {  	[sflag:s0] =	ssyncadd.remote.s32 $0x1  }
0xbd: {  	_ =	sfence.sel $0xFFFF  }
0xbe: {  	[dreg:$0x0] =	wrdreg $0xFFFFFFFF;
	(pc) =	sbr.abs _section_cstart, $3  }
0xbf: {  	[dreg:$0x1] =	wrdreg $0xFFFFFFFF  }
0xc0: {  	_ =	task.clear_ibuf [dreg:s6], $0x2FFFF;
	_ =	strace $0x9FFFFFFF  }
0xc1: {  	(tm) =	ssettm $0x7FFFFFFF  }
tec
execute0_lowered:
.L_overlay_start_1:
0x0: {  	(tag) =	ssettag $0x1  }
0x1: {  	s1 =	srdreg.scid  }
0x2: {  	s0 =	stileid.u32;
	s17 =	sand.u32 $0x1, s1  }
0x3: {  	s30 =	sshll.u32 s0, $0xA;
	s2 =	sshll.u32 s17, $0x9  }
0x4: {  	s11 =	sor.u32 s2, s30  }
0x5: {  	s10 =	rddreg [dreg:$0x0];
	s2 =	simm.s32 $0x0;
	s3 =	sshrl.u32 s11, $0x3  }
0x6: {  	s4 =	simm.s32 $0x4;
	[smem:$0x7FF] =	sst s2;
	s3 =	sadd.s32 s3, s10  }
0x7: {  	s1 =	rddreg [dreg:$0x1];
	_ =	strace $0x80000050;
	s3 =	sadd.s32 $0x8800, s3  }
0x8: {  	[tilespmem:s2], [sflag:$0x4] =	stream.linear.gather [hbm4b:s3+s2], $0x200, $0x38;
	[tilespmem:$0x8200] =	vst v63  }
0x9: {  	_ =	swait.ge [sflag:s4], $0x200  }
0xa: {  	s6 =	simm.s32 $0x80;
	[sflag:s4] =	ssyncset.done $0x0  }
0xb: {  	s7 =	simm.s32 $0x200;
	s5 =	sadd.s32 $0x9000, s10;
	[sflag:s4] =	ssyncadd.s32 $0xFFFFFE00  }
0xc: {  	[tilespmem:s7], [sflag:$0x1] =	stream.indirect.gather [hbm4b:s5+s6], $0x80, s2, s6, $0xb8;
	[tilespmem:$0x8200] =	vst v63  }
0xd: {  	s8 =	simm.s32 $0x4200;
	s9 =	simm.s32 $0x1  }
0xe: {  	[tilespmem:s8], [sflag:$0x2] =	stream.indirect.gather [hbm4b:s5+s6], $0x80, s6, s6, $0xb8;
	[tilespmem:$0x8200] =	vst v63  }
0xf: {  	s11 =	sshll.u32 s11, $0x4;
	_ =	swait.ge [sflag:s9], $0x4000  }
0x10: {  	s18 =	sadd.s32 s11, s10;
	[sflag:s9] =	ssyncset.done $0x0  }
0x11: {  	s10 =	simm.s32 $0x3;
	s11 =	sadd.s32 $0x29000, s18;
	[sflag:s9] =	ssyncadd.s32 $0xFFFFC000  }
0x12: {  	[hbm4b:s11+s2] =	stream.linear.scatter [tilespmem:s7], [sflag:$0x3], $0x4000, $0x38;
	[tilespmem:$0x8200] =	vst v63  }
0x13: {  	_ =	swait.ge [sflag:s10], $0x4000  }
0x14: {  	[sflag:s10] =	ssyncset.done $0x0  }
0x15: {  	s12 =	simm.s32 $0x100;
	s13 =	simm.s32 $0x2;
	[sflag:s10] =	ssyncadd.s32 $0xFFFFC000  }
0x16: {  	[tilespmem:s7], [sflag:$0x1] =	stream.indirect.gather [hbm4b:s5+s6], $0x80, s12, s6, $0xb8;
	[tilespmem:$0x8200] =	vst v63  }
0x17: {  	_ =	swait.ge [sflag:s13], $0x4000  }
0x18: {  	[sflag:s13] =	ssyncset.done $0x0  }
0x19: {  	s14 =	sadd.s32 $0x29800, s18;
	[sflag:s13] =	ssyncadd.s32 $0xFFFFC000  }
0x1a: {  	[hbm4b:s14+s2] =	stream.linear.scatter [tilespmem:s8], [sflag:$0x3], $0x4000, $0x38;
	[tilespmem:$0x8200] =	vst v63  }
0x1b: {  	_ =	swait.ge [sflag:s10], $0x4000  }
0x1c: {  	[sflag:s10] =	ssyncset.done $0x0  }
0x1d: {  	s15 =	simm.s32 $0x180;
	[sflag:s10] =	ssyncadd.s32 $0xFFFFC000  }
0x1e: {  	[tilespmem:s8], [sflag:$0x2] =	stream.indirect.gather [hbm4b:s5+s6], $0x80, s15, s6, $0xb8;
	[tilespmem:$0x8200] =	vst v63  }
0x1f: {  	_ =	swait.ge [sflag:s9], $0x4000  }
0x20: {  	s19 =	ssub.s32 $0x2, s17;
	[sflag:s9] =	ssyncset.done $0x0  }
0x21: {  	s31 =	sshrl.u32 s19, $0x1;
	s16 =	sadd.s32 $0x2A000, s18;
	[sflag:s9] =	ssyncadd.s32 $0xFFFFC000  }
0x22: {  	[hbm4b:s16+s2] =	stream.linear.scatter [tilespmem:s7], [sflag:$0x3], $0x4000, $0x38;
	[tilespmem:$0x8200] =	vst v63  }
0x23: {  	s17 =	sadd.s32 $0x2A800, s18;
	s18 =	ssub.s32 s19, s31;
	_ =	swait.ge [sflag:s13], $0x4000  }
0x24: {  	s18 =	smax.u32 s18, $0x1;
	[sflag:s13] =	ssyncset.done $0x0  }
0x25: {  	p0 =	sne.s32 s18, $0x1;
	[sflag:s13] =	ssyncadd.s32 $0xFFFFC000  }
0x26: {  	[hbm4b:s17+s2] =	stream.linear.scatter [tilespmem:s8], [sflag:$0x3], $0x4000, $0x38;
	[tilespmem:$0x8200] =	vst v63  }
.Ltmp0:
0x27: {  	_ =	swait.ge [sflag:s10], $0x4000;
	(pc) =	sbr.rel @!p0 .LBB2_2-.Ltmp0, $4  }
0x28: {  	[sflag:s10] =	ssyncset.done $0x0  }
0x29: {  	[sflag:s10] =	ssyncadd.s32 $0xFFFFC000  }
0x2a: {  	_ =	swait.ge [sflag:s10], $0x4000  }
0x2b: {  	s18 =	sadd.s32 $0xFFFFFFFF, s18;
	[sflag:s10] =	ssyncset.done $0x0  }
.LBB2_1:
0x2c: {  	p0 =	sne.s32 s18, $0x1;
	s18 =	sadd.s32 $0xFFFFFFFF, s18;
	[sflag:s10] =	ssyncadd.s32 $0xFFFFC000  }
0x2d: {  	[tilespmem:s2], [sflag:$0x4] =	stream.linear.gather [hbm4b:s3+s2], $0x200, $0x38;
	[tilespmem:$0x8200] =	vst v63  }
0x2e: {  	_ =	swait.ge [sflag:s4], $0x200  }
0x2f: {  	[sflag:s4] =	ssyncset.done $0x0  }
0x30: {  	[sflag:s4] =	ssyncadd.s32 $0xFFFFFE00  }
0x31: {  	[tilespmem:s7], [sflag:$0x1] =	stream.indirect.gather [hbm4b:s5+s6], $0x80, s2, s6, $0xb8;
	[tilespmem:$0x8200] =	vst v63  }
0x32: {  	_ = 	snop  }
0x33: {  	[tilespmem:s8], [sflag:$0x2] =	stream.indirect.gather [hbm4b:s5+s6], $0x80, s6, s6, $0xb8;
	[tilespmem:$0x8200] =	vst v63  }
0x34: {  	_ =	swait.ge [sflag:s9], $0x4000  }
0x35: {  	[sflag:s9] =	ssyncset.done $0x0  }
0x36: {  	[sflag:s9] =	ssyncadd.s32 $0xFFFFC000  }
0x37: {  	[hbm4b:s11+s2] =	stream.linear.scatter [tilespmem:s7], [sflag:$0x3], $0x4000, $0x38;
	[tilespmem:$0x8200] =	vst v63  }
0x38: {  	_ =	swait.ge [sflag:s10], $0x4000  }
0x39: {  	[sflag:s10] =	ssyncset.done $0x0  }
0x3a: {  	[sflag:s10] =	ssyncadd.s32 $0xFFFFC000  }
0x3b: {  	[tilespmem:s7], [sflag:$0x1] =	stream.indirect.gather [hbm4b:s5+s6], $0x80, s12, s6, $0xb8;
	[tilespmem:$0x8200] =	vst v63  }
0x3c: {  	_ =	swait.ge [sflag:s13], $0x4000  }
0x3d: {  	[sflag:s13] =	ssyncset.done $0x0  }
0x3e: {  	[sflag:s13] =	ssyncadd.s32 $0xFFFFC000  }
0x3f: {  	[hbm4b:s14+s2] =	stream.linear.scatter [tilespmem:s8], [sflag:$0x3], $0x4000, $0x38;
	[tilespmem:$0x8200] =	vst v63  }
0x40: {  	_ =	swait.ge [sflag:s10], $0x4000  }
0x41: {  	[sflag:s10] =	ssyncset.done $0x0  }
0x42: {  	[sflag:s10] =	ssyncadd.s32 $0xFFFFC000  }
0x43: {  	[tilespmem:s8], [sflag:$0x2] =	stream.indirect.gather [hbm4b:s5+s6], $0x80, s15, s6, $0xb8;
	[tilespmem:$0x8200] =	vst v63  }
0x44: {  	_ =	swait.ge [sflag:s9], $0x4000  }
0x45: {  	[sflag:s9] =	ssyncset.done $0x0  }
0x46: {  	[sflag:s9] =	ssyncadd.s32 $0xFFFFC000  }
0x47: {  	[hbm4b:s16+s2] =	stream.linear.scatter [tilespmem:s7], [sflag:$0x3], $0x4000, $0x38;
	[tilespmem:$0x8200] =	vst v63  }
0x48: {  	_ =	swait.ge [sflag:s13], $0x4000  }
0x49: {  	[sflag:s13] =	ssyncset.done $0x0  }
0x4a: {  	[sflag:s13] =	ssyncadd.s32 $0xFFFFC000  }
0x4b: {  	[hbm4b:s17+s2] =	stream.linear.scatter [tilespmem:s8], [sflag:$0x3], $0x4000, $0x38;
	[tilespmem:$0x8200] =	vst v63  }
.Ltmp1:
0x4c: {  	_ =	swait.ge [sflag:s10], $0x4000;
	(pc) =	sbr.rel @p0 .LBB2_1-.Ltmp1, $4  }
0x4d: {  	[sflag:s10] =	ssyncset.done $0x0  }
0x4e: {  	[sflag:s10] =	ssyncadd.s32 $0xFFFFC000  }
0x4f: {  	_ =	swait.ge [sflag:s10], $0x4000  }
0x50: {  	[sflag:s10] =	ssyncset.done $0x0  }
.LBB2_2:
0x51: {  	[sflag:s10] =	ssyncadd.s32 $0xFFFFC000  }
0x52: {  	_ =	sfence.sel $0x180000  }
0x53: {  	[bflag:$0x0] =	sbarrier.arrive $0xFFFF  }
0x54: {  	p0 =	sne.s32 s0, $0x0;
	_ =	strace $0x90000050  }
0x55: {  	s0 =	sadd.s32 @!p0 $0x100000, s1;
	[bflag:$0x2] =	sbarrier.arrive $0xFFFF  }
0x56: {  	[sflag:s0] =	ssyncadd.tile.s32 @!p0 $0x1;
	_ =	shalt  }
.Lfunc_end2:
_tile_overlayer_lowered:
.L_overlay_start_2:
0x57: {  	(tag) =	ssettag $0x2  }
0x58: {  	s0 =	rddreg [dreg:$0x0];
	s2 =	stileid.u32  }
0x59: {  	s1 =	rddreg [dreg:$0x1];
	p0 =	sne.s32 s2, $0x0  }
0x5a: {  	s3 =	rddreg [dreg:$0x2];
	[bflag:$0x3] =	sbarrier.arrive $0xFFFF;
	s2 =	simm.s32 @!p0 $0x1C04  }
0x5b: {  	[timem:s3], [sflag:s2] =	dma.local @!p0 [hbm:s0], s1  }
0x5c: {  	s0 =	simm.s32 @!p0 $0x4  }
0x5d: {  	_ =	swait.ge @!p0 [sflag:s0], s1  }
0x5e: {  	s1 =	ssub.s32 @!p0 $0x0, s1;
	[sflag:s0] =	ssyncset.done @!p0 $0x0  }
0x5f: {  	[sflag:s0] =	ssyncadd.s32 @!p0 s1  }
0x60: {  	[bflag:$0x3] =	sbarrier.arrive $0xFFFF  }
0x61: {  	_ =	shalt  }

</sc_bundles>
